<compile_context>
chip_gen: v7x
topology: tpu7x:2x2x1
jax: 0.10.2.dev20260603
libtpu: 0.0.44.dev20260713+nightly
codegen_flags: <defaults>
</compile_context>

<pallas_src>
import functools

import jax
import jax.numpy as jnp
from jax import lax
from jax.experimental import pallas as pl
from jax.experimental.pallas import tpu as pltpu
from jax.experimental.pallas import tpu_sc as plsc

_B = 64
_H = 512
_W = 512
_NW = 32
_R = 16
_CPI = _H // _R
_CHUNKS = _B * _CPI // _NW
_GRPS = _R * _W // 16


def _sc_body(x_hbm, colors_hbm, out_hbm, tab_r, tab_g, tab_b, idx_v,
             or_v, og_v, ob_v, isem0, isem1, osem0, osem1):
    isems = (isem0, isem1)
    osems = (osem0, osem1)
    tabs = (tab_r, tab_g, tab_b)
    outs = (or_v, og_v, ob_v)
    wid = lax.axis_index("s") * 2 + lax.axis_index("c")
    base = wid * _CHUNKS

    for c in range(3):
        pltpu.sync_copy(colors_hbm.at[pl.ds(c * 256, 256)], tabs[c])

    def bh(j):
        t = base + j
        b = t // _CPI
        return b, (t - b * _CPI) * _R

    def start_load(j, s):
        b, h0 = bh(j)
        pltpu.make_async_copy(x_hbm.at[b, 0, pl.ds(h0, _R), :],
                              idx_v.at[pl.ds(s * _R, _R), :], isems[s]).start()

    def wait_load(s):
        pltpu.make_async_copy(x_hbm.at[0, 0, pl.ds(0, _R), :],
                              idx_v.at[pl.ds(s * _R, _R), :], isems[s]).wait()

    def compute(s):
        @plsc.parallel_loop(0, _GRPS, unroll=8)
        def grp(g):
            r = s * _R + (g >> 5)
            w0 = (g & 31) * 16
            idx = idx_v[r, pl.ds(w0, 16)]
            idx = jnp.bitwise_and(idx, 255)
            for c in range(3):
                outs[c][r, pl.ds(w0, 16)] = plsc.load_gather(tabs[c], [idx])

    def start_store(j, s):
        b, h0 = bh(j)
        for c in range(3):
            pltpu.make_async_copy(outs[c].at[pl.ds(s * _R, _R), :],
                                  out_hbm.at[b, c, pl.ds(h0, _R), :],
                                  osems[s]).start()

    def wait_store(s):
        for c in range(3):
            pltpu.make_async_copy(outs[c].at[pl.ds(s * _R, _R), :],
                                  out_hbm.at[0, c, pl.ds(0, _R), :],
                                  osems[s]).wait()

    start_load(0, 0)
    start_load(1, 1)
    for s in range(2):
        wait_load(s)
        compute(s)
        start_store(s, s)
        start_load(s + 2, s)

    def body(jp, carry):
        for s in range(2):
            j = jp * 2 + s
            wait_load(s)
            wait_store(s)
            compute(s)
            start_store(j, s)
            start_load(j + 2, s)
        return carry

    lax.fori_loop(1, _CHUNKS // 2 - 1, body, 0)

    for s in range(2):
        j = _CHUNKS - 2 + s
        wait_load(s)
        wait_store(s)
        compute(s)
        start_store(j, s)
    for s in range(2):
        wait_store(s)


@jax.jit
def _apply_colormap(x, colors):
    mesh = plsc.VectorSubcoreMesh(core_axis_name="c", subcore_axis_name="s")
    run = functools.partial(
        pl.kernel,
        mesh=mesh,
        out_type=jax.ShapeDtypeStruct((_B, 3, _H, _W), jnp.float32),
        compiler_params=pltpu.CompilerParams(needs_layout_passes=False),
        scratch_types=[
            pltpu.VMEM((256,), jnp.float32),
            pltpu.VMEM((256,), jnp.float32),
            pltpu.VMEM((256,), jnp.float32),
            pltpu.VMEM((2 * _R, _W), jnp.int32),
            pltpu.VMEM((2 * _R, _W), jnp.float32),
            pltpu.VMEM((2 * _R, _W), jnp.float32),
            pltpu.VMEM((2 * _R, _W), jnp.float32),
            pltpu.SemaphoreType.DMA,
            pltpu.SemaphoreType.DMA,
            pltpu.SemaphoreType.DMA,
            pltpu.SemaphoreType.DMA,
        ],
    )(_sc_body)
    return run(x, colors)


def kernel(input_tensor, colors):
    x = input_tensor.astype(jnp.int32)
    return _apply_colormap(x, colors.astype(jnp.float32).reshape(3 * 256))

# --- scband reference (transcript-rebuilt; emitter-appended) ---
"""Pipeline reference for scband-apply-color-map-50173807952936 (READ-ONLY COPY).

The authoritative reference and input builder live on the scoring server;
editing this copy changes nothing except your own understanding.
"""

import jax, jax.numpy as jnp
import numpy as np


def _make_colormap(base, num_colors):
    # Mirrors kornia ColorMap._generate_color_map: torch.nn.functional.interpolate
    # (mode='linear', align_corners=False) over the transposed base colors.
    base = jnp.asarray(base, dtype=jnp.float32).T  # [3, n_base]
    n_in = base.shape[1]
    scale = n_in / num_colors
    x = (jnp.arange(num_colors, dtype=jnp.float32) + 0.5) * scale - 0.5
    x = jnp.clip(x, 0.0, float(n_in - 1))
    x0 = jnp.floor(x).astype(jnp.int32)
    x1 = jnp.minimum(x0 + 1, n_in - 1)
    w = (x - x0.astype(jnp.float32))[None, :]
    return base[:, x0] * (1.0 - w) + base[:, x1] * w  # [3, num_colors]


def setup_inputs(seed: int = 0) -> dict:
    key = jax.random.key(seed)
    # grayscale integer image batch, values in [0, 255]
    input_tensor = jax.random.randint(key, (64, 1, 512, 512), 0, 256).astype(jnp.int64)
    # 'autumn' base colormap: (1,0,0) -> (1,1,0), interpolated to 256 colors
    colors = _make_colormap([[1.0, 0.0, 0.0], [1.0, 1.0, 0.0]], 256)
    return {"input_tensor": input_tensor, "colors": colors}


def reference(input_tensor, colors):
    # apply_colormap: squeeze channel dim [B,1,H,W] -> [B,H,W]
    x = input_tensor[:, 0, :, :]
    num_colors = colors.shape[1]
    # keys = arange(0, len(colormap)-1) in the input dtype
    keys = jnp.arange(0, num_colors - 1, dtype=x.dtype)
    # torch.bucketize(right=False) == searchsorted side='left'
    index = jnp.searchsorted(keys, x, side='left')
    # LUT gather: colors[:, index] -> [3, B, H, W]
    out = colors[:, index]
    # permute(1, 0, -2, -1) -> [B, 3, H, W]
    return jnp.transpose(out, (1, 0, 2, 3))

if __name__ == "__main__":
    import jax
    _d = setup_inputs()
    print(jax.jit(kernel)(*tuple(_d.values())))

</pallas_src>

<mosaic_0001>
#map = affine_map<(d0, d1) -> (0, 0, 0, 0)>
#map1 = affine_map<(d0, d1) -> (0)>
module attributes {stable_mosaic.version = 14 : i64} {
  func.func @_sc_body(%arg0: i32, %arg1: i32, %arg2: memref<64x1x512x512xi32, #tpu.memory_space<hbm>>, %arg3: memref<768xf32, #tpu.memory_space<hbm>>, %arg4: memref<64x3x512x512xf32, #tpu.memory_space<hbm>>, %arg5: memref<256xf32, #tpu.memory_space<vmem>>, %arg6: memref<256xf32, #tpu.memory_space<vmem>>, %arg7: memref<256xf32, #tpu.memory_space<vmem>>, %arg8: memref<32x512xi32, #tpu.memory_space<vmem>>, %arg9: memref<32x512xf32, #tpu.memory_space<vmem>>, %arg10: memref<32x512xf32, #tpu.memory_space<vmem>>, %arg11: memref<32x512xf32, #tpu.memory_space<vmem>>, %arg12: memref<!tpu.dma_semaphore, #tpu.memory_space<semaphore_mem>>, %arg13: memref<!tpu.dma_semaphore, #tpu.memory_space<semaphore_mem>>, %arg14: memref<!tpu.dma_semaphore, #tpu.memory_space<semaphore_mem>>, %arg15: memref<!tpu.dma_semaphore, #tpu.memory_space<semaphore_mem>>) attributes {dimension_semantics = [#tpu.dimension_semantics<core_parallel>, #tpu.dimension_semantics<subcore_parallel>], iteration_bounds = array<i64: 2, 16>, scalar_prefetch = 0 : i64, scratch_operands = 11 : i64, tpu.core_type = #tpu.core_type<sc_vector_subcore>, window_params = [{transform_indices = #map}, {transform_indices = #map1}, {transform_indices = #map}]} {
    %mul3A = arith.constant 2 : i32
    %mul3A_0 = arith.muli %arg1, %mul3A : i32
    %add3A = arith.addi %mul3A_0, %arg0 : i32
    %mul3A_1 = arith.constant 64 : i32
    %mul3A_2 = arith.muli %add3A, %mul3A_1 : i32
    "tpu.region"() ({
      %run_scoped3A = tpu.sem_alloc : memref<!tpu.dma_semaphore, #tpu.memory_space<semaphore_mem>>
      %dma_start3A_721 = arith.constant 0 : i32
      %dma_start3A_722 = tpu.memref_slice %arg3[%dma_start3A_721] : memref<768xf32, #tpu.memory_space<hbm>> -> memref<256xf32, #tpu.memory_space<hbm>>
      %dma_start3A_723 = arith.constant 0 : i32
      %dma_start3A_724 = tpu.memref_slice %arg3[%dma_start3A_723] : memref<768xf32, #tpu.memory_space<hbm>> -> memref<256xf32, #tpu.memory_space<hbm>>
      tpu.enqueue_dma source(%dma_start3A_724 : memref<256xf32, #tpu.memory_space<hbm>>) target(%arg5 : memref<256xf32, #tpu.memory_space<vmem>>) target_semaphore(%run_scoped3A : memref<!tpu.dma_semaphore, #tpu.memory_space<semaphore_mem>>)
      %dma_wait3A_725 = arith.constant 0 : i32
      %dma_wait3A_726 = tpu.memref_slice %arg3[%dma_wait3A_725] : memref<768xf32, #tpu.memory_space<hbm>> -> memref<256xf32, #tpu.memory_space<hbm>>
      %dma_wait3A_727 = arith.constant 0 : i32
      %dma_wait3A_728 = tpu.memref_slice %arg3[%dma_wait3A_727] : memref<768xf32, #tpu.memory_space<hbm>> -> memref<256xf32, #tpu.memory_space<hbm>>
      tpu.wait_dma2 semaphore(%run_scoped3A : memref<!tpu.dma_semaphore, #tpu.memory_space<semaphore_mem>>) src(%dma_wait3A_728 : memref<256xf32, #tpu.memory_space<hbm>>) dst(%arg5 : memref<256xf32, #tpu.memory_space<vmem>>)
      tpu.yield
    }) : () -> ()
    "tpu.region"() ({
      %run_scoped3A = tpu.sem_alloc : memref<!tpu.dma_semaphore, #tpu.memory_space<semaphore_mem>>
      %dma_start3A_721 = arith.constant 256 : i32
      %dma_start3A_722 = tpu.memref_slice %arg3[%dma_start3A_721] : memref<768xf32, #tpu.memory_space<hbm>> -> memref<256xf32, #tpu.memory_space<hbm>>
      %dma_start3A_723 = arith.constant 256 : i32
      %dma_start3A_724 = tpu.memref_slice %arg3[%dma_start3A_723] : memref<768xf32, #tpu.memory_space<hbm>> -> memref<256xf32, #tpu.memory_space<hbm>>
      tpu.enqueue_dma source(%dma_start3A_724 : memref<256xf32, #tpu.memory_space<hbm>>) target(%arg6 : memref<256xf32, #tpu.memory_space<vmem>>) target_semaphore(%run_scoped3A : memref<!tpu.dma_semaphore, #tpu.memory_space<semaphore_mem>>)
      %dma_wait3A_725 = arith.constant 256 : i32
      %dma_wait3A_726 = tpu.memref_slice %arg3[%dma_wait3A_725] : memref<768xf32, #tpu.memory_space<hbm>> -> memref<256xf32, #tpu.memory_space<hbm>>
      %dma_wait3A_727 = arith.constant 256 : i32
      %dma_wait3A_728 = tpu.memref_slice %arg3[%dma_wait3A_727] : memref<768xf32, #tpu.memory_space<hbm>> -> memref<256xf32, #tpu.memory_space<hbm>>
      tpu.wait_dma2 semaphore(%run_scoped3A : memref<!tpu.dma_semaphore, #tpu.memory_space<semaphore_mem>>) src(%dma_wait3A_728 : memref<256xf32, #tpu.memory_space<hbm>>) dst(%arg6 : memref<256xf32, #tpu.memory_space<vmem>>)
      tpu.yield
    }) : () -> ()
    "tpu.region"() ({
      %run_scoped3A = tpu.sem_alloc : memref<!tpu.dma_semaphore, #tpu.memory_space<semaphore_mem>>
      %dma_start3A_721 = arith.constant 512 : i32
      %dma_start3A_722 = tpu.memref_slice %arg3[%dma_start3A_721] : memref<768xf32, #tpu.memory_space<hbm>> -> memref<256xf32, #tpu.memory_space<hbm>>
      %dma_start3A_723 = arith.constant 512 : i32
      %dma_start3A_724 = tpu.memref_slice %arg3[%dma_start3A_723] : memref<768xf32, #tpu.memory_space<hbm>> -> memref<256xf32, #tpu.memory_space<hbm>>
      tpu.enqueue_dma source(%dma_start3A_724 : memref<256xf32, #tpu.memory_space<hbm>>) target(%arg7 : memref<256xf32, #tpu.memory_space<vmem>>) target_semaphore(%run_scoped3A : memref<!tpu.dma_semaphore, #tpu.memory_space<semaphore_mem>>)
      %dma_wait3A_725 = arith.constant 512 : i32
      %dma_wait3A_726 = tpu.memref_slice %arg3[%dma_wait3A_725] : memref<768xf32, #tpu.memory_space<hbm>> -> memref<256xf32, #tpu.memory_space<hbm>>
      %dma_wait3A_727 = arith.constant 512 : i32
      %dma_wait3A_728 = tpu.memref_slice %arg3[%dma_wait3A_727] : memref<768xf32, #tpu.memory_space<hbm>> -> memref<256xf32, #tpu.memory_space<hbm>>
      tpu.wait_dma2 semaphore(%run_scoped3A : memref<!tpu.dma_semaphore, #tpu.memory_space<semaphore_mem>>) src(%dma_wait3A_728 : memref<256xf32, #tpu.memory_space<hbm>>) dst(%arg7 : memref<256xf32, #tpu.memory_space<vmem>>)
      tpu.yield
    }) : () -> ()
    %add3A_3 = arith.constant 0 : i32
    %add3A_4 = arith.addi %mul3A_2, %add3A_3 : i32
    %jit3A = arith.constant 32 : i32
    %div3A = arith.divsi %add3A_4, %jit3A : i32
    %sign3A = arith.constant 0 : i32
    %sign3A_5 = arith.cmpi sgt, %add3A_4, %sign3A : i32
    %sign3A_6 = arith.extui %sign3A_5 : i1 to i32
    %sign3A_7 = arith.constant 0 : i32
    %sign3A_8 = arith.cmpi slt, %add3A_4, %sign3A_7 : i32
    %sign3A_9 = arith.extui %sign3A_8 : i1 to i32
    %sign3A_10 = arith.subi %sign3A_6, %sign3A_9 : i32
    %sign3A_11 = arith.constant 0 : i32
    %sign3A_12 = arith.cmpi sgt, %jit3A, %sign3A_11 : i32
    %sign3A_13 = arith.extui %sign3A_12 : i1 to i32
    %sign3A_14 = arith.constant 0 : i32
    %sign3A_15 = arith.cmpi slt, %jit3A, %sign3A_14 : i32
    %sign3A_16 = arith.extui %sign3A_15 : i1 to i32
    %sign3A_17 = arith.subi %sign3A_13, %sign3A_16 : i32
    %ne3A = arith.cmpi ne, %sign3A_10, %sign3A_17 : i32
    %rem3A = arith.remsi %add3A_4, %jit3A : i32
    %ne3A_18 = arith.constant 0 : i32
    %ne3A_19 = arith.cmpi ne, %rem3A, %ne3A_18 : i32
    %and3A = arith.andi %ne3A, %ne3A_19 : i1
    %sub3A = arith.constant 1 : i32
    %sub3A_20 = arith.subi %div3A, %sub3A : i32
    %select_n3A = arith.select %and3A, %sub3A_20, %div3A : i32
    %mul3A_21 = arith.constant 32 : i32
    %mul3A_22 = arith.muli %select_n3A, %mul3A_21 : i32
    %sub3A_23 = arith.subi %add3A_4, %mul3A_22 : i32
    %mul3A_24 = arith.constant 16 : i32
    %mul3A_25 = arith.muli %sub3A_23, %mul3A_24 : i32
    %dma_start3A = arith.constant 0 : i32
    %dma_start3A_26 = arith.constant 0 : i32
    %dma_start3A_27 = arith.constant 0 : i32
    %dma_start3A_28 = tpu.memref_slice %arg8[%dma_start3A_26, %dma_start3A_27] : memref<32x512xi32, #tpu.memory_space<vmem>> -> memref<16x512xi32, #tpu.memory_space<vmem>>
    %dma_start3A_29 = arith.constant 0 : i32
    %dma_start3A_30 = tpu.memref_slice %arg2[%select_n3A, %dma_start3A, %mul3A_25, %dma_start3A_29] : memref<64x1x512x512xi32, #tpu.memory_space<hbm>> -> memref<1x1x16x512xi32, #tpu.memory_space<hbm>>
    %dma_start3A_31 = tpu.memref_squeeze %dma_start3A_30 : memref<1x1x16x512xi32, #tpu.memory_space<hbm>> -> memref<16x512xi32, #tpu.memory_space<hbm>>
    %dma_start3A_32 = arith.constant 0 : i32
    %dma_start3A_33 = arith.constant 0 : i32
    %dma_start3A_34 = tpu.memref_slice %arg8[%dma_start3A_32, %dma_start3A_33] : memref<32x512xi32, #tpu.memory_space<vmem>> -> memref<16x512xi32, #tpu.memory_space<vmem>>
    %dma_start3A_35 = arith.constant 0 : i32
    %dma_start3A_36 = tpu.memref_slice %arg2[%select_n3A, %dma_start3A, %mul3A_25, %dma_start3A_35] : memref<64x1x512x512xi32, #tpu.memory_space<hbm>> -> memref<1x1x16x512xi32, #tpu.memory_space<hbm>>
    %dma_start3A_37 = tpu.memref_squeeze %dma_start3A_36 : memref<1x1x16x512xi32, #tpu.memory_space<hbm>> -> memref<16x512xi32, #tpu.memory_space<hbm>>
    tpu.enqueue_dma source(%dma_start3A_37 : memref<16x512xi32, #tpu.memory_space<hbm>>) target(%dma_start3A_34 : memref<16x512xi32, #tpu.memory_space<vmem>>) target_semaphore(%arg12 : memref<!tpu.dma_semaphore, #tpu.memory_space<semaphore_mem>>)
    %add3A_38 = arith.constant 1 : i32
    %add3A_39 = arith.addi %mul3A_2, %add3A_38 : i32
    %jit3A_40 = arith.constant 32 : i32
    %div3A_41 = arith.divsi %add3A_39, %jit3A_40 : i32
    %sign3A_42 = arith.constant 0 : i32
    %sign3A_43 = arith.cmpi sgt, %add3A_39, %sign3A_42 : i32
    %sign3A_44 = arith.extui %sign3A_43 : i1 to i32
    %sign3A_45 = arith.constant 0 : i32
    %sign3A_46 = arith.cmpi slt, %add3A_39, %sign3A_45 : i32
    %sign3A_47 = arith.extui %sign3A_46 : i1 to i32
    %sign3A_48 = arith.subi %sign3A_44, %sign3A_47 : i32
    %sign3A_49 = arith.constant 0 : i32
    %sign3A_50 = arith.cmpi sgt, %jit3A_40, %sign3A_49 : i32
    %sign3A_51 = arith.extui %sign3A_50 : i1 to i32
    %sign3A_52 = arith.constant 0 : i32
    %sign3A_53 = arith.cmpi slt, %jit3A_40, %sign3A_52 : i32
    %sign3A_54 = arith.extui %sign3A_53 : i1 to i32
    %sign3A_55 = arith.subi %sign3A_51, %sign3A_54 : i32
    %ne3A_56 = arith.cmpi ne, %sign3A_48, %sign3A_55 : i32
    %rem3A_57 = arith.remsi %add3A_39, %jit3A_40 : i32
    %ne3A_58 = arith.constant 0 : i32
    %ne3A_59 = arith.cmpi ne, %rem3A_57, %ne3A_58 : i32
    %and3A_60 = arith.andi %ne3A_56, %ne3A_59 : i1
    %sub3A_61 = arith.constant 1 : i32
    %sub3A_62 = arith.subi %div3A_41, %sub3A_61 : i32
    %select_n3A_63 = arith.select %and3A_60, %sub3A_62, %div3A_41 : i32
    %mul3A_64 = arith.constant 32 : i32
    %mul3A_65 = arith.muli %select_n3A_63, %mul3A_64 : i32
    %sub3A_66 = arith.subi %add3A_39, %mul3A_65 : i32
    %mul3A_67 = arith.constant 16 : i32
    %mul3A_68 = arith.muli %sub3A_66, %mul3A_67 : i32
    %dma_start3A_69 = arith.constant 0 : i32
    %dma_start3A_70 = arith.constant 16 : i32
    %dma_start3A_71 = arith.constant 0 : i32
    %dma_start3A_72 = tpu.memref_slice %arg8[%dma_start3A_70, %dma_start3A_71] : memref<32x512xi32, #tpu.memory_space<vmem>> -> memref<16x512xi32, #tpu.memory_space<vmem>>
    %dma_start3A_73 = arith.constant 0 : i32
    %dma_start3A_74 = tpu.memref_slice %arg2[%select_n3A_63, %dma_start3A_69, %mul3A_68, %dma_start3A_73] : memref<64x1x512x512xi32, #tpu.memory_space<hbm>> -> memref<1x1x16x512xi32, #tpu.memory_space<hbm>>
    %dma_start3A_75 = tpu.memref_squeeze %dma_start3A_74 : memref<1x1x16x512xi32, #tpu.memory_space<hbm>> -> memref<16x512xi32, #tpu.memory_space<hbm>>
    %dma_start3A_76 = arith.constant 16 : i32
    %dma_start3A_77 = arith.constant 0 : i32
    %dma_start3A_78 = tpu.memref_slice %arg8[%dma_start3A_76, %dma_start3A_77] : memref<32x512xi32, #tpu.memory_space<vmem>> -> memref<16x512xi32, #tpu.memory_space<vmem>>
    %dma_start3A_79 = arith.constant 0 : i32
    %dma_start3A_80 = tpu.memref_slice %arg2[%select_n3A_63, %dma_start3A_69, %mul3A_68, %dma_start3A_79] : memref<64x1x512x512xi32, #tpu.memory_space<hbm>> -> memref<1x1x16x512xi32, #tpu.memory_space<hbm>>
    %dma_start3A_81 = tpu.memref_squeeze %dma_start3A_80 : memref<1x1x16x512xi32, #tpu.memory_space<hbm>> -> memref<16x512xi32, #tpu.memory_space<hbm>>
    tpu.enqueue_dma source(%dma_start3A_81 : memref<16x512xi32, #tpu.memory_space<hbm>>) target(%dma_start3A_78 : memref<16x512xi32, #tpu.memory_space<vmem>>) target_semaphore(%arg13 : memref<!tpu.dma_semaphore, #tpu.memory_space<semaphore_mem>>)
    %dma_wait3A = arith.constant 0 : i32
    %dma_wait3A_82 = arith.constant 0 : i32
    %dma_wait3A_83 = arith.constant 0 : i32
    %dma_wait3A_84 = arith.constant 0 : i32
    %dma_wait3A_85 = tpu.memref_slice %arg8[%dma_wait3A_83, %dma_wait3A_84] : memref<32x512xi32, #tpu.memory_space<vmem>> -> memref<16x512xi32, #tpu.memory_space<vmem>>
    %dma_wait3A_86 = arith.constant 0 : i32
    %dma_wait3A_87 = arith.constant 0 : i32
    %dma_wait3A_88 = tpu.memref_slice %arg2[%dma_wait3A, %dma_wait3A_82, %dma_wait3A_86, %dma_wait3A_87] : memref<64x1x512x512xi32, #tpu.memory_space<hbm>> -> memref<1x1x16x512xi32, #tpu.memory_space<hbm>>
    %dma_wait3A_89 = tpu.memref_squeeze %dma_wait3A_88 : memref<1x1x16x512xi32, #tpu.memory_space<hbm>> -> memref<16x512xi32, #tpu.memory_space<hbm>>
    %dma_wait3A_90 = arith.constant 0 : i32
    %dma_wait3A_91 = arith.constant 0 : i32
    %dma_wait3A_92 = tpu.memref_slice %arg8[%dma_wait3A_90, %dma_wait3A_91] : memref<32x512xi32, #tpu.memory_space<vmem>> -> memref<16x512xi32, #tpu.memory_space<vmem>>
    %dma_wait3A_93 = arith.constant 0 : i32
    %dma_wait3A_94 = arith.constant 0 : i32
    %dma_wait3A_95 = tpu.memref_slice %arg2[%dma_wait3A, %dma_wait3A_82, %dma_wait3A_93, %dma_wait3A_94] : memref<64x1x512x512xi32, #tpu.memory_space<hbm>> -> memref<1x1x16x512xi32, #tpu.memory_space<hbm>>
    %dma_wait3A_96 = tpu.memref_squeeze %dma_wait3A_95 : memref<1x1x16x512xi32, #tpu.memory_space<hbm>> -> memref<16x512xi32, #tpu.memory_space<hbm>>
    tpu.wait_dma2 semaphore(%arg12 : memref<!tpu.dma_semaphore, #tpu.memory_space<semaphore_mem>>) src(%dma_wait3A_96 : memref<16x512xi32, #tpu.memory_space<hbm>>) dst(%dma_wait3A_92 : memref<16x512xi32, #tpu.memory_space<vmem>>)
    %parallel_loop3A = arith.constant 0 : i32
    %parallel_loop3A_97 = arith.constant 512 : i32
    %parallel_loop3A_98 = arith.constant 1 : i32
    scf.for %parallel_loop3A_721 = %parallel_loop3A to %parallel_loop3A_97 step %parallel_loop3A_98  : i32 {
      %parallel_loop3A_722 = arith.constant 5 : i32
      %parallel_loop3A_723 = arith.shrsi %parallel_loop3A_721, %parallel_loop3A_722 : i32
      %parallel_loop3A_724 = arith.constant 0 : i32
      %parallel_loop3A_725 = arith.addi %parallel_loop3A_724, %parallel_loop3A_723 : i32
      %parallel_loop3A_726 = arith.constant 31 : i32
      %parallel_loop3A_727 = arith.andi %parallel_loop3A_721, %parallel_loop3A_726 : i32
      %parallel_loop3A_728 = arith.constant 16 : i32
      %parallel_loop3A_729 = arith.muli %parallel_loop3A_727, %parallel_loop3A_728 : i32
      %parallel_loop3A_730 = arith.index_cast %parallel_loop3A_725 : i32 to index
      %parallel_loop3A_731 = arith.index_cast %parallel_loop3A_729 : i32 to index
      %parallel_loop3A_732 = tpu.vector_load %arg8[%parallel_loop3A_730, %parallel_loop3A_731] {strides = array<i32>} : memref<32x512xi32, #tpu.memory_space<vmem>>, vector<16xi32>,
      %parallel_loop3A_733 = arith.constant 255 : i32
      %parallel_loop3A_734 = vector.broadcast %parallel_loop3A_733 : i32 to vector<16xi32>
      %parallel_loop3A_735 = arith.andi %parallel_loop3A_732, %parallel_loop3A_734 : vector<16xi32>
      %parallel_loop3A_736 = tpu.vector_load_idx %arg5[%parallel_loop3A_735] : memref<256xf32, #tpu.memory_space<vmem>>[vector<16xi32>], vector<16xf32>,
      %parallel_loop3A_737 = arith.index_cast %parallel_loop3A_725 : i32 to index
      %parallel_loop3A_738 = arith.index_cast %parallel_loop3A_729 : i32 to index
      %parallel_loop3A_739 = tpu.vector_load %arg9[%parallel_loop3A_737, %parallel_loop3A_738] {strides = array<i32>} : memref<32x512xf32, #tpu.memory_space<vmem>>, vector<16xf32>,
      tpu.vector_store %arg9[%parallel_loop3A_737, %parallel_loop3A_738], %parallel_loop3A_736 {strides = array<i32>} : memref<32x512xf32, #tpu.memory_space<vmem>>, vector<16xf32>,
      %parallel_loop3A_740 = tpu.vector_load_idx %arg6[%parallel_loop3A_735] : memref<256xf32, #tpu.memory_space<vmem>>[vector<16xi32>], vector<16xf32>,
      %parallel_loop3A_741 = arith.index_cast %parallel_loop3A_725 : i32 to index
      %parallel_loop3A_742 = arith.index_cast %parallel_loop3A_729 : i32 to index
      %parallel_loop3A_743 = tpu.vector_load %arg10[%parallel_loop3A_741, %parallel_loop3A_742] {strides = array<i32>} : memref<32x512xf32, #tpu.memory_space<vmem>>, vector<16xf32>,
      tpu.vector_store %arg10[%parallel_loop3A_741, %parallel_loop3A_742], %parallel_loop3A_740 {strides = array<i32>} : memref<32x512xf32, #tpu.memory_space<vmem>>, vector<16xf32>,
      %parallel_loop3A_744 = tpu.vector_load_idx %arg7[%parallel_loop3A_735] : memref<256xf32, #tpu.memory_space<vmem>>[vector<16xi32>], vector<16xf32>,
      %parallel_loop3A_745 = arith.index_cast %parallel_loop3A_725 : i32 to index
      %parallel_loop3A_746 = arith.index_cast %parallel_loop3A_729 : i32 to index
      %parallel_loop3A_747 = tpu.vector_load %arg11[%parallel_loop3A_745, %parallel_loop3A_746] {strides = array<i32>} : memref<32x512xf32, #tpu.memory_space<vmem>>, vector<16xf32>,
      tpu.vector_store %arg11[%parallel_loop3A_745, %parallel_loop3A_746], %parallel_loop3A_744 {strides = array<i32>} : memref<32x512xf32, #tpu.memory_space<vmem>>, vector<16xf32>,
    } {sc.loop_unroll_factor = 8 : i64, sc.parallel_access}
    %add3A_99 = arith.constant 0 : i32
    %add3A_100 = arith.addi %mul3A_2, %add3A_99 : i32
    %jit3A_101 = arith.constant 32 : i32
    %div3A_102 = arith.divsi %add3A_100, %jit3A_101 : i32
    %sign3A_103 = arith.constant 0 : i32
    %sign3A_104 = arith.cmpi sgt, %add3A_100, %sign3A_103 : i32
    %sign3A_105 = arith.extui %sign3A_104 : i1 to i32
    %sign3A_106 = arith.constant 0 : i32
    %sign3A_107 = arith.cmpi slt, %add3A_100, %sign3A_106 : i32
    %sign3A_108 = arith.extui %sign3A_107 : i1 to i32
    %sign3A_109 = arith.subi %sign3A_105, %sign3A_108 : i32
    %sign3A_110 = arith.constant 0 : i32
    %sign3A_111 = arith.cmpi sgt, %jit3A_101, %sign3A_110 : i32
    %sign3A_112 = arith.extui %sign3A_111 : i1 to i32
    %sign3A_113 = arith.constant 0 : i32
    %sign3A_114 = arith.cmpi slt, %jit3A_101, %sign3A_113 : i32
    %sign3A_115 = arith.extui %sign3A_114 : i1 to i32
    %sign3A_116 = arith.subi %sign3A_112, %sign3A_115 : i32
    %ne3A_117 = arith.cmpi ne, %sign3A_109, %sign3A_116 : i32
    %rem3A_118 = arith.remsi %add3A_100, %jit3A_101 : i32
    %ne3A_119 = arith.constant 0 : i32
    %ne3A_120 = arith.cmpi ne, %rem3A_118, %ne3A_119 : i32
    %and3A_121 = arith.andi %ne3A_117, %ne3A_120 : i1
    %sub3A_122 = arith.constant 1 : i32
    %sub3A_123 = arith.subi %div3A_102, %sub3A_122 : i32
    %select_n3A_124 = arith.select %and3A_121, %sub3A_123, %div3A_102 : i32
    %mul3A_125 = arith.constant 32 : i32
    %mul3A_126 = arith.muli %select_n3A_124, %mul3A_125 : i32
    %sub3A_127 = arith.subi %add3A_100, %mul3A_126 : i32
    %mul3A_128 = arith.constant 16 : i32
    %mul3A_129 = arith.muli %sub3A_127, %mul3A_128 : i32
    %dma_start3A_130 = arith.constant 0 : i32
    %dma_start3A_131 = arith.constant 0 : i32
    %dma_start3A_132 = arith.constant 0 : i32
    %dma_start3A_133 = tpu.memref_slice %arg9[%dma_start3A_131, %dma_start3A_132] : memref<32x512xf32, #tpu.memory_space<vmem>> -> memref<16x512xf32, #tpu.memory_space<vmem>>
    %dma_start3A_134 = arith.constant 0 : i32
    %dma_start3A_135 = tpu.memref_slice %arg4[%select_n3A_124, %dma_start3A_130, %mul3A_129, %dma_start3A_134] : memref<64x3x512x512xf32, #tpu.memory_space<hbm>> -> memref<1x1x16x512xf32, #tpu.memory_space<hbm>>
    %dma_start3A_136 = tpu.memref_squeeze %dma_start3A_135 : memref<1x1x16x512xf32, #tpu.memory_space<hbm>> -> memref<16x512xf32, #tpu.memory_space<hbm>>
    %dma_start3A_137 = arith.constant 0 : i32
    %dma_start3A_138 = tpu.memref_slice %arg4[%select_n3A_124, %dma_start3A_130, %mul3A_129, %dma_start3A_137] : memref<64x3x512x512xf32, #tpu.memory_space<hbm>> -> memref<1x1x16x512xf32, #tpu.memory_space<hbm>>
    %dma_start3A_139 = tpu.memref_squeeze %dma_start3A_138 : memref<1x1x16x512xf32, #tpu.memory_space<hbm>> -> memref<16x512xf32, #tpu.memory_space<hbm>>
    %dma_start3A_140 = arith.constant 0 : i32
    %dma_start3A_141 = arith.constant 0 : i32
    %dma_start3A_142 = tpu.memref_slice %arg9[%dma_start3A_140, %dma_start3A_141] : memref<32x512xf32, #tpu.memory_space<vmem>> -> memref<16x512xf32, #tpu.memory_space<vmem>>
    tpu.enqueue_dma source(%dma_start3A_142 : memref<16x512xf32, #tpu.memory_space<vmem>>) target(%dma_start3A_139 : memref<16x512xf32, #tpu.memory_space<hbm>>) target_semaphore(%arg14 : memref<!tpu.dma_semaphore, #tpu.memory_space<semaphore_mem>>)
    %dma_start3A_143 = arith.constant 1 : i32
    %dma_start3A_144 = arith.constant 0 : i32
    %dma_start3A_145 = arith.constant 0 : i32
    %dma_start3A_146 = tpu.memref_slice %arg10[%dma_start3A_144, %dma_start3A_145] : memref<32x512xf32, #tpu.memory_space<vmem>> -> memref<16x512xf32, #tpu.memory_space<vmem>>
    %dma_start3A_147 = arith.constant 0 : i32
    %dma_start3A_148 = tpu.memref_slice %arg4[%select_n3A_124, %dma_start3A_143, %mul3A_129, %dma_start3A_147] : memref<64x3x512x512xf32, #tpu.memory_space<hbm>> -> memref<1x1x16x512xf32, #tpu.memory_space<hbm>>
    %dma_start3A_149 = tpu.memref_squeeze %dma_start3A_148 : memref<1x1x16x512xf32, #tpu.memory_space<hbm>> -> memref<16x512xf32, #tpu.memory_space<hbm>>
    %dma_start3A_150 = arith.constant 0 : i32
    %dma_start3A_151 = tpu.memref_slice %arg4[%select_n3A_124, %dma_start3A_143, %mul3A_129, %dma_start3A_150] : memref<64x3x512x512xf32, #tpu.memory_space<hbm>> -> memref<1x1x16x512xf32, #tpu.memory_space<hbm>>
    %dma_start3A_152 = tpu.memref_squeeze %dma_start3A_151 : memref<1x1x16x512xf32, #tpu.memory_space<hbm>> -> memref<16x512xf32, #tpu.memory_space<hbm>>
    %dma_start3A_153 = arith.constant 0 : i32
    %dma_start3A_154 = arith.constant 0 : i32
    %dma_start3A_155 = tpu.memref_slice %arg10[%dma_start3A_153, %dma_start3A_154] : memref<32x512xf32, #tpu.memory_space<vmem>> -> memref<16x512xf32, #tpu.memory_space<vmem>>
    tpu.enqueue_dma source(%dma_start3A_155 : memref<16x512xf32, #tpu.memory_space<vmem>>) target(%dma_start3A_152 : memref<16x512xf32, #tpu.memory_space<hbm>>) target_semaphore(%arg14 : memref<!tpu.dma_semaphore, #tpu.memory_space<semaphore_mem>>)
    %dma_start3A_156 = arith.constant 2 : i32
    %dma_start3A_157 = arith.constant 0 : i32
    %dma_start3A_158 = arith.constant 0 : i32
    %dma_start3A_159 = tpu.memref_slice %arg11[%dma_start3A_157, %dma_start3A_158] : memref<32x512xf32, #tpu.memory_space<vmem>> -> memref<16x512xf32, #tpu.memory_space<vmem>>
    %dma_start3A_160 = arith.constant 0 : i32
    %dma_start3A_161 = tpu.memref_slice %arg4[%select_n3A_124, %dma_start3A_156, %mul3A_129, %dma_start3A_160] : memref<64x3x512x512xf32, #tpu.memory_space<hbm>> -> memref<1x1x16x512xf32, #tpu.memory_space<hbm>>
    %dma_start3A_162 = tpu.memref_squeeze %dma_start3A_161 : memref<1x1x16x512xf32, #tpu.memory_space<hbm>> -> memref<16x512xf32, #tpu.memory_space<hbm>>
    %dma_start3A_163 = arith.constant 0 : i32
    %dma_start3A_164 = tpu.memref_slice %arg4[%select_n3A_124, %dma_start3A_156, %mul3A_129, %dma_start3A_163] : memref<64x3x512x512xf32, #tpu.memory_space<hbm>> -> memref<1x1x16x512xf32, #tpu.memory_space<hbm>>
    %dma_start3A_165 = tpu.memref_squeeze %dma_start3A_164 : memref<1x1x16x512xf32, #tpu.memory_space<hbm>> -> memref<16x512xf32, #tpu.memory_space<hbm>>
    %dma_start3A_166 = arith.constant 0 : i32
    %dma_start3A_167 = arith.constant 0 : i32
    %dma_start3A_168 = tpu.memref_slice %arg11[%dma_start3A_166, %dma_start3A_167] : memref<32x512xf32, #tpu.memory_space<vmem>> -> memref<16x512xf32, #tpu.memory_space<vmem>>
    tpu.enqueue_dma source(%dma_start3A_168 : memref<16x512xf32, #tpu.memory_space<vmem>>) target(%dma_start3A_165 : memref<16x512xf32, #tpu.memory_space<hbm>>) target_semaphore(%arg14 : memref<!tpu.dma_semaphore, #tpu.memory_space<semaphore_mem>>)
    %add3A_169 = arith.constant 2 : i32
    %add3A_170 = arith.addi %mul3A_2, %add3A_169 : i32
    %jit3A_171 = arith.constant 32 : i32
    %div3A_172 = arith.divsi %add3A_170, %jit3A_171 : i32
    %sign3A_173 = arith.constant 0 : i32
    %sign3A_174 = arith.cmpi sgt, %add3A_170, %sign3A_173 : i32
    %sign3A_175 = arith.extui %sign3A_174 : i1 to i32
    %sign3A_176 = arith.constant 0 : i32
    %sign3A_177 = arith.cmpi slt, %add3A_170, %sign3A_176 : i32
    %sign3A_178 = arith.extui %sign3A_177 : i1 to i32
    %sign3A_179 = arith.subi %sign3A_175, %sign3A_178 : i32
    %sign3A_180 = arith.constant 0 : i32
    %sign3A_181 = arith.cmpi sgt, %jit3A_171, %sign3A_180 : i32
    %sign3A_182 = arith.extui %sign3A_181 : i1 to i32
    %sign3A_183 = arith.constant 0 : i32
    %sign3A_184 = arith.cmpi slt, %jit3A_171, %sign3A_183 : i32
    %sign3A_185 = arith.extui %sign3A_184 : i1 to i32
    %sign3A_186 = arith.subi %sign3A_182, %sign3A_185 : i32
    %ne3A_187 = arith.cmpi ne, %sign3A_179, %sign3A_186 : i32
    %rem3A_188 = arith.remsi %add3A_170, %jit3A_171 : i32
    %ne3A_189 = arith.constant 0 : i32
    %ne3A_190 = arith.cmpi ne, %rem3A_188, %ne3A_189 : i32
    %and3A_191 = arith.andi %ne3A_187, %ne3A_190 : i1
    %sub3A_192 = arith.constant 1 : i32
    %sub3A_193 = arith.subi %div3A_172, %sub3A_192 : i32
    %select_n3A_194 = arith.select %and3A_191, %sub3A_193, %div3A_172 : i32
    %mul3A_195 = arith.constant 32 : i32
    %mul3A_196 = arith.muli %select_n3A_194, %mul3A_195 : i32
    %sub3A_197 = arith.subi %add3A_170, %mul3A_196 : i32
    %mul3A_198 = arith.constant 16 : i32
    %mul3A_199 = arith.muli %sub3A_197, %mul3A_198 : i32
    %dma_start3A_200 = arith.constant 0 : i32
    %dma_start3A_201 = arith.constant 0 : i32
    %dma_start3A_202 = arith.constant 0 : i32
    %dma_start3A_203 = tpu.memref_slice %arg8[%dma_start3A_201, %dma_start3A_202] : memref<32x512xi32, #tpu.memory_space<vmem>> -> memref<16x512xi32, #tpu.memory_space<vmem>>
    %dma_start3A_204 = arith.constant 0 : i32
    %dma_start3A_205 = tpu.memref_slice %arg2[%select_n3A_194, %dma_start3A_200, %mul3A_199, %dma_start3A_204] : memref<64x1x512x512xi32, #tpu.memory_space<hbm>> -> memref<1x1x16x512xi32, #tpu.memory_space<hbm>>
    %dma_start3A_206 = tpu.memref_squeeze %dma_start3A_205 : memref<1x1x16x512xi32, #tpu.memory_space<hbm>> -> memref<16x512xi32, #tpu.memory_space<hbm>>
    %dma_start3A_207 = arith.constant 0 : i32
    %dma_start3A_208 = arith.constant 0 : i32
    %dma_start3A_209 = tpu.memref_slice %arg8[%dma_start3A_207, %dma_start3A_208] : memref<32x512xi32, #tpu.memory_space<vmem>> -> memref<16x512xi32, #tpu.memory_space<vmem>>
    %dma_start3A_210 = arith.constant 0 : i32
    %dma_start3A_211 = tpu.memref_slice %arg2[%select_n3A_194, %dma_start3A_200, %mul3A_199, %dma_start3A_210] : memref<64x1x512x512xi32, #tpu.memory_space<hbm>> -> memref<1x1x16x512xi32, #tpu.memory_space<hbm>>
    %dma_start3A_212 = tpu.memref_squeeze %dma_start3A_211 : memref<1x1x16x512xi32, #tpu.memory_space<hbm>> -> memref<16x512xi32, #tpu.memory_space<hbm>>
    tpu.enqueue_dma source(%dma_start3A_212 : memref<16x512xi32, #tpu.memory_space<hbm>>) target(%dma_start3A_209 : memref<16x512xi32, #tpu.memory_space<vmem>>) target_semaphore(%arg12 : memref<!tpu.dma_semaphore, #tpu.memory_space<semaphore_mem>>)
    %dma_wait3A_213 = arith.constant 0 : i32
    %dma_wait3A_214 = arith.constant 0 : i32
    %dma_wait3A_215 = arith.constant 16 : i32
    %dma_wait3A_216 = arith.constant 0 : i32
    %dma_wait3A_217 = tpu.memref_slice %arg8[%dma_wait3A_215, %dma_wait3A_216] : memref<32x512xi32, #tpu.memory_space<vmem>> -> memref<16x512xi32, #tpu.memory_space<vmem>>
    %dma_wait3A_218 = arith.constant 0 : i32
    %dma_wait3A_219 = arith.constant 0 : i32
    %dma_wait3A_220 = tpu.memref_slice %arg2[%dma_wait3A_213, %dma_wait3A_214, %dma_wait3A_218, %dma_wait3A_219] : memref<64x1x512x512xi32, #tpu.memory_space<hbm>> -> memref<1x1x16x512xi32, #tpu.memory_space<hbm>>
    %dma_wait3A_221 = tpu.memref_squeeze %dma_wait3A_220 : memref<1x1x16x512xi32, #tpu.memory_space<hbm>> -> memref<16x512xi32, #tpu.memory_space<hbm>>
    %dma_wait3A_222 = arith.constant 16 : i32
    %dma_wait3A_223 = arith.constant 0 : i32
    %dma_wait3A_224 = tpu.memref_slice %arg8[%dma_wait3A_222, %dma_wait3A_223] : memref<32x512xi32, #tpu.memory_space<vmem>> -> memref<16x512xi32, #tpu.memory_space<vmem>>
    %dma_wait3A_225 = arith.constant 0 : i32
    %dma_wait3A_226 = arith.constant 0 : i32
    %dma_wait3A_227 = tpu.memref_slice %arg2[%dma_wait3A_213, %dma_wait3A_214, %dma_wait3A_225, %dma_wait3A_226] : memref<64x1x512x512xi32, #tpu.memory_space<hbm>> -> memref<1x1x16x512xi32, #tpu.memory_space<hbm>>
    %dma_wait3A_228 = tpu.memref_squeeze %dma_wait3A_227 : memref<1x1x16x512xi32, #tpu.memory_space<hbm>> -> memref<16x512xi32, #tpu.memory_space<hbm>>
    tpu.wait_dma2 semaphore(%arg13 : memref<!tpu.dma_semaphore, #tpu.memory_space<semaphore_mem>>) src(%dma_wait3A_228 : memref<16x512xi32, #tpu.memory_space<hbm>>) dst(%dma_wait3A_224 : memref<16x512xi32, #tpu.memory_space<vmem>>)
    %parallel_loop3A_229 = arith.constant 0 : i32
    %parallel_loop3A_230 = arith.constant 512 : i32
    %parallel_loop3A_231 = arith.constant 1 : i32
    scf.for %parallel_loop3A_721 = %parallel_loop3A_229 to %parallel_loop3A_230 step %parallel_loop3A_231  : i32 {
      %parallel_loop3A_722 = arith.constant 5 : i32
      %parallel_loop3A_723 = arith.shrsi %parallel_loop3A_721, %parallel_loop3A_722 : i32
      %parallel_loop3A_724 = arith.constant 16 : i32
      %parallel_loop3A_725 = arith.addi %parallel_loop3A_724, %parallel_loop3A_723 : i32
      %parallel_loop3A_726 = arith.constant 31 : i32
      %parallel_loop3A_727 = arith.andi %parallel_loop3A_721, %parallel_loop3A_726 : i32
      %parallel_loop3A_728 = arith.constant 16 : i32
      %parallel_loop3A_729 = arith.muli %parallel_loop3A_727, %parallel_loop3A_728 : i32
      %parallel_loop3A_730 = arith.index_cast %parallel_loop3A_725 : i32 to index
      %parallel_loop3A_731 = arith.index_cast %parallel_loop3A_729 : i32 to index
      %parallel_loop3A_732 = tpu.vector_load %arg8[%parallel_loop3A_730, %parallel_loop3A_731] {strides = array<i32>} : memref<32x512xi32, #tpu.memory_space<vmem>>, vector<16xi32>,
      %parallel_loop3A_733 = arith.constant 255 : i32
      %parallel_loop3A_734 = vector.broadcast %parallel_loop3A_733 : i32 to vector<16xi32>
      %parallel_loop3A_735 = arith.andi %parallel_loop3A_732, %parallel_loop3A_734 : vector<16xi32>
      %parallel_loop3A_736 = tpu.vector_load_idx %arg5[%parallel_loop3A_735] : memref<256xf32, #tpu.memory_space<vmem>>[vector<16xi32>], vector<16xf32>,
      %parallel_loop3A_737 = arith.index_cast %parallel_loop3A_725 : i32 to index
      %parallel_loop3A_738 = arith.index_cast %parallel_loop3A_729 : i32 to index
      %parallel_loop3A_739 = tpu.vector_load %arg9[%parallel_loop3A_737, %parallel_loop3A_738] {strides = array<i32>} : memref<32x512xf32, #tpu.memory_space<vmem>>, vector<16xf32>,
      tpu.vector_store %arg9[%parallel_loop3A_737, %parallel_loop3A_738], %parallel_loop3A_736 {strides = array<i32>} : memref<32x512xf32, #tpu.memory_space<vmem>>, vector<16xf32>,
      %parallel_loop3A_740 = tpu.vector_load_idx %arg6[%parallel_loop3A_735] : memref<256xf32, #tpu.memory_space<vmem>>[vector<16xi32>], vector<16xf32>,
      %parallel_loop3A_741 = arith.index_cast %parallel_loop3A_725 : i32 to index
      %parallel_loop3A_742 = arith.index_cast %parallel_loop3A_729 : i32 to index
      %parallel_loop3A_743 = tpu.vector_load %arg10[%parallel_loop3A_741, %parallel_loop3A_742] {strides = array<i32>} : memref<32x512xf32, #tpu.memory_space<vmem>>, vector<16xf32>,
      tpu.vector_store %arg10[%parallel_loop3A_741, %parallel_loop3A_742], %parallel_loop3A_740 {strides = array<i32>} : memref<32x512xf32, #tpu.memory_space<vmem>>, vector<16xf32>,
      %parallel_loop3A_744 = tpu.vector_load_idx %arg7[%parallel_loop3A_735] : memref<256xf32, #tpu.memory_space<vmem>>[vector<16xi32>], vector<16xf32>,
      %parallel_loop3A_745 = arith.index_cast %parallel_loop3A_725 : i32 to index
      %parallel_loop3A_746 = arith.index_cast %parallel_loop3A_729 : i32 to index
      %parallel_loop3A_747 = tpu.vector_load %arg11[%parallel_loop3A_745, %parallel_loop3A_746] {strides = array<i32>} : memref<32x512xf32, #tpu.memory_space<vmem>>, vector<16xf32>,
      tpu.vector_store %arg11[%parallel_loop3A_745, %parallel_loop3A_746], %parallel_loop3A_744 {strides = array<i32>} : memref<32x512xf32, #tpu.memory_space<vmem>>, vector<16xf32>,
    } {sc.loop_unroll_factor = 8 : i64, sc.parallel_access}
    %add3A_232 = arith.constant 1 : i32
    %add3A_233 = arith.addi %mul3A_2, %add3A_232 : i32
    %jit3A_234 = arith.constant 32 : i32
    %div3A_235 = arith.divsi %add3A_233, %jit3A_234 : i32
    %sign3A_236 = arith.constant 0 : i32
    %sign3A_237 = arith.cmpi sgt, %add3A_233, %sign3A_236 : i32
    %sign3A_238 = arith.extui %sign3A_237 : i1 to i32
    %sign3A_239 = arith.constant 0 : i32
    %sign3A_240 = arith.cmpi slt, %add3A_233, %sign3A_239 : i32
    %sign3A_241 = arith.extui %sign3A_240 : i1 to i32
    %sign3A_242 = arith.subi %sign3A_238, %sign3A_241 : i32
    %sign3A_243 = arith.constant 0 : i32
    %sign3A_244 = arith.cmpi sgt, %jit3A_234, %sign3A_243 : i32
    %sign3A_245 = arith.extui %sign3A_244 : i1 to i32
    %sign3A_246 = arith.constant 0 : i32
    %sign3A_247 = arith.cmpi slt, %jit3A_234, %sign3A_246 : i32
    %sign3A_248 = arith.extui %sign3A_247 : i1 to i32
    %sign3A_249 = arith.subi %sign3A_245, %sign3A_248 : i32
    %ne3A_250 = arith.cmpi ne, %sign3A_242, %sign3A_249 : i32
    %rem3A_251 = arith.remsi %add3A_233, %jit3A_234 : i32
    %ne3A_252 = arith.constant 0 : i32
    %ne3A_253 = arith.cmpi ne, %rem3A_251, %ne3A_252 : i32
    %and3A_254 = arith.andi %ne3A_250, %ne3A_253 : i1
    %sub3A_255 = arith.constant 1 : i32
    %sub3A_256 = arith.subi %div3A_235, %sub3A_255 : i32
    %select_n3A_257 = arith.select %and3A_254, %sub3A_256, %div3A_235 : i32
    %mul3A_258 = arith.constant 32 : i32
    %mul3A_259 = arith.muli %select_n3A_257, %mul3A_258 : i32
    %sub3A_260 = arith.subi %add3A_233, %mul3A_259 : i32
    %mul3A_261 = arith.constant 16 : i32
    %mul3A_262 = arith.muli %sub3A_260, %mul3A_261 : i32
    %dma_start3A_263 = arith.constant 0 : i32
    %dma_start3A_264 = arith.constant 16 : i32
    %dma_start3A_265 = arith.constant 0 : i32
    %dma_start3A_266 = tpu.memref_slice %arg9[%dma_start3A_264, %dma_start3A_265] : memref<32x512xf32, #tpu.memory_space<vmem>> -> memref<16x512xf32, #tpu.memory_space<vmem>>
    %dma_start3A_267 = arith.constant 0 : i32
    %dma_start3A_268 = tpu.memref_slice %arg4[%select_n3A_257, %dma_start3A_263, %mul3A_262, %dma_start3A_267] : memref<64x3x512x512xf32, #tpu.memory_space<hbm>> -> memref<1x1x16x512xf32, #tpu.memory_space<hbm>>
    %dma_start3A_269 = tpu.memref_squeeze %dma_start3A_268 : memref<1x1x16x512xf32, #tpu.memory_space<hbm>> -> memref<16x512xf32, #tpu.memory_space<hbm>>
    %dma_start3A_270 = arith.constant 0 : i32
    %dma_start3A_271 = tpu.memref_slice %arg4[%select_n3A_257, %dma_start3A_263, %mul3A_262, %dma_start3A_270] : memref<64x3x512x512xf32, #tpu.memory_space<hbm>> -> memref<1x1x16x512xf32, #tpu.memory_space<hbm>>
    %dma_start3A_272 = tpu.memref_squeeze %dma_start3A_271 : memref<1x1x16x512xf32, #tpu.memory_space<hbm>> -> memref<16x512xf32, #tpu.memory_space<hbm>>
    %dma_start3A_273 = arith.constant 16 : i32
    %dma_start3A_274 = arith.constant 0 : i32
    %dma_start3A_275 = tpu.memref_slice %arg9[%dma_start3A_273, %dma_start3A_274] : memref<32x512xf32, #tpu.memory_space<vmem>> -> memref<16x512xf32, #tpu.memory_space<vmem>>
    tpu.enqueue_dma source(%dma_start3A_275 : memref<16x512xf32, #tpu.memory_space<vmem>>) target(%dma_start3A_272 : memref<16x512xf32, #tpu.memory_space<hbm>>) target_semaphore(%arg15 : memref<!tpu.dma_semaphore, #tpu.memory_space<semaphore_mem>>)
    %dma_start3A_276 = arith.constant 1 : i32
    %dma_start3A_277 = arith.constant 16 : i32
    %dma_start3A_278 = arith.constant 0 : i32
    %dma_start3A_279 = tpu.memref_slice %arg10[%dma_start3A_277, %dma_start3A_278] : memref<32x512xf32, #tpu.memory_space<vmem>> -> memref<16x512xf32, #tpu.memory_space<vmem>>
    %dma_start3A_280 = arith.constant 0 : i32
    %dma_start3A_281 = tpu.memref_slice %arg4[%select_n3A_257, %dma_start3A_276, %mul3A_262, %dma_start3A_280] : memref<64x3x512x512xf32, #tpu.memory_space<hbm>> -> memref<1x1x16x512xf32, #tpu.memory_space<hbm>>
    %dma_start3A_282 = tpu.memref_squeeze %dma_start3A_281 : memref<1x1x16x512xf32, #tpu.memory_space<hbm>> -> memref<16x512xf32, #tpu.memory_space<hbm>>
    %dma_start3A_283 = arith.constant 0 : i32
    %dma_start3A_284 = tpu.memref_slice %arg4[%select_n3A_257, %dma_start3A_276, %mul3A_262, %dma_start3A_283] : memref<64x3x512x512xf32, #tpu.memory_space<hbm>> -> memref<1x1x16x512xf32, #tpu.memory_space<hbm>>
    %dma_start3A_285 = tpu.memref_squeeze %dma_start3A_284 : memref<1x1x16x512xf32, #tpu.memory_space<hbm>> -> memref<16x512xf32, #tpu.memory_space<hbm>>
    %dma_start3A_286 = arith.constant 16 : i32
    %dma_start3A_287 = arith.constant 0 : i32
    %dma_start3A_288 = tpu.memref_slice %arg10[%dma_start3A_286, %dma_start3A_287] : memref<32x512xf32, #tpu.memory_space<vmem>> -> memref<16x512xf32, #tpu.memory_space<vmem>>
    tpu.enqueue_dma source(%dma_start3A_288 : memref<16x512xf32, #tpu.memory_space<vmem>>) target(%dma_start3A_285 : memref<16x512xf32, #tpu.memory_space<hbm>>) target_semaphore(%arg15 : memref<!tpu.dma_semaphore, #tpu.memory_space<semaphore_mem>>)
    %dma_start3A_289 = arith.constant 2 : i32
    %dma_start3A_290 = arith.constant 16 : i32
    %dma_start3A_291 = arith.constant 0 : i32
    %dma_start3A_292 = tpu.memref_slice %arg11[%dma_start3A_290, %dma_start3A_291] : memref<32x512xf32, #tpu.memory_space<vmem>> -> memref<16x512xf32, #tpu.memory_space<vmem>>
    %dma_start3A_293 = arith.constant 0 : i32
    %dma_start3A_294 = tpu.memref_slice %arg4[%select_n3A_257, %dma_start3A_289, %mul3A_262, %dma_start3A_293] : memref<64x3x512x512xf32, #tpu.memory_space<hbm>> -> memref<1x1x16x512xf32, #tpu.memory_space<hbm>>
    %dma_start3A_295 = tpu.memref_squeeze %dma_start3A_294 : memref<1x1x16x512xf32, #tpu.memory_space<hbm>> -> memref<16x512xf32, #tpu.memory_space<hbm>>
    %dma_start3A_296 = arith.constant 0 : i32
    %dma_start3A_297 = tpu.memref_slice %arg4[%select_n3A_257, %dma_start3A_289, %mul3A_262, %dma_start3A_296] : memref<64x3x512x512xf32, #tpu.memory_space<hbm>> -> memref<1x1x16x512xf32, #tpu.memory_space<hbm>>
    %dma_start3A_298 = tpu.memref_squeeze %dma_start3A_297 : memref<1x1x16x512xf32, #tpu.memory_space<hbm>> -> memref<16x512xf32, #tpu.memory_space<hbm>>
    %dma_start3A_299 = arith.constant 16 : i32
    %dma_start3A_300 = arith.constant 0 : i32
    %dma_start3A_301 = tpu.memref_slice %arg11[%dma_start3A_299, %dma_start3A_300] : memref<32x512xf32, #tpu.memory_space<vmem>> -> memref<16x512xf32, #tpu.memory_space<vmem>>
    tpu.enqueue_dma source(%dma_start3A_301 : memref<16x512xf32, #tpu.memory_space<vmem>>) target(%dma_start3A_298 : memref<16x512xf32, #tpu.memory_space<hbm>>) target_semaphore(%arg15 : memref<!tpu.dma_semaphore, #tpu.memory_space<semaphore_mem>>)
    %add3A_302 = arith.constant 3 : i32
    %add3A_303 = arith.addi %mul3A_2, %add3A_302 : i32
    %jit3A_304 = arith.constant 32 : i32
    %div3A_305 = arith.divsi %add3A_303, %jit3A_304 : i32
    %sign3A_306 = arith.constant 0 : i32
    %sign3A_307 = arith.cmpi sgt, %add3A_303, %sign3A_306 : i32
    %sign3A_308 = arith.extui %sign3A_307 : i1 to i32
    %sign3A_309 = arith.constant 0 : i32
    %sign3A_310 = arith.cmpi slt, %add3A_303, %sign3A_309 : i32
    %sign3A_311 = arith.extui %sign3A_310 : i1 to i32
    %sign3A_312 = arith.subi %sign3A_308, %sign3A_311 : i32
    %sign3A_313 = arith.constant 0 : i32
    %sign3A_314 = arith.cmpi sgt, %jit3A_304, %sign3A_313 : i32
    %sign3A_315 = arith.extui %sign3A_314 : i1 to i32
    %sign3A_316 = arith.constant 0 : i32
    %sign3A_317 = arith.cmpi slt, %jit3A_304, %sign3A_316 : i32
    %sign3A_318 = arith.extui %sign3A_317 : i1 to i32
    %sign3A_319 = arith.subi %sign3A_315, %sign3A_318 : i32
    %ne3A_320 = arith.cmpi ne, %sign3A_312, %sign3A_319 : i32
    %rem3A_321 = arith.remsi %add3A_303, %jit3A_304 : i32
    %ne3A_322 = arith.constant 0 : i32
    %ne3A_323 = arith.cmpi ne, %rem3A_321, %ne3A_322 : i32
    %and3A_324 = arith.andi %ne3A_320, %ne3A_323 : i1
    %sub3A_325 = arith.constant 1 : i32
    %sub3A_326 = arith.subi %div3A_305, %sub3A_325 : i32
    %select_n3A_327 = arith.select %and3A_324, %sub3A_326, %div3A_305 : i32
    %mul3A_328 = arith.constant 32 : i32
    %mul3A_329 = arith.muli %select_n3A_327, %mul3A_328 : i32
    %sub3A_330 = arith.subi %add3A_303, %mul3A_329 : i32
    %mul3A_331 = arith.constant 16 : i32
    %mul3A_332 = arith.muli %sub3A_330, %mul3A_331 : i32
    %dma_start3A_333 = arith.constant 0 : i32
    %dma_start3A_334 = arith.constant 16 : i32
    %dma_start3A_335 = arith.constant 0 : i32
    %dma_start3A_336 = tpu.memref_slice %arg8[%dma_start3A_334, %dma_start3A_335] : memref<32x512xi32, #tpu.memory_space<vmem>> -> memref<16x512xi32, #tpu.memory_space<vmem>>
    %dma_start3A_337 = arith.constant 0 : i32
    %dma_start3A_338 = tpu.memref_slice %arg2[%select_n3A_327, %dma_start3A_333, %mul3A_332, %dma_start3A_337] : memref<64x1x512x512xi32, #tpu.memory_space<hbm>> -> memref<1x1x16x512xi32, #tpu.memory_space<hbm>>
    %dma_start3A_339 = tpu.memref_squeeze %dma_start3A_338 : memref<1x1x16x512xi32, #tpu.memory_space<hbm>> -> memref<16x512xi32, #tpu.memory_space<hbm>>
    %dma_start3A_340 = arith.constant 16 : i32
    %dma_start3A_341 = arith.constant 0 : i32
    %dma_start3A_342 = tpu.memref_slice %arg8[%dma_start3A_340, %dma_start3A_341] : memref<32x512xi32, #tpu.memory_space<vmem>> -> memref<16x512xi32, #tpu.memory_space<vmem>>
    %dma_start3A_343 = arith.constant 0 : i32
    %dma_start3A_344 = tpu.memref_slice %arg2[%select_n3A_327, %dma_start3A_333, %mul3A_332, %dma_start3A_343] : memref<64x1x512x512xi32, #tpu.memory_space<hbm>> -> memref<1x1x16x512xi32, #tpu.memory_space<hbm>>
    %dma_start3A_345 = tpu.memref_squeeze %dma_start3A_344 : memref<1x1x16x512xi32, #tpu.memory_space<hbm>> -> memref<16x512xi32, #tpu.memory_space<hbm>>
    tpu.enqueue_dma source(%dma_start3A_345 : memref<16x512xi32, #tpu.memory_space<hbm>>) target(%dma_start3A_342 : memref<16x512xi32, #tpu.memory_space<vmem>>) target_semaphore(%arg13 : memref<!tpu.dma_semaphore, #tpu.memory_space<semaphore_mem>>)
    %scan3A = arith.constant 0 : i32
    %scan3A_346 = arith.constant 1 : i32
    %scan3A_347 = arith.constant 30 : i32
    %scan3A_348 = arith.addi %scan3A_346, %scan3A_347 : i32
    %scan3A_349 = arith.constant 1 : i32
    scf.for %scan3A_721 = %scan3A_346 to %scan3A_348 step %scan3A_349  : i32 {
      %mul3A_722 = arith.constant 2 : i32
      %mul3A_723 = arith.muli %scan3A_721, %mul3A_722 : i32
      %add3A_724 = arith.constant 0 : i32
      %add3A_725 = arith.addi %mul3A_723, %add3A_724 : i32
      %dma_wait3A_726 = arith.constant 0 : i32
      %dma_wait3A_727 = arith.constant 0 : i32
      %dma_wait3A_728 = arith.constant 0 : i32
      %dma_wait3A_729 = arith.constant 0 : i32
      %dma_wait3A_730 = tpu.memref_slice %arg8[%dma_wait3A_728, %dma_wait3A_729] : memref<32x512xi32, #tpu.memory_space<vmem>> -> memref<16x512xi32, #tpu.memory_space<vmem>>
      %dma_wait3A_731 = arith.constant 0 : i32
      %dma_wait3A_732 = arith.constant 0 : i32
      %dma_wait3A_733 = tpu.memref_slice %arg2[%dma_wait3A_726, %dma_wait3A_727, %dma_wait3A_731, %dma_wait3A_732] : memref<64x1x512x512xi32, #tpu.memory_space<hbm>> -> memref<1x1x16x512xi32, #tpu.memory_space<hbm>>
      %dma_wait3A_734 = tpu.memref_squeeze %dma_wait3A_733 : memref<1x1x16x512xi32, #tpu.memory_space<hbm>> -> memref<16x512xi32, #tpu.memory_space<hbm>>
      %dma_wait3A_735 = arith.constant 0 : i32
      %dma_wait3A_736 = arith.constant 0 : i32
      %dma_wait3A_737 = tpu.memref_slice %arg8[%dma_wait3A_735, %dma_wait3A_736] : memref<32x512xi32, #tpu.memory_space<vmem>> -> memref<16x512xi32, #tpu.memory_space<vmem>>
      %dma_wait3A_738 = arith.constant 0 : i32
      %dma_wait3A_739 = arith.constant 0 : i32
      %dma_wait3A_740 = tpu.memref_slice %arg2[%dma_wait3A_726, %dma_wait3A_727, %dma_wait3A_738, %dma_wait3A_739] : memref<64x1x512x512xi32, #tpu.memory_space<hbm>> -> memref<1x1x16x512xi32, #tpu.memory_space<hbm>>
      %dma_wait3A_741 = tpu.memref_squeeze %dma_wait3A_740 : memref<1x1x16x512xi32, #tpu.memory_space<hbm>> -> memref<16x512xi32, #tpu.memory_space<hbm>>
      tpu.wait_dma2 semaphore(%arg12 : memref<!tpu.dma_semaphore, #tpu.memory_space<semaphore_mem>>) src(%dma_wait3A_741 : memref<16x512xi32, #tpu.memory_space<hbm>>) dst(%dma_wait3A_737 : memref<16x512xi32, #tpu.memory_space<vmem>>)
      %dma_wait3A_742 = arith.constant 0 : i32
      %dma_wait3A_743 = arith.constant 0 : i32
      %dma_wait3A_744 = arith.constant 0 : i32
      %dma_wait3A_745 = arith.constant 0 : i32
      %dma_wait3A_746 = tpu.memref_slice %arg9[%dma_wait3A_744, %dma_wait3A_745] : memref<32x512xf32, #tpu.memory_space<vmem>> -> memref<16x512xf32, #tpu.memory_space<vmem>>
      %dma_wait3A_747 = arith.constant 0 : i32
      %dma_wait3A_748 = arith.constant 0 : i32
      %dma_wait3A_749 = tpu.memref_slice %arg4[%dma_wait3A_742, %dma_wait3A_743, %dma_wait3A_747, %dma_wait3A_748] : memref<64x3x512x512xf32, #tpu.memory_space<hbm>> -> memref<1x1x16x512xf32, #tpu.memory_space<hbm>>
      %dma_wait3A_750 = tpu.memref_squeeze %dma_wait3A_749 : memref<1x1x16x512xf32, #tpu.memory_space<hbm>> -> memref<16x512xf32, #tpu.memory_space<hbm>>
      %dma_wait3A_751 = arith.constant 0 : i32
      %dma_wait3A_752 = arith.constant 0 : i32
      %dma_wait3A_753 = tpu.memref_slice %arg4[%dma_wait3A_742, %dma_wait3A_743, %dma_wait3A_751, %dma_wait3A_752] : memref<64x3x512x512xf32, #tpu.memory_space<hbm>> -> memref<1x1x16x512xf32, #tpu.memory_space<hbm>>
      %dma_wait3A_754 = tpu.memref_squeeze %dma_wait3A_753 : memref<1x1x16x512xf32, #tpu.memory_space<hbm>> -> memref<16x512xf32, #tpu.memory_space<hbm>>
      %dma_wait3A_755 = arith.constant 0 : i32
      %dma_wait3A_756 = arith.constant 0 : i32
      %dma_wait3A_757 = tpu.memref_slice %arg9[%dma_wait3A_755, %dma_wait3A_756] : memref<32x512xf32, #tpu.memory_space<vmem>> -> memref<16x512xf32, #tpu.memory_space<vmem>>
      tpu.wait_dma2 semaphore(%arg14 : memref<!tpu.dma_semaphore, #tpu.memory_space<semaphore_mem>>) src(%dma_wait3A_757 : memref<16x512xf32, #tpu.memory_space<vmem>>) dst(%dma_wait3A_754 : memref<16x512xf32, #tpu.memory_space<hbm>>)
      %dma_wait3A_758 = arith.constant 0 : i32
      %dma_wait3A_759 = arith.constant 1 : i32
      %dma_wait3A_760 = arith.constant 0 : i32
      %dma_wait3A_761 = arith.constant 0 : i32
      %dma_wait3A_762 = tpu.memref_slice %arg10[%dma_wait3A_760, %dma_wait3A_761] : memref<32x512xf32, #tpu.memory_space<vmem>> -> memref<16x512xf32, #tpu.memory_space<vmem>>
      %dma_wait3A_763 = arith.constant 0 : i32
      %dma_wait3A_764 = arith.constant 0 : i32
      %dma_wait3A_765 = tpu.memref_slice %arg4[%dma_wait3A_758, %dma_wait3A_759, %dma_wait3A_763, %dma_wait3A_764] : memref<64x3x512x512xf32, #tpu.memory_space<hbm>> -> memref<1x1x16x512xf32, #tpu.memory_space<hbm>>
      %dma_wait3A_766 = tpu.memref_squeeze %dma_wait3A_765 : memref<1x1x16x512xf32, #tpu.memory_space<hbm>> -> memref<16x512xf32, #tpu.memory_space<hbm>>
      %dma_wait3A_767 = arith.constant 0 : i32
      %dma_wait3A_768 = arith.constant 0 : i32
      %dma_wait3A_769 = tpu.memref_slice %arg4[%dma_wait3A_758, %dma_wait3A_759, %dma_wait3A_767, %dma_wait3A_768] : memref<64x3x512x512xf32, #tpu.memory_space<hbm>> -> memref<1x1x16x512xf32, #tpu.memory_space<hbm>>
      %dma_wait3A_770 = tpu.memref_squeeze %dma_wait3A_769 : memref<1x1x16x512xf32, #tpu.memory_space<hbm>> -> memref<16x512xf32, #tpu.memory_space<hbm>>
      %dma_wait3A_771 = arith.constant 0 : i32
      %dma_wait3A_772 = arith.constant 0 : i32
      %dma_wait3A_773 = tpu.memref_slice %arg10[%dma_wait3A_771, %dma_wait3A_772] : memref<32x512xf32, #tpu.memory_space<vmem>> -> memref<16x512xf32, #tpu.memory_space<vmem>>
      tpu.wait_dma2 semaphore(%arg14 : memref<!tpu.dma_semaphore, #tpu.memory_space<semaphore_mem>>) src(%dma_wait3A_773 : memref<16x512xf32, #tpu.memory_space<vmem>>) dst(%dma_wait3A_770 : memref<16x512xf32, #tpu.memory_space<hbm>>)
      %dma_wait3A_774 = arith.constant 0 : i32
      %dma_wait3A_775 = arith.constant 2 : i32
      %dma_wait3A_776 = arith.constant 0 : i32
      %dma_wait3A_777 = arith.constant 0 : i32
      %dma_wait3A_778 = tpu.memref_slice %arg11[%dma_wait3A_776, %dma_wait3A_777] : memref<32x512xf32, #tpu.memory_space<vmem>> -> memref<16x512xf32, #tpu.memory_space<vmem>>
      %dma_wait3A_779 = arith.constant 0 : i32
      %dma_wait3A_780 = arith.constant 0 : i32
      %dma_wait3A_781 = tpu.memref_slice %arg4[%dma_wait3A_774, %dma_wait3A_775, %dma_wait3A_779, %dma_wait3A_780] : memref<64x3x512x512xf32, #tpu.memory_space<hbm>> -> memref<1x1x16x512xf32, #tpu.memory_space<hbm>>
      %dma_wait3A_782 = tpu.memref_squeeze %dma_wait3A_781 : memref<1x1x16x512xf32, #tpu.memory_space<hbm>> -> memref<16x512xf32, #tpu.memory_space<hbm>>
      %dma_wait3A_783 = arith.constant 0 : i32
      %dma_wait3A_784 = arith.constant 0 : i32
      %dma_wait3A_785 = tpu.memref_slice %arg4[%dma_wait3A_774, %dma_wait3A_775, %dma_wait3A_783, %dma_wait3A_784] : memref<64x3x512x512xf32, #tpu.memory_space<hbm>> -> memref<1x1x16x512xf32, #tpu.memory_space<hbm>>
      %dma_wait3A_786 = tpu.memref_squeeze %dma_wait3A_785 : memref<1x1x16x512xf32, #tpu.memory_space<hbm>> -> memref<16x512xf32, #tpu.memory_space<hbm>>
      %dma_wait3A_787 = arith.constant 0 : i32
      %dma_wait3A_788 = arith.constant 0 : i32
      %dma_wait3A_789 = tpu.memref_slice %arg11[%dma_wait3A_787, %dma_wait3A_788] : memref<32x512xf32, #tpu.memory_space<vmem>> -> memref<16x512xf32, #tpu.memory_space<vmem>>
      tpu.wait_dma2 semaphore(%arg14 : memref<!tpu.dma_semaphore, #tpu.memory_space<semaphore_mem>>) src(%dma_wait3A_789 : memref<16x512xf32, #tpu.memory_space<vmem>>) dst(%dma_wait3A_786 : memref<16x512xf32, #tpu.memory_space<hbm>>)
      %parallel_loop3A_790 = arith.constant 0 : i32
      %parallel_loop3A_791 = arith.constant 512 : i32
      %parallel_loop3A_792 = arith.constant 1 : i32
      scf.for %parallel_loop3A_1092 = %parallel_loop3A_790 to %parallel_loop3A_791 step %parallel_loop3A_792  : i32 {
        %parallel_loop3A_1093 = arith.constant 5 : i32
        %parallel_loop3A_1094 = arith.shrsi %parallel_loop3A_1092, %parallel_loop3A_1093 : i32
        %parallel_loop3A_1095 = arith.constant 0 : i32
        %parallel_loop3A_1096 = arith.addi %parallel_loop3A_1095, %parallel_loop3A_1094 : i32
        %parallel_loop3A_1097 = arith.constant 31 : i32
        %parallel_loop3A_1098 = arith.andi %parallel_loop3A_1092, %parallel_loop3A_1097 : i32
        %parallel_loop3A_1099 = arith.constant 16 : i32
        %parallel_loop3A_1100 = arith.muli %parallel_loop3A_1098, %parallel_loop3A_1099 : i32
        %parallel_loop3A_1101 = arith.index_cast %parallel_loop3A_1096 : i32 to index
        %parallel_loop3A_1102 = arith.index_cast %parallel_loop3A_1100 : i32 to index
        %parallel_loop3A_1103 = tpu.vector_load %arg8[%parallel_loop3A_1101, %parallel_loop3A_1102] {strides = array<i32>} : memref<32x512xi32, #tpu.memory_space<vmem>>, vector<16xi32>,
        %parallel_loop3A_1104 = arith.constant 255 : i32
        %parallel_loop3A_1105 = vector.broadcast %parallel_loop3A_1104 : i32 to vector<16xi32>
        %parallel_loop3A_1106 = arith.andi %parallel_loop3A_1103, %parallel_loop3A_1105 : vector<16xi32>
        %parallel_loop3A_1107 = tpu.vector_load_idx %arg5[%parallel_loop3A_1106] : memref<256xf32, #tpu.memory_space<vmem>>[vector<16xi32>], vector<16xf32>,
        %parallel_loop3A_1108 = arith.index_cast %parallel_loop3A_1096 : i32 to index
        %parallel_loop3A_1109 = arith.index_cast %parallel_loop3A_1100 : i32 to index
        %parallel_loop3A_1110 = tpu.vector_load %arg9[%parallel_loop3A_1108, %parallel_loop3A_1109] {strides = array<i32>} : memref<32x512xf32, #tpu.memory_space<vmem>>, vector<16xf32>,
        tpu.vector_store %arg9[%parallel_loop3A_1108, %parallel_loop3A_1109], %parallel_loop3A_1107 {strides = array<i32>} : memref<32x512xf32, #tpu.memory_space<vmem>>, vector<16xf32>,
        %parallel_loop3A_1111 = tpu.vector_load_idx %arg6[%parallel_loop3A_1106] : memref<256xf32, #tpu.memory_space<vmem>>[vector<16xi32>], vector<16xf32>,
        %parallel_loop3A_1112 = arith.index_cast %parallel_loop3A_1096 : i32 to index
        %parallel_loop3A_1113 = arith.index_cast %parallel_loop3A_1100 : i32 to index
        %parallel_loop3A_1114 = tpu.vector_load %arg10[%parallel_loop3A_1112, %parallel_loop3A_1113] {strides = array<i32>} : memref<32x512xf32, #tpu.memory_space<vmem>>, vector<16xf32>,
        tpu.vector_store %arg10[%parallel_loop3A_1112, %parallel_loop3A_1113], %parallel_loop3A_1111 {strides = array<i32>} : memref<32x512xf32, #tpu.memory_space<vmem>>, vector<16xf32>,
        %parallel_loop3A_1115 = tpu.vector_load_idx %arg7[%parallel_loop3A_1106] : memref<256xf32, #tpu.memory_space<vmem>>[vector<16xi32>], vector<16xf32>,
        %parallel_loop3A_1116 = arith.index_cast %parallel_loop3A_1096 : i32 to index
        %parallel_loop3A_1117 = arith.index_cast %parallel_loop3A_1100 : i32 to index
        %parallel_loop3A_1118 = tpu.vector_load %arg11[%parallel_loop3A_1116, %parallel_loop3A_1117] {strides = array<i32>} : memref<32x512xf32, #tpu.memory_space<vmem>>, vector<16xf32>,
        tpu.vector_store %arg11[%parallel_loop3A_1116, %parallel_loop3A_1117], %parallel_loop3A_1115 {strides = array<i32>} : memref<32x512xf32, #tpu.memory_space<vmem>>, vector<16xf32>,
      } {sc.loop_unroll_factor = 8 : i64, sc.parallel_access}
      %add3A_793 = arith.addi %mul3A_2, %add3A_725 : i32
      %jit3A_794 = arith.constant 32 : i32
      %div3A_795 = arith.divsi %add3A_793, %jit3A_794 : i32
      %sign3A_796 = arith.constant 0 : i32
      %sign3A_797 = arith.cmpi sgt, %add3A_793, %sign3A_796 : i32
      %sign3A_798 = arith.extui %sign3A_797 : i1 to i32
      %sign3A_799 = arith.constant 0 : i32
      %sign3A_800 = arith.cmpi slt, %add3A_793, %sign3A_799 : i32
      %sign3A_801 = arith.extui %sign3A_800 : i1 to i32
      %sign3A_802 = arith.subi %sign3A_798, %sign3A_801 : i32
      %sign3A_803 = arith.constant 0 : i32
      %sign3A_804 = arith.cmpi sgt, %jit3A_794, %sign3A_803 : i32
      %sign3A_805 = arith.extui %sign3A_804 : i1 to i32
      %sign3A_806 = arith.constant 0 : i32
      %sign3A_807 = arith.cmpi slt, %jit3A_794, %sign3A_806 : i32
      %sign3A_808 = arith.extui %sign3A_807 : i1 to i32
      %sign3A_809 = arith.subi %sign3A_805, %sign3A_808 : i32
      %ne3A_810 = arith.cmpi ne, %sign3A_802, %sign3A_809 : i32
      %rem3A_811 = arith.remsi %add3A_793, %jit3A_794 : i32
      %ne3A_812 = arith.constant 0 : i32
      %ne3A_813 = arith.cmpi ne, %rem3A_811, %ne3A_812 : i32
      %and3A_814 = arith.andi %ne3A_810, %ne3A_813 : i1
      %sub3A_815 = arith.constant 1 : i32
      %sub3A_816 = arith.subi %div3A_795, %sub3A_815 : i32
      %select_n3A_817 = arith.select %and3A_814, %sub3A_816, %div3A_795 : i32
      %mul3A_818 = arith.constant 32 : i32
      %mul3A_819 = arith.muli %select_n3A_817, %mul3A_818 : i32
      %sub3A_820 = arith.subi %add3A_793, %mul3A_819 : i32
      %mul3A_821 = arith.constant 16 : i32
      %mul3A_822 = arith.muli %sub3A_820, %mul3A_821 : i32
      %dma_start3A_823 = arith.constant 0 : i32
      %dma_start3A_824 = arith.constant 0 : i32
      %dma_start3A_825 = arith.constant 0 : i32
      %dma_start3A_826 = tpu.memref_slice %arg9[%dma_start3A_824, %dma_start3A_825] : memref<32x512xf32, #tpu.memory_space<vmem>> -> memref<16x512xf32, #tpu.memory_space<vmem>>
      %dma_start3A_827 = arith.constant 0 : i32
      %dma_start3A_828 = tpu.memref_slice %arg4[%select_n3A_817, %dma_start3A_823, %mul3A_822, %dma_start3A_827] : memref<64x3x512x512xf32, #tpu.memory_space<hbm>> -> memref<1x1x16x512xf32, #tpu.memory_space<hbm>>
      %dma_start3A_829 = tpu.memref_squeeze %dma_start3A_828 : memref<1x1x16x512xf32, #tpu.memory_space<hbm>> -> memref<16x512xf32, #tpu.memory_space<hbm>>
      %dma_start3A_830 = arith.constant 0 : i32
      %dma_start3A_831 = tpu.memref_slice %arg4[%select_n3A_817, %dma_start3A_823, %mul3A_822, %dma_start3A_830] : memref<64x3x512x512xf32, #tpu.memory_space<hbm>> -> memref<1x1x16x512xf32, #tpu.memory_space<hbm>>
      %dma_start3A_832 = tpu.memref_squeeze %dma_start3A_831 : memref<1x1x16x512xf32, #tpu.memory_space<hbm>> -> memref<16x512xf32, #tpu.memory_space<hbm>>
      %dma_start3A_833 = arith.constant 0 : i32
      %dma_start3A_834 = arith.constant 0 : i32
      %dma_start3A_835 = tpu.memref_slice %arg9[%dma_start3A_833, %dma_start3A_834] : memref<32x512xf32, #tpu.memory_space<vmem>> -> memref<16x512xf32, #tpu.memory_space<vmem>>
      tpu.enqueue_dma source(%dma_start3A_835 : memref<16x512xf32, #tpu.memory_space<vmem>>) target(%dma_start3A_832 : memref<16x512xf32, #tpu.memory_space<hbm>>) target_semaphore(%arg14 : memref<!tpu.dma_semaphore, #tpu.memory_space<semaphore_mem>>)
      %dma_start3A_836 = arith.constant 1 : i32
      %dma_start3A_837 = arith.constant 0 : i32
      %dma_start3A_838 = arith.constant 0 : i32
      %dma_start3A_839 = tpu.memref_slice %arg10[%dma_start3A_837, %dma_start3A_838] : memref<32x512xf32, #tpu.memory_space<vmem>> -> memref<16x512xf32, #tpu.memory_space<vmem>>
      %dma_start3A_840 = arith.constant 0 : i32
      %dma_start3A_841 = tpu.memref_slice %arg4[%select_n3A_817, %dma_start3A_836, %mul3A_822, %dma_start3A_840] : memref<64x3x512x512xf32, #tpu.memory_space<hbm>> -> memref<1x1x16x512xf32, #tpu.memory_space<hbm>>
      %dma_start3A_842 = tpu.memref_squeeze %dma_start3A_841 : memref<1x1x16x512xf32, #tpu.memory_space<hbm>> -> memref<16x512xf32, #tpu.memory_space<hbm>>
      %dma_start3A_843 = arith.constant 0 : i32
      %dma_start3A_844 = tpu.memref_slice %arg4[%select_n3A_817, %dma_start3A_836, %mul3A_822, %dma_start3A_843] : memref<64x3x512x512xf32, #tpu.memory_space<hbm>> -> memref<1x1x16x512xf32, #tpu.memory_space<hbm>>
      %dma_start3A_845 = tpu.memref_squeeze %dma_start3A_844 : memref<1x1x16x512xf32, #tpu.memory_space<hbm>> -> memref<16x512xf32, #tpu.memory_space<hbm>>
      %dma_start3A_846 = arith.constant 0 : i32
      %dma_start3A_847 = arith.constant 0 : i32
      %dma_start3A_848 = tpu.memref_slice %arg10[%dma_start3A_846, %dma_start3A_847] : memref<32x512xf32, #tpu.memory_space<vmem>> -> memref<16x512xf32, #tpu.memory_space<vmem>>
      tpu.enqueue_dma source(%dma_start3A_848 : memref<16x512xf32, #tpu.memory_space<vmem>>) target(%dma_start3A_845 : memref<16x512xf32, #tpu.memory_space<hbm>>) target_semaphore(%arg14 : memref<!tpu.dma_semaphore, #tpu.memory_space<semaphore_mem>>)
      %dma_start3A_849 = arith.constant 2 : i32
      %dma_start3A_850 = arith.constant 0 : i32
      %dma_start3A_851 = arith.constant 0 : i32
      %dma_start3A_852 = tpu.memref_slice %arg11[%dma_start3A_850, %dma_start3A_851] : memref<32x512xf32, #tpu.memory_space<vmem>> -> memref<16x512xf32, #tpu.memory_space<vmem>>
      %dma_start3A_853 = arith.constant 0 : i32
      %dma_start3A_854 = tpu.memref_slice %arg4[%select_n3A_817, %dma_start3A_849, %mul3A_822, %dma_start3A_853] : memref<64x3x512x512xf32, #tpu.memory_space<hbm>> -> memref<1x1x16x512xf32, #tpu.memory_space<hbm>>
      %dma_start3A_855 = tpu.memref_squeeze %dma_start3A_854 : memref<1x1x16x512xf32, #tpu.memory_space<hbm>> -> memref<16x512xf32, #tpu.memory_space<hbm>>
      %dma_start3A_856 = arith.constant 0 : i32
      %dma_start3A_857 = tpu.memref_slice %arg4[%select_n3A_817, %dma_start3A_849, %mul3A_822, %dma_start3A_856] : memref<64x3x512x512xf32, #tpu.memory_space<hbm>> -> memref<1x1x16x512xf32, #tpu.memory_space<hbm>>
      %dma_start3A_858 = tpu.memref_squeeze %dma_start3A_857 : memref<1x1x16x512xf32, #tpu.memory_space<hbm>> -> memref<16x512xf32, #tpu.memory_space<hbm>>
      %dma_start3A_859 = arith.constant 0 : i32
      %dma_start3A_860 = arith.constant 0 : i32
      %dma_start3A_861 = tpu.memref_slice %arg11[%dma_start3A_859, %dma_start3A_860] : memref<32x512xf32, #tpu.memory_space<vmem>> -> memref<16x512xf32, #tpu.memory_space<vmem>>
      tpu.enqueue_dma source(%dma_start3A_861 : memref<16x512xf32, #tpu.memory_space<vmem>>) target(%dma_start3A_858 : memref<16x512xf32, #tpu.memory_space<hbm>>) target_semaphore(%arg14 : memref<!tpu.dma_semaphore, #tpu.memory_space<semaphore_mem>>)
      %add3A_862 = arith.constant 2 : i32
      %add3A_863 = arith.addi %add3A_725, %add3A_862 : i32
      %add3A_864 = arith.addi %mul3A_2, %add3A_863 : i32
      %jit3A_865 = arith.constant 32 : i32
      %div3A_866 = arith.divsi %add3A_864, %jit3A_865 : i32
      %sign3A_867 = arith.constant 0 : i32
      %sign3A_868 = arith.cmpi sgt, %add3A_864, %sign3A_867 : i32
      %sign3A_869 = arith.extui %sign3A_868 : i1 to i32
      %sign3A_870 = arith.constant 0 : i32
      %sign3A_871 = arith.cmpi slt, %add3A_864, %sign3A_870 : i32
      %sign3A_872 = arith.extui %sign3A_871 : i1 to i32
      %sign3A_873 = arith.subi %sign3A_869, %sign3A_872 : i32
      %sign3A_874 = arith.constant 0 : i32
      %sign3A_875 = arith.cmpi sgt, %jit3A_865, %sign3A_874 : i32
      %sign3A_876 = arith.extui %sign3A_875 : i1 to i32
      %sign3A_877 = arith.constant 0 : i32
      %sign3A_878 = arith.cmpi slt, %jit3A_865, %sign3A_877 : i32
      %sign3A_879 = arith.extui %sign3A_878 : i1 to i32
      %sign3A_880 = arith.subi %sign3A_876, %sign3A_879 : i32
      %ne3A_881 = arith.cmpi ne, %sign3A_873, %sign3A_880 : i32
      %rem3A_882 = arith.remsi %add3A_864, %jit3A_865 : i32
      %ne3A_883 = arith.constant 0 : i32
      %ne3A_884 = arith.cmpi ne, %rem3A_882, %ne3A_883 : i32
      %and3A_885 = arith.andi %ne3A_881, %ne3A_884 : i1
      %sub3A_886 = arith.constant 1 : i32
      %sub3A_887 = arith.subi %div3A_866, %sub3A_886 : i32
      %select_n3A_888 = arith.select %and3A_885, %sub3A_887, %div3A_866 : i32
      %mul3A_889 = arith.constant 32 : i32
      %mul3A_890 = arith.muli %select_n3A_888, %mul3A_889 : i32
      %sub3A_891 = arith.subi %add3A_864, %mul3A_890 : i32
      %mul3A_892 = arith.constant 16 : i32
      %mul3A_893 = arith.muli %sub3A_891, %mul3A_892 : i32
      %dma_start3A_894 = arith.constant 0 : i32
      %dma_start3A_895 = arith.constant 0 : i32
      %dma_start3A_896 = arith.constant 0 : i32
      %dma_start3A_897 = tpu.memref_slice %arg8[%dma_start3A_895, %dma_start3A_896] : memref<32x512xi32, #tpu.memory_space<vmem>> -> memref<16x512xi32, #tpu.memory_space<vmem>>
      %dma_start3A_898 = arith.constant 0 : i32
      %dma_start3A_899 = tpu.memref_slice %arg2[%select_n3A_888, %dma_start3A_894, %mul3A_893, %dma_start3A_898] : memref<64x1x512x512xi32, #tpu.memory_space<hbm>> -> memref<1x1x16x512xi32, #tpu.memory_space<hbm>>
      %dma_start3A_900 = tpu.memref_squeeze %dma_start3A_899 : memref<1x1x16x512xi32, #tpu.memory_space<hbm>> -> memref<16x512xi32, #tpu.memory_space<hbm>>
      %dma_start3A_901 = arith.constant 0 : i32
      %dma_start3A_902 = arith.constant 0 : i32
      %dma_start3A_903 = tpu.memref_slice %arg8[%dma_start3A_901, %dma_start3A_902] : memref<32x512xi32, #tpu.memory_space<vmem>> -> memref<16x512xi32, #tpu.memory_space<vmem>>
      %dma_start3A_904 = arith.constant 0 : i32
      %dma_start3A_905 = tpu.memref_slice %arg2[%select_n3A_888, %dma_start3A_894, %mul3A_893, %dma_start3A_904] : memref<64x1x512x512xi32, #tpu.memory_space<hbm>> -> memref<1x1x16x512xi32, #tpu.memory_space<hbm>>
      %dma_start3A_906 = tpu.memref_squeeze %dma_start3A_905 : memref<1x1x16x512xi32, #tpu.memory_space<hbm>> -> memref<16x512xi32, #tpu.memory_space<hbm>>
      tpu.enqueue_dma source(%dma_start3A_906 : memref<16x512xi32, #tpu.memory_space<hbm>>) target(%dma_start3A_903 : memref<16x512xi32, #tpu.memory_space<vmem>>) target_semaphore(%arg12 : memref<!tpu.dma_semaphore, #tpu.memory_space<semaphore_mem>>)
      %mul3A_907 = arith.constant 2 : i32
      %mul3A_908 = arith.muli %scan3A_721, %mul3A_907 : i32
      %add3A_909 = arith.constant 1 : i32
      %add3A_910 = arith.addi %mul3A_908, %add3A_909 : i32
      %dma_wait3A_911 = arith.constant 0 : i32
      %dma_wait3A_912 = arith.constant 0 : i32
      %dma_wait3A_913 = arith.constant 16 : i32
      %dma_wait3A_914 = arith.constant 0 : i32
      %dma_wait3A_915 = tpu.memref_slice %arg8[%dma_wait3A_913, %dma_wait3A_914] : memref<32x512xi32, #tpu.memory_space<vmem>> -> memref<16x512xi32, #tpu.memory_space<vmem>>
      %dma_wait3A_916 = arith.constant 0 : i32
      %dma_wait3A_917 = arith.constant 0 : i32
      %dma_wait3A_918 = tpu.memref_slice %arg2[%dma_wait3A_911, %dma_wait3A_912, %dma_wait3A_916, %dma_wait3A_917] : memref<64x1x512x512xi32, #tpu.memory_space<hbm>> -> memref<1x1x16x512xi32, #tpu.memory_space<hbm>>
      %dma_wait3A_919 = tpu.memref_squeeze %dma_wait3A_918 : memref<1x1x16x512xi32, #tpu.memory_space<hbm>> -> memref<16x512xi32, #tpu.memory_space<hbm>>
      %dma_wait3A_920 = arith.constant 16 : i32
      %dma_wait3A_921 = arith.constant 0 : i32
      %dma_wait3A_922 = tpu.memref_slice %arg8[%dma_wait3A_920, %dma_wait3A_921] : memref<32x512xi32, #tpu.memory_space<vmem>> -> memref<16x512xi32, #tpu.memory_space<vmem>>
      %dma_wait3A_923 = arith.constant 0 : i32
      %dma_wait3A_924 = arith.constant 0 : i32
      %dma_wait3A_925 = tpu.memref_slice %arg2[%dma_wait3A_911, %dma_wait3A_912, %dma_wait3A_923, %dma_wait3A_924] : memref<64x1x512x512xi32, #tpu.memory_space<hbm>> -> memref<1x1x16x512xi32, #tpu.memory_space<hbm>>
      %dma_wait3A_926 = tpu.memref_squeeze %dma_wait3A_925 : memref<1x1x16x512xi32, #tpu.memory_space<hbm>> -> memref<16x512xi32, #tpu.memory_space<hbm>>
      tpu.wait_dma2 semaphore(%arg13 : memref<!tpu.dma_semaphore, #tpu.memory_space<semaphore_mem>>) src(%dma_wait3A_926 : memref<16x512xi32, #tpu.memory_space<hbm>>) dst(%dma_wait3A_922 : memref<16x512xi32, #tpu.memory_space<vmem>>)
      %dma_wait3A_927 = arith.constant 0 : i32
      %dma_wait3A_928 = arith.constant 0 : i32
      %dma_wait3A_929 = arith.constant 16 : i32
      %dma_wait3A_930 = arith.constant 0 : i32
      %dma_wait3A_931 = tpu.memref_slice %arg9[%dma_wait3A_929, %dma_wait3A_930] : memref<32x512xf32, #tpu.memory_space<vmem>> -> memref<16x512xf32, #tpu.memory_space<vmem>>
      %dma_wait3A_932 = arith.constant 0 : i32
      %dma_wait3A_933 = arith.constant 0 : i32
      %dma_wait3A_934 = tpu.memref_slice %arg4[%dma_wait3A_927, %dma_wait3A_928, %dma_wait3A_932, %dma_wait3A_933] : memref<64x3x512x512xf32, #tpu.memory_space<hbm>> -> memref<1x1x16x512xf32, #tpu.memory_space<hbm>>
      %dma_wait3A_935 = tpu.memref_squeeze %dma_wait3A_934 : memref<1x1x16x512xf32, #tpu.memory_space<hbm>> -> memref<16x512xf32, #tpu.memory_space<hbm>>
      %dma_wait3A_936 = arith.constant 0 : i32
      %dma_wait3A_937 = arith.constant 0 : i32
      %dma_wait3A_938 = tpu.memref_slice %arg4[%dma_wait3A_927, %dma_wait3A_928, %dma_wait3A_936, %dma_wait3A_937] : memref<64x3x512x512xf32, #tpu.memory_space<hbm>> -> memref<1x1x16x512xf32, #tpu.memory_space<hbm>>
      %dma_wait3A_939 = tpu.memref_squeeze %dma_wait3A_938 : memref<1x1x16x512xf32, #tpu.memory_space<hbm>> -> memref<16x512xf32, #tpu.memory_space<hbm>>
      %dma_wait3A_940 = arith.constant 16 : i32
      %dma_wait3A_941 = arith.constant 0 : i32
      %dma_wait3A_942 = tpu.memref_slice %arg9[%dma_wait3A_940, %dma_wait3A_941] : memref<32x512xf32, #tpu.memory_space<vmem>> -> memref<16x512xf32, #tpu.memory_space<vmem>>
      tpu.wait_dma2 semaphore(%arg15 : memref<!tpu.dma_semaphore, #tpu.memory_space<semaphore_mem>>) src(%dma_wait3A_942 : memref<16x512xf32, #tpu.memory_space<vmem>>) dst(%dma_wait3A_939 : memref<16x512xf32, #tpu.memory_space<hbm>>)
      %dma_wait3A_943 = arith.constant 0 : i32
      %dma_wait3A_944 = arith.constant 1 : i32
      %dma_wait3A_945 = arith.constant 16 : i32
      %dma_wait3A_946 = arith.constant 0 : i32
      %dma_wait3A_947 = tpu.memref_slice %arg10[%dma_wait3A_945, %dma_wait3A_946] : memref<32x512xf32, #tpu.memory_space<vmem>> -> memref<16x512xf32, #tpu.memory_space<vmem>>
      %dma_wait3A_948 = arith.constant 0 : i32
      %dma_wait3A_949 = arith.constant 0 : i32
      %dma_wait3A_950 = tpu.memref_slice %arg4[%dma_wait3A_943, %dma_wait3A_944, %dma_wait3A_948, %dma_wait3A_949] : memref<64x3x512x512xf32, #tpu.memory_space<hbm>> -> memref<1x1x16x512xf32, #tpu.memory_space<hbm>>
      %dma_wait3A_951 = tpu.memref_squeeze %dma_wait3A_950 : memref<1x1x16x512xf32, #tpu.memory_space<hbm>> -> memref<16x512xf32, #tpu.memory_space<hbm>>
      %dma_wait3A_952 = arith.constant 0 : i32
      %dma_wait3A_953 = arith.constant 0 : i32
      %dma_wait3A_954 = tpu.memref_slice %arg4[%dma_wait3A_943, %dma_wait3A_944, %dma_wait3A_952, %dma_wait3A_953] : memref<64x3x512x512xf32, #tpu.memory_space<hbm>> -> memref<1x1x16x512xf32, #tpu.memory_space<hbm>>
      %dma_wait3A_955 = tpu.memref_squeeze %dma_wait3A_954 : memref<1x1x16x512xf32, #tpu.memory_space<hbm>> -> memref<16x512xf32, #tpu.memory_space<hbm>>
      %dma_wait3A_956 = arith.constant 16 : i32
      %dma_wait3A_957 = arith.constant 0 : i32
      %dma_wait3A_958 = tpu.memref_slice %arg10[%dma_wait3A_956, %dma_wait3A_957] : memref<32x512xf32, #tpu.memory_space<vmem>> -> memref<16x512xf32, #tpu.memory_space<vmem>>
      tpu.wait_dma2 semaphore(%arg15 : memref<!tpu.dma_semaphore, #tpu.memory_space<semaphore_mem>>) src(%dma_wait3A_958 : memref<16x512xf32, #tpu.memory_space<vmem>>) dst(%dma_wait3A_955 : memref<16x512xf32, #tpu.memory_space<hbm>>)
      %dma_wait3A_959 = arith.constant 0 : i32
      %dma_wait3A_960 = arith.constant 2 : i32
      %dma_wait3A_961 = arith.constant 16 : i32
      %dma_wait3A_962 = arith.constant 0 : i32
      %dma_wait3A_963 = tpu.memref_slice %arg11[%dma_wait3A_961, %dma_wait3A_962] : memref<32x512xf32, #tpu.memory_space<vmem>> -> memref<16x512xf32, #tpu.memory_space<vmem>>
      %dma_wait3A_964 = arith.constant 0 : i32
      %dma_wait3A_965 = arith.constant 0 : i32
      %dma_wait3A_966 = tpu.memref_slice %arg4[%dma_wait3A_959, %dma_wait3A_960, %dma_wait3A_964, %dma_wait3A_965] : memref<64x3x512x512xf32, #tpu.memory_space<hbm>> -> memref<1x1x16x512xf32, #tpu.memory_space<hbm>>
      %dma_wait3A_967 = tpu.memref_squeeze %dma_wait3A_966 : memref<1x1x16x512xf32, #tpu.memory_space<hbm>> -> memref<16x512xf32, #tpu.memory_space<hbm>>
      %dma_wait3A_968 = arith.constant 0 : i32
      %dma_wait3A_969 = arith.constant 0 : i32
      %dma_wait3A_970 = tpu.memref_slice %arg4[%dma_wait3A_959, %dma_wait3A_960, %dma_wait3A_968, %dma_wait3A_969] : memref<64x3x512x512xf32, #tpu.memory_space<hbm>> -> memref<1x1x16x512xf32, #tpu.memory_space<hbm>>
      %dma_wait3A_971 = tpu.memref_squeeze %dma_wait3A_970 : memref<1x1x16x512xf32, #tpu.memory_space<hbm>> -> memref<16x512xf32, #tpu.memory_space<hbm>>
      %dma_wait3A_972 = arith.constant 16 : i32
      %dma_wait3A_973 = arith.constant 0 : i32
      %dma_wait3A_974 = tpu.memref_slice %arg11[%dma_wait3A_972, %dma_wait3A_973] : memref<32x512xf32, #tpu.memory_space<vmem>> -> memref<16x512xf32, #tpu.memory_space<vmem>>
      tpu.wait_dma2 semaphore(%arg15 : memref<!tpu.dma_semaphore, #tpu.memory_space<semaphore_mem>>) src(%dma_wait3A_974 : memref<16x512xf32, #tpu.memory_space<vmem>>) dst(%dma_wait3A_971 : memref<16x512xf32, #tpu.memory_space<hbm>>)
      %parallel_loop3A_975 = arith.constant 0 : i32
      %parallel_loop3A_976 = arith.constant 512 : i32
      %parallel_loop3A_977 = arith.constant 1 : i32
      scf.for %parallel_loop3A_1092 = %parallel_loop3A_975 to %parallel_loop3A_976 step %parallel_loop3A_977  : i32 {
        %parallel_loop3A_1093 = arith.constant 5 : i32
        %parallel_loop3A_1094 = arith.shrsi %parallel_loop3A_1092, %parallel_loop3A_1093 : i32
        %parallel_loop3A_1095 = arith.constant 16 : i32
        %parallel_loop3A_1096 = arith.addi %parallel_loop3A_1095, %parallel_loop3A_1094 : i32
        %parallel_loop3A_1097 = arith.constant 31 : i32
        %parallel_loop3A_1098 = arith.andi %parallel_loop3A_1092, %parallel_loop3A_1097 : i32
        %parallel_loop3A_1099 = arith.constant 16 : i32
        %parallel_loop3A_1100 = arith.muli %parallel_loop3A_1098, %parallel_loop3A_1099 : i32
        %parallel_loop3A_1101 = arith.index_cast %parallel_loop3A_1096 : i32 to index
        %parallel_loop3A_1102 = arith.index_cast %parallel_loop3A_1100 : i32 to index
        %parallel_loop3A_1103 = tpu.vector_load %arg8[%parallel_loop3A_1101, %parallel_loop3A_1102] {strides = array<i32>} : memref<32x512xi32, #tpu.memory_space<vmem>>, vector<16xi32>,
        %parallel_loop3A_1104 = arith.constant 255 : i32
        %parallel_loop3A_1105 = vector.broadcast %parallel_loop3A_1104 : i32 to vector<16xi32>
        %parallel_loop3A_1106 = arith.andi %parallel_loop3A_1103, %parallel_loop3A_1105 : vector<16xi32>
        %parallel_loop3A_1107 = tpu.vector_load_idx %arg5[%parallel_loop3A_1106] : memref<256xf32, #tpu.memory_space<vmem>>[vector<16xi32>], vector<16xf32>,
        %parallel_loop3A_1108 = arith.index_cast %parallel_loop3A_1096 : i32 to index
        %parallel_loop3A_1109 = arith.index_cast %parallel_loop3A_1100 : i32 to index
        %parallel_loop3A_1110 = tpu.vector_load %arg9[%parallel_loop3A_1108, %parallel_loop3A_1109] {strides = array<i32>} : memref<32x512xf32, #tpu.memory_space<vmem>>, vector<16xf32>,
        tpu.vector_store %arg9[%parallel_loop3A_1108, %parallel_loop3A_1109], %parallel_loop3A_1107 {strides = array<i32>} : memref<32x512xf32, #tpu.memory_space<vmem>>, vector<16xf32>,
        %parallel_loop3A_1111 = tpu.vector_load_idx %arg6[%parallel_loop3A_1106] : memref<256xf32, #tpu.memory_space<vmem>>[vector<16xi32>], vector<16xf32>,
        %parallel_loop3A_1112 = arith.index_cast %parallel_loop3A_1096 : i32 to index
        %parallel_loop3A_1113 = arith.index_cast %parallel_loop3A_1100 : i32 to index
        %parallel_loop3A_1114 = tpu.vector_load %arg10[%parallel_loop3A_1112, %parallel_loop3A_1113] {strides = array<i32>} : memref<32x512xf32, #tpu.memory_space<vmem>>, vector<16xf32>,
        tpu.vector_store %arg10[%parallel_loop3A_1112, %parallel_loop3A_1113], %parallel_loop3A_1111 {strides = array<i32>} : memref<32x512xf32, #tpu.memory_space<vmem>>, vector<16xf32>,
        %parallel_loop3A_1115 = tpu.vector_load_idx %arg7[%parallel_loop3A_1106] : memref<256xf32, #tpu.memory_space<vmem>>[vector<16xi32>], vector<16xf32>,
        %parallel_loop3A_1116 = arith.index_cast %parallel_loop3A_1096 : i32 to index
        %parallel_loop3A_1117 = arith.index_cast %parallel_loop3A_1100 : i32 to index
        %parallel_loop3A_1118 = tpu.vector_load %arg11[%parallel_loop3A_1116, %parallel_loop3A_1117] {strides = array<i32>} : memref<32x512xf32, #tpu.memory_space<vmem>>, vector<16xf32>,
        tpu.vector_store %arg11[%parallel_loop3A_1116, %parallel_loop3A_1117], %parallel_loop3A_1115 {strides = array<i32>} : memref<32x512xf32, #tpu.memory_space<vmem>>, vector<16xf32>,
      } {sc.loop_unroll_factor = 8 : i64, sc.parallel_access}
      %add3A_978 = arith.addi %mul3A_2, %add3A_910 : i32
      %jit3A_979 = arith.constant 32 : i32
      %div3A_980 = arith.divsi %add3A_978, %jit3A_979 : i32
      %sign3A_981 = arith.constant 0 : i32
      %sign3A_982 = arith.cmpi sgt, %add3A_978, %sign3A_981 : i32
      %sign3A_983 = arith.extui %sign3A_982 : i1 to i32
      %sign3A_984 = arith.constant 0 : i32
      %sign3A_985 = arith.cmpi slt, %add3A_978, %sign3A_984 : i32
      %sign3A_986 = arith.extui %sign3A_985 : i1 to i32
      %sign3A_987 = arith.subi %sign3A_983, %sign3A_986 : i32
      %sign3A_988 = arith.constant 0 : i32
      %sign3A_989 = arith.cmpi sgt, %jit3A_979, %sign3A_988 : i32
      %sign3A_990 = arith.extui %sign3A_989 : i1 to i32
      %sign3A_991 = arith.constant 0 : i32
      %sign3A_992 = arith.cmpi slt, %jit3A_979, %sign3A_991 : i32
      %sign3A_993 = arith.extui %sign3A_992 : i1 to i32
      %sign3A_994 = arith.subi %sign3A_990, %sign3A_993 : i32
      %ne3A_995 = arith.cmpi ne, %sign3A_987, %sign3A_994 : i32
      %rem3A_996 = arith.remsi %add3A_978, %jit3A_979 : i32
      %ne3A_997 = arith.constant 0 : i32
      %ne3A_998 = arith.cmpi ne, %rem3A_996, %ne3A_997 : i32
      %and3A_999 = arith.andi %ne3A_995, %ne3A_998 : i1
      %sub3A_1000 = arith.constant 1 : i32
      %sub3A_1001 = arith.subi %div3A_980, %sub3A_1000 : i32
      %select_n3A_1002 = arith.select %and3A_999, %sub3A_1001, %div3A_980 : i32
      %mul3A_1003 = arith.constant 32 : i32
      %mul3A_1004 = arith.muli %select_n3A_1002, %mul3A_1003 : i32
      %sub3A_1005 = arith.subi %add3A_978, %mul3A_1004 : i32
      %mul3A_1006 = arith.constant 16 : i32
      %mul3A_1007 = arith.muli %sub3A_1005, %mul3A_1006 : i32
      %dma_start3A_1008 = arith.constant 0 : i32
      %dma_start3A_1009 = arith.constant 16 : i32
      %dma_start3A_1010 = arith.constant 0 : i32
      %dma_start3A_1011 = tpu.memref_slice %arg9[%dma_start3A_1009, %dma_start3A_1010] : memref<32x512xf32, #tpu.memory_space<vmem>> -> memref<16x512xf32, #tpu.memory_space<vmem>>
      %dma_start3A_1012 = arith.constant 0 : i32
      %dma_start3A_1013 = tpu.memref_slice %arg4[%select_n3A_1002, %dma_start3A_1008, %mul3A_1007, %dma_start3A_1012] : memref<64x3x512x512xf32, #tpu.memory_space<hbm>> -> memref<1x1x16x512xf32, #tpu.memory_space<hbm>>
      %dma_start3A_1014 = tpu.memref_squeeze %dma_start3A_1013 : memref<1x1x16x512xf32, #tpu.memory_space<hbm>> -> memref<16x512xf32, #tpu.memory_space<hbm>>
      %dma_start3A_1015 = arith.constant 0 : i32
      %dma_start3A_1016 = tpu.memref_slice %arg4[%select_n3A_1002, %dma_start3A_1008, %mul3A_1007, %dma_start3A_1015] : memref<64x3x512x512xf32, #tpu.memory_space<hbm>> -> memref<1x1x16x512xf32, #tpu.memory_space<hbm>>
      %dma_start3A_1017 = tpu.memref_squeeze %dma_start3A_1016 : memref<1x1x16x512xf32, #tpu.memory_space<hbm>> -> memref<16x512xf32, #tpu.memory_space<hbm>>
      %dma_start3A_1018 = arith.constant 16 : i32
      %dma_start3A_1019 = arith.constant 0 : i32
      %dma_start3A_1020 = tpu.memref_slice %arg9[%dma_start3A_1018, %dma_start3A_1019] : memref<32x512xf32, #tpu.memory_space<vmem>> -> memref<16x512xf32, #tpu.memory_space<vmem>>
      tpu.enqueue_dma source(%dma_start3A_1020 : memref<16x512xf32, #tpu.memory_space<vmem>>) target(%dma_start3A_1017 : memref<16x512xf32, #tpu.memory_space<hbm>>) target_semaphore(%arg15 : memref<!tpu.dma_semaphore, #tpu.memory_space<semaphore_mem>>)
      %dma_start3A_1021 = arith.constant 1 : i32
      %dma_start3A_1022 = arith.constant 16 : i32
      %dma_start3A_1023 = arith.constant 0 : i32
      %dma_start3A_1024 = tpu.memref_slice %arg10[%dma_start3A_1022, %dma_start3A_1023] : memref<32x512xf32, #tpu.memory_space<vmem>> -> memref<16x512xf32, #tpu.memory_space<vmem>>
      %dma_start3A_1025 = arith.constant 0 : i32
      %dma_start3A_1026 = tpu.memref_slice %arg4[%select_n3A_1002, %dma_start3A_1021, %mul3A_1007, %dma_start3A_1025] : memref<64x3x512x512xf32, #tpu.memory_space<hbm>> -> memref<1x1x16x512xf32, #tpu.memory_space<hbm>>
      %dma_start3A_1027 = tpu.memref_squeeze %dma_start3A_1026 : memref<1x1x16x512xf32, #tpu.memory_space<hbm>> -> memref<16x512xf32, #tpu.memory_space<hbm>>
      %dma_start3A_1028 = arith.constant 0 : i32
      %dma_start3A_1029 = tpu.memref_slice %arg4[%select_n3A_1002, %dma_start3A_1021, %mul3A_1007, %dma_start3A_1028] : memref<64x3x512x512xf32, #tpu.memory_space<hbm>> -> memref<1x1x16x512xf32, #tpu.memory_space<hbm>>
      %dma_start3A_1030 = tpu.memref_squeeze %dma_start3A_1029 : memref<1x1x16x512xf32, #tpu.memory_space<hbm>> -> memref<16x512xf32, #tpu.memory_space<hbm>>
      %dma_start3A_1031 = arith.constant 16 : i32
      %dma_start3A_1032 = arith.constant 0 : i32
      %dma_start3A_1033 = tpu.memref_slice %arg10[%dma_start3A_1031, %dma_start3A_1032] : memref<32x512xf32, #tpu.memory_space<vmem>> -> memref<16x512xf32, #tpu.memory_space<vmem>>
      tpu.enqueue_dma source(%dma_start3A_1033 : memref<16x512xf32, #tpu.memory_space<vmem>>) target(%dma_start3A_1030 : memref<16x512xf32, #tpu.memory_space<hbm>>) target_semaphore(%arg15 : memref<!tpu.dma_semaphore, #tpu.memory_space<semaphore_mem>>)
      %dma_start3A_1034 = arith.constant 2 : i32
      %dma_start3A_1035 = arith.constant 16 : i32
      %dma_start3A_1036 = arith.constant 0 : i32
      %dma_start3A_1037 = tpu.memref_slice %arg11[%dma_start3A_1035, %dma_start3A_1036] : memref<32x512xf32, #tpu.memory_space<vmem>> -> memref<16x512xf32, #tpu.memory_space<vmem>>
      %dma_start3A_1038 = arith.constant 0 : i32
      %dma_start3A_1039 = tpu.memref_slice %arg4[%select_n3A_1002, %dma_start3A_1034, %mul3A_1007, %dma_start3A_1038] : memref<64x3x512x512xf32, #tpu.memory_space<hbm>> -> memref<1x1x16x512xf32, #tpu.memory_space<hbm>>
      %dma_start3A_1040 = tpu.memref_squeeze %dma_start3A_1039 : memref<1x1x16x512xf32, #tpu.memory_space<hbm>> -> memref<16x512xf32, #tpu.memory_space<hbm>>
      %dma_start3A_1041 = arith.constant 0 : i32
      %dma_start3A_1042 = tpu.memref_slice %arg4[%select_n3A_1002, %dma_start3A_1034, %mul3A_1007, %dma_start3A_1041] : memref<64x3x512x512xf32, #tpu.memory_space<hbm>> -> memref<1x1x16x512xf32, #tpu.memory_space<hbm>>
      %dma_start3A_1043 = tpu.memref_squeeze %dma_start3A_1042 : memref<1x1x16x512xf32, #tpu.memory_space<hbm>> -> memref<16x512xf32, #tpu.memory_space<hbm>>
      %dma_start3A_1044 = arith.constant 16 : i32
      %dma_start3A_1045 = arith.constant 0 : i32
      %dma_start3A_1046 = tpu.memref_slice %arg11[%dma_start3A_1044, %dma_start3A_1045] : memref<32x512xf32, #tpu.memory_space<vmem>> -> memref<16x512xf32, #tpu.memory_space<vmem>>
      tpu.enqueue_dma source(%dma_start3A_1046 : memref<16x512xf32, #tpu.memory_space<vmem>>) target(%dma_start3A_1043 : memref<16x512xf32, #tpu.memory_space<hbm>>) target_semaphore(%arg15 : memref<!tpu.dma_semaphore, #tpu.memory_space<semaphore_mem>>)
      %add3A_1047 = arith.constant 2 : i32
      %add3A_1048 = arith.addi %add3A_910, %add3A_1047 : i32
      %add3A_1049 = arith.addi %mul3A_2, %add3A_1048 : i32
      %jit3A_1050 = arith.constant 32 : i32
      %div3A_1051 = arith.divsi %add3A_1049, %jit3A_1050 : i32
      %sign3A_1052 = arith.constant 0 : i32
      %sign3A_1053 = arith.cmpi sgt, %add3A_1049, %sign3A_1052 : i32
      %sign3A_1054 = arith.extui %sign3A_1053 : i1 to i32
      %sign3A_1055 = arith.constant 0 : i32
      %sign3A_1056 = arith.cmpi slt, %add3A_1049, %sign3A_1055 : i32
      %sign3A_1057 = arith.extui %sign3A_1056 : i1 to i32
      %sign3A_1058 = arith.subi %sign3A_1054, %sign3A_1057 : i32
      %sign3A_1059 = arith.constant 0 : i32
      %sign3A_1060 = arith.cmpi sgt, %jit3A_1050, %sign3A_1059 : i32
      %sign3A_1061 = arith.extui %sign3A_1060 : i1 to i32
      %sign3A_1062 = arith.constant 0 : i32
      %sign3A_1063 = arith.cmpi slt, %jit3A_1050, %sign3A_1062 : i32
      %sign3A_1064 = arith.extui %sign3A_1063 : i1 to i32
      %sign3A_1065 = arith.subi %sign3A_1061, %sign3A_1064 : i32
      %ne3A_1066 = arith.cmpi ne, %sign3A_1058, %sign3A_1065 : i32
      %rem3A_1067 = arith.remsi %add3A_1049, %jit3A_1050 : i32
      %ne3A_1068 = arith.constant 0 : i32
      %ne3A_1069 = arith.cmpi ne, %rem3A_1067, %ne3A_1068 : i32
      %and3A_1070 = arith.andi %ne3A_1066, %ne3A_1069 : i1
      %sub3A_1071 = arith.constant 1 : i32
      %sub3A_1072 = arith.subi %div3A_1051, %sub3A_1071 : i32
      %select_n3A_1073 = arith.select %and3A_1070, %sub3A_1072, %div3A_1051 : i32
      %mul3A_1074 = arith.constant 32 : i32
      %mul3A_1075 = arith.muli %select_n3A_1073, %mul3A_1074 : i32
      %sub3A_1076 = arith.subi %add3A_1049, %mul3A_1075 : i32
      %mul3A_1077 = arith.constant 16 : i32
      %mul3A_1078 = arith.muli %sub3A_1076, %mul3A_1077 : i32
      %dma_start3A_1079 = arith.constant 0 : i32
      %dma_start3A_1080 = arith.constant 16 : i32
      %dma_start3A_1081 = arith.constant 0 : i32
      %dma_start3A_1082 = tpu.memref_slice %arg8[%dma_start3A_1080, %dma_start3A_1081] : memref<32x512xi32, #tpu.memory_space<vmem>> -> memref<16x512xi32, #tpu.memory_space<vmem>>
      %dma_start3A_1083 = arith.constant 0 : i32
      %dma_start3A_1084 = tpu.memref_slice %arg2[%select_n3A_1073, %dma_start3A_1079, %mul3A_1078, %dma_start3A_1083] : memref<64x1x512x512xi32, #tpu.memory_space<hbm>> -> memref<1x1x16x512xi32, #tpu.memory_space<hbm>>
      %dma_start3A_1085 = tpu.memref_squeeze %dma_start3A_1084 : memref<1x1x16x512xi32, #tpu.memory_space<hbm>> -> memref<16x512xi32, #tpu.memory_space<hbm>>
      %dma_start3A_1086 = arith.constant 16 : i32
      %dma_start3A_1087 = arith.constant 0 : i32
      %dma_start3A_1088 = tpu.memref_slice %arg8[%dma_start3A_1086, %dma_start3A_1087] : memref<32x512xi32, #tpu.memory_space<vmem>> -> memref<16x512xi32, #tpu.memory_space<vmem>>
      %dma_start3A_1089 = arith.constant 0 : i32
      %dma_start3A_1090 = tpu.memref_slice %arg2[%select_n3A_1073, %dma_start3A_1079, %mul3A_1078, %dma_start3A_1089] : memref<64x1x512x512xi32, #tpu.memory_space<hbm>> -> memref<1x1x16x512xi32, #tpu.memory_space<hbm>>
      %dma_start3A_1091 = tpu.memref_squeeze %dma_start3A_1090 : memref<1x1x16x512xi32, #tpu.memory_space<hbm>> -> memref<16x512xi32, #tpu.memory_space<hbm>>
      tpu.enqueue_dma source(%dma_start3A_1091 : memref<16x512xi32, #tpu.memory_space<hbm>>) target(%dma_start3A_1088 : memref<16x512xi32, #tpu.memory_space<vmem>>) target_semaphore(%arg13 : memref<!tpu.dma_semaphore, #tpu.memory_space<semaphore_mem>>)
    }
    %scan3A_350 = arith.constant 30 : i32
    %dma_wait3A_351 = arith.constant 0 : i32
    %dma_wait3A_352 = arith.constant 0 : i32
    %dma_wait3A_353 = arith.constant 0 : i32
    %dma_wait3A_354 = arith.constant 0 : i32
    %dma_wait3A_355 = tpu.memref_slice %arg8[%dma_wait3A_353, %dma_wait3A_354] : memref<32x512xi32, #tpu.memory_space<vmem>> -> memref<16x512xi32, #tpu.memory_space<vmem>>
    %dma_wait3A_356 = arith.constant 0 : i32
    %dma_wait3A_357 = arith.constant 0 : i32
    %dma_wait3A_358 = tpu.memref_slice %arg2[%dma_wait3A_351, %dma_wait3A_352, %dma_wait3A_356, %dma_wait3A_357] : memref<64x1x512x512xi32, #tpu.memory_space<hbm>> -> memref<1x1x16x512xi32, #tpu.memory_space<hbm>>
    %dma_wait3A_359 = tpu.memref_squeeze %dma_wait3A_358 : memref<1x1x16x512xi32, #tpu.memory_space<hbm>> -> memref<16x512xi32, #tpu.memory_space<hbm>>
    %dma_wait3A_360 = arith.constant 0 : i32
    %dma_wait3A_361 = arith.constant 0 : i32
    %dma_wait3A_362 = tpu.memref_slice %arg8[%dma_wait3A_360, %dma_wait3A_361] : memref<32x512xi32, #tpu.memory_space<vmem>> -> memref<16x512xi32, #tpu.memory_space<vmem>>
    %dma_wait3A_363 = arith.constant 0 : i32
    %dma_wait3A_364 = arith.constant 0 : i32
    %dma_wait3A_365 = tpu.memref_slice %arg2[%dma_wait3A_351, %dma_wait3A_352, %dma_wait3A_363, %dma_wait3A_364] : memref<64x1x512x512xi32, #tpu.memory_space<hbm>> -> memref<1x1x16x512xi32, #tpu.memory_space<hbm>>
    %dma_wait3A_366 = tpu.memref_squeeze %dma_wait3A_365 : memref<1x1x16x512xi32, #tpu.memory_space<hbm>> -> memref<16x512xi32, #tpu.memory_space<hbm>>
    tpu.wait_dma2 semaphore(%arg12 : memref<!tpu.dma_semaphore, #tpu.memory_space<semaphore_mem>>) src(%dma_wait3A_366 : memref<16x512xi32, #tpu.memory_space<hbm>>) dst(%dma_wait3A_362 : memref<16x512xi32, #tpu.memory_space<vmem>>)
    %dma_wait3A_367 = arith.constant 0 : i32
    %dma_wait3A_368 = arith.constant 0 : i32
    %dma_wait3A_369 = arith.constant 0 : i32
    %dma_wait3A_370 = arith.constant 0 : i32
    %dma_wait3A_371 = tpu.memref_slice %arg9[%dma_wait3A_369, %dma_wait3A_370] : memref<32x512xf32, #tpu.memory_space<vmem>> -> memref<16x512xf32, #tpu.memory_space<vmem>>
    %dma_wait3A_372 = arith.constant 0 : i32
    %dma_wait3A_373 = arith.constant 0 : i32
    %dma_wait3A_374 = tpu.memref_slice %arg4[%dma_wait3A_367, %dma_wait3A_368, %dma_wait3A_372, %dma_wait3A_373] : memref<64x3x512x512xf32, #tpu.memory_space<hbm>> -> memref<1x1x16x512xf32, #tpu.memory_space<hbm>>
    %dma_wait3A_375 = tpu.memref_squeeze %dma_wait3A_374 : memref<1x1x16x512xf32, #tpu.memory_space<hbm>> -> memref<16x512xf32, #tpu.memory_space<hbm>>
    %dma_wait3A_376 = arith.constant 0 : i32
    %dma_wait3A_377 = arith.constant 0 : i32
    %dma_wait3A_378 = tpu.memref_slice %arg4[%dma_wait3A_367, %dma_wait3A_368, %dma_wait3A_376, %dma_wait3A_377] : memref<64x3x512x512xf32, #tpu.memory_space<hbm>> -> memref<1x1x16x512xf32, #tpu.memory_space<hbm>>
    %dma_wait3A_379 = tpu.memref_squeeze %dma_wait3A_378 : memref<1x1x16x512xf32, #tpu.memory_space<hbm>> -> memref<16x512xf32, #tpu.memory_space<hbm>>
    %dma_wait3A_380 = arith.constant 0 : i32
    %dma_wait3A_381 = arith.constant 0 : i32
    %dma_wait3A_382 = tpu.memref_slice %arg9[%dma_wait3A_380, %dma_wait3A_381] : memref<32x512xf32, #tpu.memory_space<vmem>> -> memref<16x512xf32, #tpu.memory_space<vmem>>
    tpu.wait_dma2 semaphore(%arg14 : memref<!tpu.dma_semaphore, #tpu.memory_space<semaphore_mem>>) src(%dma_wait3A_382 : memref<16x512xf32, #tpu.memory_space<vmem>>) dst(%dma_wait3A_379 : memref<16x512xf32, #tpu.memory_space<hbm>>)
    %dma_wait3A_383 = arith.constant 0 : i32
    %dma_wait3A_384 = arith.constant 1 : i32
    %dma_wait3A_385 = arith.constant 0 : i32
    %dma_wait3A_386 = arith.constant 0 : i32
    %dma_wait3A_387 = tpu.memref_slice %arg10[%dma_wait3A_385, %dma_wait3A_386] : memref<32x512xf32, #tpu.memory_space<vmem>> -> memref<16x512xf32, #tpu.memory_space<vmem>>
    %dma_wait3A_388 = arith.constant 0 : i32
    %dma_wait3A_389 = arith.constant 0 : i32
    %dma_wait3A_390 = tpu.memref_slice %arg4[%dma_wait3A_383, %dma_wait3A_384, %dma_wait3A_388, %dma_wait3A_389] : memref<64x3x512x512xf32, #tpu.memory_space<hbm>> -> memref<1x1x16x512xf32, #tpu.memory_space<hbm>>
    %dma_wait3A_391 = tpu.memref_squeeze %dma_wait3A_390 : memref<1x1x16x512xf32, #tpu.memory_space<hbm>> -> memref<16x512xf32, #tpu.memory_space<hbm>>
    %dma_wait3A_392 = arith.constant 0 : i32
    %dma_wait3A_393 = arith.constant 0 : i32
    %dma_wait3A_394 = tpu.memref_slice %arg4[%dma_wait3A_383, %dma_wait3A_384, %dma_wait3A_392, %dma_wait3A_393] : memref<64x3x512x512xf32, #tpu.memory_space<hbm>> -> memref<1x1x16x512xf32, #tpu.memory_space<hbm>>
    %dma_wait3A_395 = tpu.memref_squeeze %dma_wait3A_394 : memref<1x1x16x512xf32, #tpu.memory_space<hbm>> -> memref<16x512xf32, #tpu.memory_space<hbm>>
    %dma_wait3A_396 = arith.constant 0 : i32
    %dma_wait3A_397 = arith.constant 0 : i32
    %dma_wait3A_398 = tpu.memref_slice %arg10[%dma_wait3A_396, %dma_wait3A_397] : memref<32x512xf32, #tpu.memory_space<vmem>> -> memref<16x512xf32, #tpu.memory_space<vmem>>
    tpu.wait_dma2 semaphore(%arg14 : memref<!tpu.dma_semaphore, #tpu.memory_space<semaphore_mem>>) src(%dma_wait3A_398 : memref<16x512xf32, #tpu.memory_space<vmem>>) dst(%dma_wait3A_395 : memref<16x512xf32, #tpu.memory_space<hbm>>)
    %dma_wait3A_399 = arith.constant 0 : i32
    %dma_wait3A_400 = arith.constant 2 : i32
    %dma_wait3A_401 = arith.constant 0 : i32
    %dma_wait3A_402 = arith.constant 0 : i32
    %dma_wait3A_403 = tpu.memref_slice %arg11[%dma_wait3A_401, %dma_wait3A_402] : memref<32x512xf32, #tpu.memory_space<vmem>> -> memref<16x512xf32, #tpu.memory_space<vmem>>
    %dma_wait3A_404 = arith.constant 0 : i32
    %dma_wait3A_405 = arith.constant 0 : i32
    %dma_wait3A_406 = tpu.memref_slice %arg4[%dma_wait3A_399, %dma_wait3A_400, %dma_wait3A_404, %dma_wait3A_405] : memref<64x3x512x512xf32, #tpu.memory_space<hbm>> -> memref<1x1x16x512xf32, #tpu.memory_space<hbm>>
    %dma_wait3A_407 = tpu.memref_squeeze %dma_wait3A_406 : memref<1x1x16x512xf32, #tpu.memory_space<hbm>> -> memref<16x512xf32, #tpu.memory_space<hbm>>
    %dma_wait3A_408 = arith.constant 0 : i32
    %dma_wait3A_409 = arith.constant 0 : i32
    %dma_wait3A_410 = tpu.memref_slice %arg4[%dma_wait3A_399, %dma_wait3A_400, %dma_wait3A_408, %dma_wait3A_409] : memref<64x3x512x512xf32, #tpu.memory_space<hbm>> -> memref<1x1x16x512xf32, #tpu.memory_space<hbm>>
    %dma_wait3A_411 = tpu.memref_squeeze %dma_wait3A_410 : memref<1x1x16x512xf32, #tpu.memory_space<hbm>> -> memref<16x512xf32, #tpu.memory_space<hbm>>
    %dma_wait3A_412 = arith.constant 0 : i32
    %dma_wait3A_413 = arith.constant 0 : i32
    %dma_wait3A_414 = tpu.memref_slice %arg11[%dma_wait3A_412, %dma_wait3A_413] : memref<32x512xf32, #tpu.memory_space<vmem>> -> memref<16x512xf32, #tpu.memory_space<vmem>>
    tpu.wait_dma2 semaphore(%arg14 : memref<!tpu.dma_semaphore, #tpu.memory_space<semaphore_mem>>) src(%dma_wait3A_414 : memref<16x512xf32, #tpu.memory_space<vmem>>) dst(%dma_wait3A_411 : memref<16x512xf32, #tpu.memory_space<hbm>>)
    %parallel_loop3A_415 = arith.constant 0 : i32
    %parallel_loop3A_416 = arith.constant 512 : i32
    %parallel_loop3A_417 = arith.constant 1 : i32
    scf.for %parallel_loop3A_721 = %parallel_loop3A_415 to %parallel_loop3A_416 step %parallel_loop3A_417  : i32 {
      %parallel_loop3A_722 = arith.constant 5 : i32
      %parallel_loop3A_723 = arith.shrsi %parallel_loop3A_721, %parallel_loop3A_722 : i32
      %parallel_loop3A_724 = arith.constant 0 : i32
      %parallel_loop3A_725 = arith.addi %parallel_loop3A_724, %parallel_loop3A_723 : i32
      %parallel_loop3A_726 = arith.constant 31 : i32
      %parallel_loop3A_727 = arith.andi %parallel_loop3A_721, %parallel_loop3A_726 : i32
      %parallel_loop3A_728 = arith.constant 16 : i32
      %parallel_loop3A_729 = arith.muli %parallel_loop3A_727, %parallel_loop3A_728 : i32
      %parallel_loop3A_730 = arith.index_cast %parallel_loop3A_725 : i32 to index
      %parallel_loop3A_731 = arith.index_cast %parallel_loop3A_729 : i32 to index
      %parallel_loop3A_732 = tpu.vector_load %arg8[%parallel_loop3A_730, %parallel_loop3A_731] {strides = array<i32>} : memref<32x512xi32, #tpu.memory_space<vmem>>, vector<16xi32>,
      %parallel_loop3A_733 = arith.constant 255 : i32
      %parallel_loop3A_734 = vector.broadcast %parallel_loop3A_733 : i32 to vector<16xi32>
      %parallel_loop3A_735 = arith.andi %parallel_loop3A_732, %parallel_loop3A_734 : vector<16xi32>
      %parallel_loop3A_736 = tpu.vector_load_idx %arg5[%parallel_loop3A_735] : memref<256xf32, #tpu.memory_space<vmem>>[vector<16xi32>], vector<16xf32>,
      %parallel_loop3A_737 = arith.index_cast %parallel_loop3A_725 : i32 to index
      %parallel_loop3A_738 = arith.index_cast %parallel_loop3A_729 : i32 to index
      %parallel_loop3A_739 = tpu.vector_load %arg9[%parallel_loop3A_737, %parallel_loop3A_738] {strides = array<i32>} : memref<32x512xf32, #tpu.memory_space<vmem>>, vector<16xf32>,
      tpu.vector_store %arg9[%parallel_loop3A_737, %parallel_loop3A_738], %parallel_loop3A_736 {strides = array<i32>} : memref<32x512xf32, #tpu.memory_space<vmem>>, vector<16xf32>,
      %parallel_loop3A_740 = tpu.vector_load_idx %arg6[%parallel_loop3A_735] : memref<256xf32, #tpu.memory_space<vmem>>[vector<16xi32>], vector<16xf32>,
      %parallel_loop3A_741 = arith.index_cast %parallel_loop3A_725 : i32 to index
      %parallel_loop3A_742 = arith.index_cast %parallel_loop3A_729 : i32 to index
      %parallel_loop3A_743 = tpu.vector_load %arg10[%parallel_loop3A_741, %parallel_loop3A_742] {strides = array<i32>} : memref<32x512xf32, #tpu.memory_space<vmem>>, vector<16xf32>,
      tpu.vector_store %arg10[%parallel_loop3A_741, %parallel_loop3A_742], %parallel_loop3A_740 {strides = array<i32>} : memref<32x512xf32, #tpu.memory_space<vmem>>, vector<16xf32>,
      %parallel_loop3A_744 = tpu.vector_load_idx %arg7[%parallel_loop3A_735] : memref<256xf32, #tpu.memory_space<vmem>>[vector<16xi32>], vector<16xf32>,
      %parallel_loop3A_745 = arith.index_cast %parallel_loop3A_725 : i32 to index
      %parallel_loop3A_746 = arith.index_cast %parallel_loop3A_729 : i32 to index
      %parallel_loop3A_747 = tpu.vector_load %arg11[%parallel_loop3A_745, %parallel_loop3A_746] {strides = array<i32>} : memref<32x512xf32, #tpu.memory_space<vmem>>, vector<16xf32>,
      tpu.vector_store %arg11[%parallel_loop3A_745, %parallel_loop3A_746], %parallel_loop3A_744 {strides = array<i32>} : memref<32x512xf32, #tpu.memory_space<vmem>>, vector<16xf32>,
    } {sc.loop_unroll_factor = 8 : i64, sc.parallel_access}
    %add3A_418 = arith.constant 62 : i32
    %add3A_419 = arith.addi %mul3A_2, %add3A_418 : i32
    %jit3A_420 = arith.constant 32 : i32
    %div3A_421 = arith.divsi %add3A_419, %jit3A_420 : i32
    %sign3A_422 = arith.constant 0 : i32
    %sign3A_423 = arith.cmpi sgt, %add3A_419, %sign3A_422 : i32
    %sign3A_424 = arith.extui %sign3A_423 : i1 to i32
    %sign3A_425 = arith.constant 0 : i32
    %sign3A_426 = arith.cmpi slt, %add3A_419, %sign3A_425 : i32
    %sign3A_427 = arith.extui %sign3A_426 : i1 to i32
    %sign3A_428 = arith.subi %sign3A_424, %sign3A_427 : i32
    %sign3A_429 = arith.constant 0 : i32
    %sign3A_430 = arith.cmpi sgt, %jit3A_420, %sign3A_429 : i32
    %sign3A_431 = arith.extui %sign3A_430 : i1 to i32
    %sign3A_432 = arith.constant 0 : i32
    %sign3A_433 = arith.cmpi slt, %jit3A_420, %sign3A_432 : i32
    %sign3A_434 = arith.extui %sign3A_433 : i1 to i32
    %sign3A_435 = arith.subi %sign3A_431, %sign3A_434 : i32
    %ne3A_436 = arith.cmpi ne, %sign3A_428, %sign3A_435 : i32
    %rem3A_437 = arith.remsi %add3A_419, %jit3A_420 : i32
    %ne3A_438 = arith.constant 0 : i32
    %ne3A_439 = arith.cmpi ne, %rem3A_437, %ne3A_438 : i32
    %and3A_440 = arith.andi %ne3A_436, %ne3A_439 : i1
    %sub3A_441 = arith.constant 1 : i32
    %sub3A_442 = arith.subi %div3A_421, %sub3A_441 : i32
    %select_n3A_443 = arith.select %and3A_440, %sub3A_442, %div3A_421 : i32
    %mul3A_444 = arith.constant 32 : i32
    %mul3A_445 = arith.muli %select_n3A_443, %mul3A_444 : i32
    %sub3A_446 = arith.subi %add3A_419, %mul3A_445 : i32
    %mul3A_447 = arith.constant 16 : i32
    %mul3A_448 = arith.muli %sub3A_446, %mul3A_447 : i32
    %dma_start3A_449 = arith.constant 0 : i32
    %dma_start3A_450 = arith.constant 0 : i32
    %dma_start3A_451 = arith.constant 0 : i32
    %dma_start3A_452 = tpu.memref_slice %arg9[%dma_start3A_450, %dma_start3A_451] : memref<32x512xf32, #tpu.memory_space<vmem>> -> memref<16x512xf32, #tpu.memory_space<vmem>>
    %dma_start3A_453 = arith.constant 0 : i32
    %dma_start3A_454 = tpu.memref_slice %arg4[%select_n3A_443, %dma_start3A_449, %mul3A_448, %dma_start3A_453] : memref<64x3x512x512xf32, #tpu.memory_space<hbm>> -> memref<1x1x16x512xf32, #tpu.memory_space<hbm>>
    %dma_start3A_455 = tpu.memref_squeeze %dma_start3A_454 : memref<1x1x16x512xf32, #tpu.memory_space<hbm>> -> memref<16x512xf32, #tpu.memory_space<hbm>>
    %dma_start3A_456 = arith.constant 0 : i32
    %dma_start3A_457 = tpu.memref_slice %arg4[%select_n3A_443, %dma_start3A_449, %mul3A_448, %dma_start3A_456] : memref<64x3x512x512xf32, #tpu.memory_space<hbm>> -> memref<1x1x16x512xf32, #tpu.memory_space<hbm>>
    %dma_start3A_458 = tpu.memref_squeeze %dma_start3A_457 : memref<1x1x16x512xf32, #tpu.memory_space<hbm>> -> memref<16x512xf32, #tpu.memory_space<hbm>>
    %dma_start3A_459 = arith.constant 0 : i32
    %dma_start3A_460 = arith.constant 0 : i32
    %dma_start3A_461 = tpu.memref_slice %arg9[%dma_start3A_459, %dma_start3A_460] : memref<32x512xf32, #tpu.memory_space<vmem>> -> memref<16x512xf32, #tpu.memory_space<vmem>>
    tpu.enqueue_dma source(%dma_start3A_461 : memref<16x512xf32, #tpu.memory_space<vmem>>) target(%dma_start3A_458 : memref<16x512xf32, #tpu.memory_space<hbm>>) target_semaphore(%arg14 : memref<!tpu.dma_semaphore, #tpu.memory_space<semaphore_mem>>)
    %dma_start3A_462 = arith.constant 1 : i32
    %dma_start3A_463 = arith.constant 0 : i32
    %dma_start3A_464 = arith.constant 0 : i32
    %dma_start3A_465 = tpu.memref_slice %arg10[%dma_start3A_463, %dma_start3A_464] : memref<32x512xf32, #tpu.memory_space<vmem>> -> memref<16x512xf32, #tpu.memory_space<vmem>>
    %dma_start3A_466 = arith.constant 0 : i32
    %dma_start3A_467 = tpu.memref_slice %arg4[%select_n3A_443, %dma_start3A_462, %mul3A_448, %dma_start3A_466] : memref<64x3x512x512xf32, #tpu.memory_space<hbm>> -> memref<1x1x16x512xf32, #tpu.memory_space<hbm>>
    %dma_start3A_468 = tpu.memref_squeeze %dma_start3A_467 : memref<1x1x16x512xf32, #tpu.memory_space<hbm>> -> memref<16x512xf32, #tpu.memory_space<hbm>>
    %dma_start3A_469 = arith.constant 0 : i32
    %dma_start3A_470 = tpu.memref_slice %arg4[%select_n3A_443, %dma_start3A_462, %mul3A_448, %dma_start3A_469] : memref<64x3x512x512xf32, #tpu.memory_space<hbm>> -> memref<1x1x16x512xf32, #tpu.memory_space<hbm>>
    %dma_start3A_471 = tpu.memref_squeeze %dma_start3A_470 : memref<1x1x16x512xf32, #tpu.memory_space<hbm>> -> memref<16x512xf32, #tpu.memory_space<hbm>>
    %dma_start3A_472 = arith.constant 0 : i32
    %dma_start3A_473 = arith.constant 0 : i32
    %dma_start3A_474 = tpu.memref_slice %arg10[%dma_start3A_472, %dma_start3A_473] : memref<32x512xf32, #tpu.memory_space<vmem>> -> memref<16x512xf32, #tpu.memory_space<vmem>>
    tpu.enqueue_dma source(%dma_start3A_474 : memref<16x512xf32, #tpu.memory_space<vmem>>) target(%dma_start3A_471 : memref<16x512xf32, #tpu.memory_space<hbm>>) target_semaphore(%arg14 : memref<!tpu.dma_semaphore, #tpu.memory_space<semaphore_mem>>)
    %dma_start3A_475 = arith.constant 2 : i32
    %dma_start3A_476 = arith.constant 0 : i32
    %dma_start3A_477 = arith.constant 0 : i32
    %dma_start3A_478 = tpu.memref_slice %arg11[%dma_start3A_476, %dma_start3A_477] : memref<32x512xf32, #tpu.memory_space<vmem>> -> memref<16x512xf32, #tpu.memory_space<vmem>>
    %dma_start3A_479 = arith.constant 0 : i32
    %dma_start3A_480 = tpu.memref_slice %arg4[%select_n3A_443, %dma_start3A_475, %mul3A_448, %dma_start3A_479] : memref<64x3x512x512xf32, #tpu.memory_space<hbm>> -> memref<1x1x16x512xf32, #tpu.memory_space<hbm>>
    %dma_start3A_481 = tpu.memref_squeeze %dma_start3A_480 : memref<1x1x16x512xf32, #tpu.memory_space<hbm>> -> memref<16x512xf32, #tpu.memory_space<hbm>>
    %dma_start3A_482 = arith.constant 0 : i32
    %dma_start3A_483 = tpu.memref_slice %arg4[%select_n3A_443, %dma_start3A_475, %mul3A_448, %dma_start3A_482] : memref<64x3x512x512xf32, #tpu.memory_space<hbm>> -> memref<1x1x16x512xf32, #tpu.memory_space<hbm>>
    %dma_start3A_484 = tpu.memref_squeeze %dma_start3A_483 : memref<1x1x16x512xf32, #tpu.memory_space<hbm>> -> memref<16x512xf32, #tpu.memory_space<hbm>>
    %dma_start3A_485 = arith.constant 0 : i32
    %dma_start3A_486 = arith.constant 0 : i32
    %dma_start3A_487 = tpu.memref_slice %arg11[%dma_start3A_485, %dma_start3A_486] : memref<32x512xf32, #tpu.memory_space<vmem>> -> memref<16x512xf32, #tpu.memory_space<vmem>>
    tpu.enqueue_dma source(%dma_start3A_487 : memref<16x512xf32, #tpu.memory_space<vmem>>) target(%dma_start3A_484 : memref<16x512xf32, #tpu.memory_space<hbm>>) target_semaphore(%arg14 : memref<!tpu.dma_semaphore, #tpu.memory_space<semaphore_mem>>)
    %dma_wait3A_488 = arith.constant 0 : i32
    %dma_wait3A_489 = arith.constant 0 : i32
    %dma_wait3A_490 = arith.constant 16 : i32
    %dma_wait3A_491 = arith.constant 0 : i32
    %dma_wait3A_492 = tpu.memref_slice %arg8[%dma_wait3A_490, %dma_wait3A_491] : memref<32x512xi32, #tpu.memory_space<vmem>> -> memref<16x512xi32, #tpu.memory_space<vmem>>
    %dma_wait3A_493 = arith.constant 0 : i32
    %dma_wait3A_494 = arith.constant 0 : i32
    %dma_wait3A_495 = tpu.memref_slice %arg2[%dma_wait3A_488, %dma_wait3A_489, %dma_wait3A_493, %dma_wait3A_494] : memref<64x1x512x512xi32, #tpu.memory_space<hbm>> -> memref<1x1x16x512xi32, #tpu.memory_space<hbm>>
    %dma_wait3A_496 = tpu.memref_squeeze %dma_wait3A_495 : memref<1x1x16x512xi32, #tpu.memory_space<hbm>> -> memref<16x512xi32, #tpu.memory_space<hbm>>
    %dma_wait3A_497 = arith.constant 16 : i32
    %dma_wait3A_498 = arith.constant 0 : i32
    %dma_wait3A_499 = tpu.memref_slice %arg8[%dma_wait3A_497, %dma_wait3A_498] : memref<32x512xi32, #tpu.memory_space<vmem>> -> memref<16x512xi32, #tpu.memory_space<vmem>>
    %dma_wait3A_500 = arith.constant 0 : i32
    %dma_wait3A_501 = arith.constant 0 : i32
    %dma_wait3A_502 = tpu.memref_slice %arg2[%dma_wait3A_488, %dma_wait3A_489, %dma_wait3A_500, %dma_wait3A_501] : memref<64x1x512x512xi32, #tpu.memory_space<hbm>> -> memref<1x1x16x512xi32, #tpu.memory_space<hbm>>
    %dma_wait3A_503 = tpu.memref_squeeze %dma_wait3A_502 : memref<1x1x16x512xi32, #tpu.memory_space<hbm>> -> memref<16x512xi32, #tpu.memory_space<hbm>>
    tpu.wait_dma2 semaphore(%arg13 : memref<!tpu.dma_semaphore, #tpu.memory_space<semaphore_mem>>) src(%dma_wait3A_503 : memref<16x512xi32, #tpu.memory_space<hbm>>) dst(%dma_wait3A_499 : memref<16x512xi32, #tpu.memory_space<vmem>>)
    %dma_wait3A_504 = arith.constant 0 : i32
    %dma_wait3A_505 = arith.constant 0 : i32
    %dma_wait3A_506 = arith.constant 16 : i32
    %dma_wait3A_507 = arith.constant 0 : i32
    %dma_wait3A_508 = tpu.memref_slice %arg9[%dma_wait3A_506, %dma_wait3A_507] : memref<32x512xf32, #tpu.memory_space<vmem>> -> memref<16x512xf32, #tpu.memory_space<vmem>>
    %dma_wait3A_509 = arith.constant 0 : i32
    %dma_wait3A_510 = arith.constant 0 : i32
    %dma_wait3A_511 = tpu.memref_slice %arg4[%dma_wait3A_504, %dma_wait3A_505, %dma_wait3A_509, %dma_wait3A_510] : memref<64x3x512x512xf32, #tpu.memory_space<hbm>> -> memref<1x1x16x512xf32, #tpu.memory_space<hbm>>
    %dma_wait3A_512 = tpu.memref_squeeze %dma_wait3A_511 : memref<1x1x16x512xf32, #tpu.memory_space<hbm>> -> memref<16x512xf32, #tpu.memory_space<hbm>>
    %dma_wait3A_513 = arith.constant 0 : i32
    %dma_wait3A_514 = arith.constant 0 : i32
    %dma_wait3A_515 = tpu.memref_slice %arg4[%dma_wait3A_504, %dma_wait3A_505, %dma_wait3A_513, %dma_wait3A_514] : memref<64x3x512x512xf32, #tpu.memory_space<hbm>> -> memref<1x1x16x512xf32, #tpu.memory_space<hbm>>
    %dma_wait3A_516 = tpu.memref_squeeze %dma_wait3A_515 : memref<1x1x16x512xf32, #tpu.memory_space<hbm>> -> memref<16x512xf32, #tpu.memory_space<hbm>>
    %dma_wait3A_517 = arith.constant 16 : i32
    %dma_wait3A_518 = arith.constant 0 : i32
    %dma_wait3A_519 = tpu.memref_slice %arg9[%dma_wait3A_517, %dma_wait3A_518] : memref<32x512xf32, #tpu.memory_space<vmem>> -> memref<16x512xf32, #tpu.memory_space<vmem>>
    tpu.wait_dma2 semaphore(%arg15 : memref<!tpu.dma_semaphore, #tpu.memory_space<semaphore_mem>>) src(%dma_wait3A_519 : memref<16x512xf32, #tpu.memory_space<vmem>>) dst(%dma_wait3A_516 : memref<16x512xf32, #tpu.memory_space<hbm>>)
    %dma_wait3A_520 = arith.constant 0 : i32
    %dma_wait3A_521 = arith.constant 1 : i32
    %dma_wait3A_522 = arith.constant 16 : i32
    %dma_wait3A_523 = arith.constant 0 : i32
    %dma_wait3A_524 = tpu.memref_slice %arg10[%dma_wait3A_522, %dma_wait3A_523] : memref<32x512xf32, #tpu.memory_space<vmem>> -> memref<16x512xf32, #tpu.memory_space<vmem>>
    %dma_wait3A_525 = arith.constant 0 : i32
    %dma_wait3A_526 = arith.constant 0 : i32
    %dma_wait3A_527 = tpu.memref_slice %arg4[%dma_wait3A_520, %dma_wait3A_521, %dma_wait3A_525, %dma_wait3A_526] : memref<64x3x512x512xf32, #tpu.memory_space<hbm>> -> memref<1x1x16x512xf32, #tpu.memory_space<hbm>>
    %dma_wait3A_528 = tpu.memref_squeeze %dma_wait3A_527 : memref<1x1x16x512xf32, #tpu.memory_space<hbm>> -> memref<16x512xf32, #tpu.memory_space<hbm>>
    %dma_wait3A_529 = arith.constant 0 : i32
    %dma_wait3A_530 = arith.constant 0 : i32
    %dma_wait3A_531 = tpu.memref_slice %arg4[%dma_wait3A_520, %dma_wait3A_521, %dma_wait3A_529, %dma_wait3A_530] : memref<64x3x512x512xf32, #tpu.memory_space<hbm>> -> memref<1x1x16x512xf32, #tpu.memory_space<hbm>>
    %dma_wait3A_532 = tpu.memref_squeeze %dma_wait3A_531 : memref<1x1x16x512xf32, #tpu.memory_space<hbm>> -> memref<16x512xf32, #tpu.memory_space<hbm>>
    %dma_wait3A_533 = arith.constant 16 : i32
    %dma_wait3A_534 = arith.constant 0 : i32
    %dma_wait3A_535 = tpu.memref_slice %arg10[%dma_wait3A_533, %dma_wait3A_534] : memref<32x512xf32, #tpu.memory_space<vmem>> -> memref<16x512xf32, #tpu.memory_space<vmem>>
    tpu.wait_dma2 semaphore(%arg15 : memref<!tpu.dma_semaphore, #tpu.memory_space<semaphore_mem>>) src(%dma_wait3A_535 : memref<16x512xf32, #tpu.memory_space<vmem>>) dst(%dma_wait3A_532 : memref<16x512xf32, #tpu.memory_space<hbm>>)
    %dma_wait3A_536 = arith.constant 0 : i32
    %dma_wait3A_537 = arith.constant 2 : i32
    %dma_wait3A_538 = arith.constant 16 : i32
    %dma_wait3A_539 = arith.constant 0 : i32
    %dma_wait3A_540 = tpu.memref_slice %arg11[%dma_wait3A_538, %dma_wait3A_539] : memref<32x512xf32, #tpu.memory_space<vmem>> -> memref<16x512xf32, #tpu.memory_space<vmem>>
    %dma_wait3A_541 = arith.constant 0 : i32
    %dma_wait3A_542 = arith.constant 0 : i32
    %dma_wait3A_543 = tpu.memref_slice %arg4[%dma_wait3A_536, %dma_wait3A_537, %dma_wait3A_541, %dma_wait3A_542] : memref<64x3x512x512xf32, #tpu.memory_space<hbm>> -> memref<1x1x16x512xf32, #tpu.memory_space<hbm>>
    %dma_wait3A_544 = tpu.memref_squeeze %dma_wait3A_543 : memref<1x1x16x512xf32, #tpu.memory_space<hbm>> -> memref<16x512xf32, #tpu.memory_space<hbm>>
    %dma_wait3A_545 = arith.constant 0 : i32
    %dma_wait3A_546 = arith.constant 0 : i32
    %dma_wait3A_547 = tpu.memref_slice %arg4[%dma_wait3A_536, %dma_wait3A_537, %dma_wait3A_545, %dma_wait3A_546] : memref<64x3x512x512xf32, #tpu.memory_space<hbm>> -> memref<1x1x16x512xf32, #tpu.memory_space<hbm>>
    %dma_wait3A_548 = tpu.memref_squeeze %dma_wait3A_547 : memref<1x1x16x512xf32, #tpu.memory_space<hbm>> -> memref<16x512xf32, #tpu.memory_space<hbm>>
    %dma_wait3A_549 = arith.constant 16 : i32
    %dma_wait3A_550 = arith.constant 0 : i32
    %dma_wait3A_551 = tpu.memref_slice %arg11[%dma_wait3A_549, %dma_wait3A_550] : memref<32x512xf32, #tpu.memory_space<vmem>> -> memref<16x512xf32, #tpu.memory_space<vmem>>
    tpu.wait_dma2 semaphore(%arg15 : memref<!tpu.dma_semaphore, #tpu.memory_space<semaphore_mem>>) src(%dma_wait3A_551 : memref<16x512xf32, #tpu.memory_space<vmem>>) dst(%dma_wait3A_548 : memref<16x512xf32, #tpu.memory_space<hbm>>)
    %parallel_loop3A_552 = arith.constant 0 : i32
    %parallel_loop3A_553 = arith.constant 512 : i32
    %parallel_loop3A_554 = arith.constant 1 : i32
    scf.for %parallel_loop3A_721 = %parallel_loop3A_552 to %parallel_loop3A_553 step %parallel_loop3A_554  : i32 {
      %parallel_loop3A_722 = arith.constant 5 : i32
      %parallel_loop3A_723 = arith.shrsi %parallel_loop3A_721, %parallel_loop3A_722 : i32
      %parallel_loop3A_724 = arith.constant 16 : i32
      %parallel_loop3A_725 = arith.addi %parallel_loop3A_724, %parallel_loop3A_723 : i32
      %parallel_loop3A_726 = arith.constant 31 : i32
      %parallel_loop3A_727 = arith.andi %parallel_loop3A_721, %parallel_loop3A_726 : i32
      %parallel_loop3A_728 = arith.constant 16 : i32
      %parallel_loop3A_729 = arith.muli %parallel_loop3A_727, %parallel_loop3A_728 : i32
      %parallel_loop3A_730 = arith.index_cast %parallel_loop3A_725 : i32 to index
      %parallel_loop3A_731 = arith.index_cast %parallel_loop3A_729 : i32 to index
      %parallel_loop3A_732 = tpu.vector_load %arg8[%parallel_loop3A_730, %parallel_loop3A_731] {strides = array<i32>} : memref<32x512xi32, #tpu.memory_space<vmem>>, vector<16xi32>,
      %parallel_loop3A_733 = arith.constant 255 : i32
      %parallel_loop3A_734 = vector.broadcast %parallel_loop3A_733 : i32 to vector<16xi32>
      %parallel_loop3A_735 = arith.andi %parallel_loop3A_732, %parallel_loop3A_734 : vector<16xi32>
      %parallel_loop3A_736 = tpu.vector_load_idx %arg5[%parallel_loop3A_735] : memref<256xf32, #tpu.memory_space<vmem>>[vector<16xi32>], vector<16xf32>,
      %parallel_loop3A_737 = arith.index_cast %parallel_loop3A_725 : i32 to index
      %parallel_loop3A_738 = arith.index_cast %parallel_loop3A_729 : i32 to index
      %parallel_loop3A_739 = tpu.vector_load %arg9[%parallel_loop3A_737, %parallel_loop3A_738] {strides = array<i32>} : memref<32x512xf32, #tpu.memory_space<vmem>>, vector<16xf32>,
      tpu.vector_store %arg9[%parallel_loop3A_737, %parallel_loop3A_738], %parallel_loop3A_736 {strides = array<i32>} : memref<32x512xf32, #tpu.memory_space<vmem>>, vector<16xf32>,
      %parallel_loop3A_740 = tpu.vector_load_idx %arg6[%parallel_loop3A_735] : memref<256xf32, #tpu.memory_space<vmem>>[vector<16xi32>], vector<16xf32>,
      %parallel_loop3A_741 = arith.index_cast %parallel_loop3A_725 : i32 to index
      %parallel_loop3A_742 = arith.index_cast %parallel_loop3A_729 : i32 to index
      %parallel_loop3A_743 = tpu.vector_load %arg10[%parallel_loop3A_741, %parallel_loop3A_742] {strides = array<i32>} : memref<32x512xf32, #tpu.memory_space<vmem>>, vector<16xf32>,
      tpu.vector_store %arg10[%parallel_loop3A_741, %parallel_loop3A_742], %parallel_loop3A_740 {strides = array<i32>} : memref<32x512xf32, #tpu.memory_space<vmem>>, vector<16xf32>,
      %parallel_loop3A_744 = tpu.vector_load_idx %arg7[%parallel_loop3A_735] : memref<256xf32, #tpu.memory_space<vmem>>[vector<16xi32>], vector<16xf32>,
      %parallel_loop3A_745 = arith.index_cast %parallel_loop3A_725 : i32 to index
      %parallel_loop3A_746 = arith.index_cast %parallel_loop3A_729 : i32 to index
      %parallel_loop3A_747 = tpu.vector_load %arg11[%parallel_loop3A_745, %parallel_loop3A_746] {strides = array<i32>} : memref<32x512xf32, #tpu.memory_space<vmem>>, vector<16xf32>,
      tpu.vector_store %arg11[%parallel_loop3A_745, %parallel_loop3A_746], %parallel_loop3A_744 {strides = array<i32>} : memref<32x512xf32, #tpu.memory_space<vmem>>, vector<16xf32>,
    } {sc.loop_unroll_factor = 8 : i64, sc.parallel_access}
    %add3A_555 = arith.constant 63 : i32
    %add3A_556 = arith.addi %mul3A_2, %add3A_555 : i32
    %jit3A_557 = arith.constant 32 : i32
    %div3A_558 = arith.divsi %add3A_556, %jit3A_557 : i32
    %sign3A_559 = arith.constant 0 : i32
    %sign3A_560 = arith.cmpi sgt, %add3A_556, %sign3A_559 : i32
    %sign3A_561 = arith.extui %sign3A_560 : i1 to i32
    %sign3A_562 = arith.constant 0 : i32
    %sign3A_563 = arith.cmpi slt, %add3A_556, %sign3A_562 : i32
    %sign3A_564 = arith.extui %sign3A_563 : i1 to i32
    %sign3A_565 = arith.subi %sign3A_561, %sign3A_564 : i32
    %sign3A_566 = arith.constant 0 : i32
    %sign3A_567 = arith.cmpi sgt, %jit3A_557, %sign3A_566 : i32
    %sign3A_568 = arith.extui %sign3A_567 : i1 to i32
    %sign3A_569 = arith.constant 0 : i32
    %sign3A_570 = arith.cmpi slt, %jit3A_557, %sign3A_569 : i32
    %sign3A_571 = arith.extui %sign3A_570 : i1 to i32
    %sign3A_572 = arith.subi %sign3A_568, %sign3A_571 : i32
    %ne3A_573 = arith.cmpi ne, %sign3A_565, %sign3A_572 : i32
    %rem3A_574 = arith.remsi %add3A_556, %jit3A_557 : i32
    %ne3A_575 = arith.constant 0 : i32
    %ne3A_576 = arith.cmpi ne, %rem3A_574, %ne3A_575 : i32
    %and3A_577 = arith.andi %ne3A_573, %ne3A_576 : i1
    %sub3A_578 = arith.constant 1 : i32
    %sub3A_579 = arith.subi %div3A_558, %sub3A_578 : i32
    %select_n3A_580 = arith.select %and3A_577, %sub3A_579, %div3A_558 : i32
    %mul3A_581 = arith.constant 32 : i32
    %mul3A_582 = arith.muli %select_n3A_580, %mul3A_581 : i32
    %sub3A_583 = arith.subi %add3A_556, %mul3A_582 : i32
    %mul3A_584 = arith.constant 16 : i32
    %mul3A_585 = arith.muli %sub3A_583, %mul3A_584 : i32
    %dma_start3A_586 = arith.constant 0 : i32
    %dma_start3A_587 = arith.constant 16 : i32
    %dma_start3A_588 = arith.constant 0 : i32
    %dma_start3A_589 = tpu.memref_slice %arg9[%dma_start3A_587, %dma_start3A_588] : memref<32x512xf32, #tpu.memory_space<vmem>> -> memref<16x512xf32, #tpu.memory_space<vmem>>
    %dma_start3A_590 = arith.constant 0 : i32
    %dma_start3A_591 = tpu.memref_slice %arg4[%select_n3A_580, %dma_start3A_586, %mul3A_585, %dma_start3A_590] : memref<64x3x512x512xf32, #tpu.memory_space<hbm>> -> memref<1x1x16x512xf32, #tpu.memory_space<hbm>>
    %dma_start3A_592 = tpu.memref_squeeze %dma_start3A_591 : memref<1x1x16x512xf32, #tpu.memory_space<hbm>> -> memref<16x512xf32, #tpu.memory_space<hbm>>
    %dma_start3A_593 = arith.constant 0 : i32
    %dma_start3A_594 = tpu.memref_slice %arg4[%select_n3A_580, %dma_start3A_586, %mul3A_585, %dma_start3A_593] : memref<64x3x512x512xf32, #tpu.memory_space<hbm>> -> memref<1x1x16x512xf32, #tpu.memory_space<hbm>>
    %dma_start3A_595 = tpu.memref_squeeze %dma_start3A_594 : memref<1x1x16x512xf32, #tpu.memory_space<hbm>> -> memref<16x512xf32, #tpu.memory_space<hbm>>
    %dma_start3A_596 = arith.constant 16 : i32
    %dma_start3A_597 = arith.constant 0 : i32
    %dma_start3A_598 = tpu.memref_slice %arg9[%dma_start3A_596, %dma_start3A_597] : memref<32x512xf32, #tpu.memory_space<vmem>> -> memref<16x512xf32, #tpu.memory_space<vmem>>
    tpu.enqueue_dma source(%dma_start3A_598 : memref<16x512xf32, #tpu.memory_space<vmem>>) target(%dma_start3A_595 : memref<16x512xf32, #tpu.memory_space<hbm>>) target_semaphore(%arg15 : memref<!tpu.dma_semaphore, #tpu.memory_space<semaphore_mem>>)
    %dma_start3A_599 = arith.constant 1 : i32
    %dma_start3A_600 = arith.constant 16 : i32
    %dma_start3A_601 = arith.constant 0 : i32
    %dma_start3A_602 = tpu.memref_slice %arg10[%dma_start3A_600, %dma_start3A_601] : memref<32x512xf32, #tpu.memory_space<vmem>> -> memref<16x512xf32, #tpu.memory_space<vmem>>
    %dma_start3A_603 = arith.constant 0 : i32
    %dma_start3A_604 = tpu.memref_slice %arg4[%select_n3A_580, %dma_start3A_599, %mul3A_585, %dma_start3A_603] : memref<64x3x512x512xf32, #tpu.memory_space<hbm>> -> memref<1x1x16x512xf32, #tpu.memory_space<hbm>>
    %dma_start3A_605 = tpu.memref_squeeze %dma_start3A_604 : memref<1x1x16x512xf32, #tpu.memory_space<hbm>> -> memref<16x512xf32, #tpu.memory_space<hbm>>
    %dma_start3A_606 = arith.constant 0 : i32
    %dma_start3A_607 = tpu.memref_slice %arg4[%select_n3A_580, %dma_start3A_599, %mul3A_585, %dma_start3A_606] : memref<64x3x512x512xf32, #tpu.memory_space<hbm>> -> memref<1x1x16x512xf32, #tpu.memory_space<hbm>>
    %dma_start3A_608 = tpu.memref_squeeze %dma_start3A_607 : memref<1x1x16x512xf32, #tpu.memory_space<hbm>> -> memref<16x512xf32, #tpu.memory_space<hbm>>
    %dma_start3A_609 = arith.constant 16 : i32
    %dma_start3A_610 = arith.constant 0 : i32
    %dma_start3A_611 = tpu.memref_slice %arg10[%dma_start3A_609, %dma_start3A_610] : memref<32x512xf32, #tpu.memory_space<vmem>> -> memref<16x512xf32, #tpu.memory_space<vmem>>
    tpu.enqueue_dma source(%dma_start3A_611 : memref<16x512xf32, #tpu.memory_space<vmem>>) target(%dma_start3A_608 : memref<16x512xf32, #tpu.memory_space<hbm>>) target_semaphore(%arg15 : memref<!tpu.dma_semaphore, #tpu.memory_space<semaphore_mem>>)
    %dma_start3A_612 = arith.constant 2 : i32
    %dma_start3A_613 = arith.constant 16 : i32
    %dma_start3A_614 = arith.constant 0 : i32
    %dma_start3A_615 = tpu.memref_slice %arg11[%dma_start3A_613, %dma_start3A_614] : memref<32x512xf32, #tpu.memory_space<vmem>> -> memref<16x512xf32, #tpu.memory_space<vmem>>
    %dma_start3A_616 = arith.constant 0 : i32
    %dma_start3A_617 = tpu.memref_slice %arg4[%select_n3A_580, %dma_start3A_612, %mul3A_585, %dma_start3A_616] : memref<64x3x512x512xf32, #tpu.memory_space<hbm>> -> memref<1x1x16x512xf32, #tpu.memory_space<hbm>>
    %dma_start3A_618 = tpu.memref_squeeze %dma_start3A_617 : memref<1x1x16x512xf32, #tpu.memory_space<hbm>> -> memref<16x512xf32, #tpu.memory_space<hbm>>
    %dma_start3A_619 = arith.constant 0 : i32
    %dma_start3A_620 = tpu.memref_slice %arg4[%select_n3A_580, %dma_start3A_612, %mul3A_585, %dma_start3A_619] : memref<64x3x512x512xf32, #tpu.memory_space<hbm>> -> memref<1x1x16x512xf32, #tpu.memory_space<hbm>>
    %dma_start3A_621 = tpu.memref_squeeze %dma_start3A_620 : memref<1x1x16x512xf32, #tpu.memory_space<hbm>> -> memref<16x512xf32, #tpu.memory_space<hbm>>
    %dma_start3A_622 = arith.constant 16 : i32
    %dma_start3A_623 = arith.constant 0 : i32
    %dma_start3A_624 = tpu.memref_slice %arg11[%dma_start3A_622, %dma_start3A_623] : memref<32x512xf32, #tpu.memory_space<vmem>> -> memref<16x512xf32, #tpu.memory_space<vmem>>
    tpu.enqueue_dma source(%dma_start3A_624 : memref<16x512xf32, #tpu.memory_space<vmem>>) target(%dma_start3A_621 : memref<16x512xf32, #tpu.memory_space<hbm>>) target_semaphore(%arg15 : memref<!tpu.dma_semaphore, #tpu.memory_space<semaphore_mem>>)
    %dma_wait3A_625 = arith.constant 0 : i32
    %dma_wait3A_626 = arith.constant 0 : i32
    %dma_wait3A_627 = arith.constant 0 : i32
    %dma_wait3A_628 = arith.constant 0 : i32
    %dma_wait3A_629 = tpu.memref_slice %arg9[%dma_wait3A_627, %dma_wait3A_628] : memref<32x512xf32, #tpu.memory_space<vmem>> -> memref<16x512xf32, #tpu.memory_space<vmem>>
    %dma_wait3A_630 = arith.constant 0 : i32
    %dma_wait3A_631 = arith.constant 0 : i32
    %dma_wait3A_632 = tpu.memref_slice %arg4[%dma_wait3A_625, %dma_wait3A_626, %dma_wait3A_630, %dma_wait3A_631] : memref<64x3x512x512xf32, #tpu.memory_space<hbm>> -> memref<1x1x16x512xf32, #tpu.memory_space<hbm>>
    %dma_wait3A_633 = tpu.memref_squeeze %dma_wait3A_632 : memref<1x1x16x512xf32, #tpu.memory_space<hbm>> -> memref<16x512xf32, #tpu.memory_space<hbm>>
    %dma_wait3A_634 = arith.constant 0 : i32
    %dma_wait3A_635 = arith.constant 0 : i32
    %dma_wait3A_636 = tpu.memref_slice %arg4[%dma_wait3A_625, %dma_wait3A_626, %dma_wait3A_634, %dma_wait3A_635] : memref<64x3x512x512xf32, #tpu.memory_space<hbm>> -> memref<1x1x16x512xf32, #tpu.memory_space<hbm>>
    %dma_wait3A_637 = tpu.memref_squeeze %dma_wait3A_636 : memref<1x1x16x512xf32, #tpu.memory_space<hbm>> -> memref<16x512xf32, #tpu.memory_space<hbm>>
    %dma_wait3A_638 = arith.constant 0 : i32
    %dma_wait3A_639 = arith.constant 0 : i32
    %dma_wait3A_640 = tpu.memref_slice %arg9[%dma_wait3A_638, %dma_wait3A_639] : memref<32x512xf32, #tpu.memory_space<vmem>> -> memref<16x512xf32, #tpu.memory_space<vmem>>
    tpu.wait_dma2 semaphore(%arg14 : memref<!tpu.dma_semaphore, #tpu.memory_space<semaphore_mem>>) src(%dma_wait3A_640 : memref<16x512xf32, #tpu.memory_space<vmem>>) dst(%dma_wait3A_637 : memref<16x512xf32, #tpu.memory_space<hbm>>)
    %dma_wait3A_641 = arith.constant 0 : i32
    %dma_wait3A_642 = arith.constant 1 : i32
    %dma_wait3A_643 = arith.constant 0 : i32
    %dma_wait3A_644 = arith.constant 0 : i32
    %dma_wait3A_645 = tpu.memref_slice %arg10[%dma_wait3A_643, %dma_wait3A_644] : memref<32x512xf32, #tpu.memory_space<vmem>> -> memref<16x512xf32, #tpu.memory_space<vmem>>
    %dma_wait3A_646 = arith.constant 0 : i32
    %dma_wait3A_647 = arith.constant 0 : i32
    %dma_wait3A_648 = tpu.memref_slice %arg4[%dma_wait3A_641, %dma_wait3A_642, %dma_wait3A_646, %dma_wait3A_647] : memref<64x3x512x512xf32, #tpu.memory_space<hbm>> -> memref<1x1x16x512xf32, #tpu.memory_space<hbm>>
    %dma_wait3A_649 = tpu.memref_squeeze %dma_wait3A_648 : memref<1x1x16x512xf32, #tpu.memory_space<hbm>> -> memref<16x512xf32, #tpu.memory_space<hbm>>
    %dma_wait3A_650 = arith.constant 0 : i32
    %dma_wait3A_651 = arith.constant 0 : i32
    %dma_wait3A_652 = tpu.memref_slice %arg4[%dma_wait3A_641, %dma_wait3A_642, %dma_wait3A_650, %dma_wait3A_651] : memref<64x3x512x512xf32, #tpu.memory_space<hbm>> -> memref<1x1x16x512xf32, #tpu.memory_space<hbm>>
    %dma_wait3A_653 = tpu.memref_squeeze %dma_wait3A_652 : memref<1x1x16x512xf32, #tpu.memory_space<hbm>> -> memref<16x512xf32, #tpu.memory_space<hbm>>
    %dma_wait3A_654 = arith.constant 0 : i32
    %dma_wait3A_655 = arith.constant 0 : i32
    %dma_wait3A_656 = tpu.memref_slice %arg10[%dma_wait3A_654, %dma_wait3A_655] : memref<32x512xf32, #tpu.memory_space<vmem>> -> memref<16x512xf32, #tpu.memory_space<vmem>>
    tpu.wait_dma2 semaphore(%arg14 : memref<!tpu.dma_semaphore, #tpu.memory_space<semaphore_mem>>) src(%dma_wait3A_656 : memref<16x512xf32, #tpu.memory_space<vmem>>) dst(%dma_wait3A_653 : memref<16x512xf32, #tpu.memory_space<hbm>>)
    %dma_wait3A_657 = arith.constant 0 : i32
    %dma_wait3A_658 = arith.constant 2 : i32
    %dma_wait3A_659 = arith.constant 0 : i32
    %dma_wait3A_660 = arith.constant 0 : i32
    %dma_wait3A_661 = tpu.memref_slice %arg11[%dma_wait3A_659, %dma_wait3A_660] : memref<32x512xf32, #tpu.memory_space<vmem>> -> memref<16x512xf32, #tpu.memory_space<vmem>>
    %dma_wait3A_662 = arith.constant 0 : i32
    %dma_wait3A_663 = arith.constant 0 : i32
    %dma_wait3A_664 = tpu.memref_slice %arg4[%dma_wait3A_657, %dma_wait3A_658, %dma_wait3A_662, %dma_wait3A_663] : memref<64x3x512x512xf32, #tpu.memory_space<hbm>> -> memref<1x1x16x512xf32, #tpu.memory_space<hbm>>
    %dma_wait3A_665 = tpu.memref_squeeze %dma_wait3A_664 : memref<1x1x16x512xf32, #tpu.memory_space<hbm>> -> memref<16x512xf32, #tpu.memory_space<hbm>>
    %dma_wait3A_666 = arith.constant 0 : i32
    %dma_wait3A_667 = arith.constant 0 : i32
    %dma_wait3A_668 = tpu.memref_slice %arg4[%dma_wait3A_657, %dma_wait3A_658, %dma_wait3A_666, %dma_wait3A_667] : memref<64x3x512x512xf32, #tpu.memory_space<hbm>> -> memref<1x1x16x512xf32, #tpu.memory_space<hbm>>
    %dma_wait3A_669 = tpu.memref_squeeze %dma_wait3A_668 : memref<1x1x16x512xf32, #tpu.memory_space<hbm>> -> memref<16x512xf32, #tpu.memory_space<hbm>>
    %dma_wait3A_670 = arith.constant 0 : i32
    %dma_wait3A_671 = arith.constant 0 : i32
    %dma_wait3A_672 = tpu.memref_slice %arg11[%dma_wait3A_670, %dma_wait3A_671] : memref<32x512xf32, #tpu.memory_space<vmem>> -> memref<16x512xf32, #tpu.memory_space<vmem>>
    tpu.wait_dma2 semaphore(%arg14 : memref<!tpu.dma_semaphore, #tpu.memory_space<semaphore_mem>>) src(%dma_wait3A_672 : memref<16x512xf32, #tpu.memory_space<vmem>>) dst(%dma_wait3A_669 : memref<16x512xf32, #tpu.memory_space<hbm>>)
    %dma_wait3A_673 = arith.constant 0 : i32
    %dma_wait3A_674 = arith.constant 0 : i32
    %dma_wait3A_675 = arith.constant 16 : i32
    %dma_wait3A_676 = arith.constant 0 : i32
    %dma_wait3A_677 = tpu.memref_slice %arg9[%dma_wait3A_675, %dma_wait3A_676] : memref<32x512xf32, #tpu.memory_space<vmem>> -> memref<16x512xf32, #tpu.memory_space<vmem>>
    %dma_wait3A_678 = arith.constant 0 : i32
    %dma_wait3A_679 = arith.constant 0 : i32
    %dma_wait3A_680 = tpu.memref_slice %arg4[%dma_wait3A_673, %dma_wait3A_674, %dma_wait3A_678, %dma_wait3A_679] : memref<64x3x512x512xf32, #tpu.memory_space<hbm>> -> memref<1x1x16x512xf32, #tpu.memory_space<hbm>>
    %dma_wait3A_681 = tpu.memref_squeeze %dma_wait3A_680 : memref<1x1x16x512xf32, #tpu.memory_space<hbm>> -> memref<16x512xf32, #tpu.memory_space<hbm>>
    %dma_wait3A_682 = arith.constant 0 : i32
    %dma_wait3A_683 = arith.constant 0 : i32
    %dma_wait3A_684 = tpu.memref_slice %arg4[%dma_wait3A_673, %dma_wait3A_674, %dma_wait3A_682, %dma_wait3A_683] : memref<64x3x512x512xf32, #tpu.memory_space<hbm>> -> memref<1x1x16x512xf32, #tpu.memory_space<hbm>>
    %dma_wait3A_685 = tpu.memref_squeeze %dma_wait3A_684 : memref<1x1x16x512xf32, #tpu.memory_space<hbm>> -> memref<16x512xf32, #tpu.memory_space<hbm>>
    %dma_wait3A_686 = arith.constant 16 : i32
    %dma_wait3A_687 = arith.constant 0 : i32
    %dma_wait3A_688 = tpu.memref_slice %arg9[%dma_wait3A_686, %dma_wait3A_687] : memref<32x512xf32, #tpu.memory_space<vmem>> -> memref<16x512xf32, #tpu.memory_space<vmem>>
    tpu.wait_dma2 semaphore(%arg15 : memref<!tpu.dma_semaphore, #tpu.memory_space<semaphore_mem>>) src(%dma_wait3A_688 : memref<16x512xf32, #tpu.memory_space<vmem>>) dst(%dma_wait3A_685 : memref<16x512xf32, #tpu.memory_space<hbm>>)
    %dma_wait3A_689 = arith.constant 0 : i32
    %dma_wait3A_690 = arith.constant 1 : i32
    %dma_wait3A_691 = arith.constant 16 : i32
    %dma_wait3A_692 = arith.constant 0 : i32
    %dma_wait3A_693 = tpu.memref_slice %arg10[%dma_wait3A_691, %dma_wait3A_692] : memref<32x512xf32, #tpu.memory_space<vmem>> -> memref<16x512xf32, #tpu.memory_space<vmem>>
    %dma_wait3A_694 = arith.constant 0 : i32
    %dma_wait3A_695 = arith.constant 0 : i32
    %dma_wait3A_696 = tpu.memref_slice %arg4[%dma_wait3A_689, %dma_wait3A_690, %dma_wait3A_694, %dma_wait3A_695] : memref<64x3x512x512xf32, #tpu.memory_space<hbm>> -> memref<1x1x16x512xf32, #tpu.memory_space<hbm>>
    %dma_wait3A_697 = tpu.memref_squeeze %dma_wait3A_696 : memref<1x1x16x512xf32, #tpu.memory_space<hbm>> -> memref<16x512xf32, #tpu.memory_space<hbm>>
    %dma_wait3A_698 = arith.constant 0 : i32
    %dma_wait3A_699 = arith.constant 0 : i32
    %dma_wait3A_700 = tpu.memref_slice %arg4[%dma_wait3A_689, %dma_wait3A_690, %dma_wait3A_698, %dma_wait3A_699] : memref<64x3x512x512xf32, #tpu.memory_space<hbm>> -> memref<1x1x16x512xf32, #tpu.memory_space<hbm>>
    %dma_wait3A_701 = tpu.memref_squeeze %dma_wait3A_700 : memref<1x1x16x512xf32, #tpu.memory_space<hbm>> -> memref<16x512xf32, #tpu.memory_space<hbm>>
    %dma_wait3A_702 = arith.constant 16 : i32
    %dma_wait3A_703 = arith.constant 0 : i32
    %dma_wait3A_704 = tpu.memref_slice %arg10[%dma_wait3A_702, %dma_wait3A_703] : memref<32x512xf32, #tpu.memory_space<vmem>> -> memref<16x512xf32, #tpu.memory_space<vmem>>
    tpu.wait_dma2 semaphore(%arg15 : memref<!tpu.dma_semaphore, #tpu.memory_space<semaphore_mem>>) src(%dma_wait3A_704 : memref<16x512xf32, #tpu.memory_space<vmem>>) dst(%dma_wait3A_701 : memref<16x512xf32, #tpu.memory_space<hbm>>)
    %dma_wait3A_705 = arith.constant 0 : i32
    %dma_wait3A_706 = arith.constant 2 : i32
    %dma_wait3A_707 = arith.constant 16 : i32
    %dma_wait3A_708 = arith.constant 0 : i32
    %dma_wait3A_709 = tpu.memref_slice %arg11[%dma_wait3A_707, %dma_wait3A_708] : memref<32x512xf32, #tpu.memory_space<vmem>> -> memref<16x512xf32, #tpu.memory_space<vmem>>
    %dma_wait3A_710 = arith.constant 0 : i32
    %dma_wait3A_711 = arith.constant 0 : i32
    %dma_wait3A_712 = tpu.memref_slice %arg4[%dma_wait3A_705, %dma_wait3A_706, %dma_wait3A_710, %dma_wait3A_711] : memref<64x3x512x512xf32, #tpu.memory_space<hbm>> -> memref<1x1x16x512xf32, #tpu.memory_space<hbm>>
    %dma_wait3A_713 = tpu.memref_squeeze %dma_wait3A_712 : memref<1x1x16x512xf32, #tpu.memory_space<hbm>> -> memref<16x512xf32, #tpu.memory_space<hbm>>
    %dma_wait3A_714 = arith.constant 0 : i32
    %dma_wait3A_715 = arith.constant 0 : i32
    %dma_wait3A_716 = tpu.memref_slice %arg4[%dma_wait3A_705, %dma_wait3A_706, %dma_wait3A_714, %dma_wait3A_715] : memref<64x3x512x512xf32, #tpu.memory_space<hbm>> -> memref<1x1x16x512xf32, #tpu.memory_space<hbm>>
    %dma_wait3A_717 = tpu.memref_squeeze %dma_wait3A_716 : memref<1x1x16x512xf32, #tpu.memory_space<hbm>> -> memref<16x512xf32, #tpu.memory_space<hbm>>
    %dma_wait3A_718 = arith.constant 16 : i32
    %dma_wait3A_719 = arith.constant 0 : i32
    %dma_wait3A_720 = tpu.memref_slice %arg11[%dma_wait3A_718, %dma_wait3A_719] : memref<32x512xf32, #tpu.memory_space<vmem>> -> memref<16x512xf32, #tpu.memory_space<vmem>>
    tpu.wait_dma2 semaphore(%arg15 : memref<!tpu.dma_semaphore, #tpu.memory_space<semaphore_mem>>) src(%dma_wait3A_720 : memref<16x512xf32, #tpu.memory_space<vmem>>) dst(%dma_wait3A_717 : memref<16x512xf32, #tpu.memory_space<hbm>>)
    return
  }
}

</mosaic_0001>

<sc_bundles>
// kernel: _apply_colormap.3.cloned.1.call-start
scs
__scs_entry_jumppad:
0x0: {  	(pc) =	sbr.rel $0x88, $3  }
0x1: {  	(tag) =	ssettag $0x0;
	lr =	simm.s32 $0x1  }
0x2: {  	[smem:$0x3F9F] =	sst lr;
	_ =	strace $0xD0000000  }
0x3: {  	_ = 	snop  }
0x4: {  	_ = 	snop  }
0x5: {  	_ = 	snop  }
0x6: {  	_ = 	snop  }
0x7: {  	_ = 	snop  }
__scs_overlays_trampoline_lowered:
0x8: {  	[smem:$0x3FAE] =	sst s0  }
0x9: {  	[smem:$0x3FAF] =	sst s1  }
0xa: {  	[smem:$0x3FB0] =	sst s2  }
0xb: {  	[smem:$0x3FB1] =	sst s3  }
0xc: {  	[smem:$0x3FB2] =	sst s4  }
0xd: {  	[smem:$0x3FB3] =	sst s5  }
0xe: {  	[smem:$0x3FB4] =	sst s6  }
0xf: {  	[smem:$0x3FB5] =	sst s7  }
0x10: {  	[smem:$0x3FB6] =	sst s8  }
0x11: {  	[smem:$0x3FB7] =	sst s9;
	s0 =	simm.s32 @!p0 $0x0  }
0x12: {  	s1 =	sld [smem:$0x3F9D];
	s0 =	simm.s32 @p0 $0x1  }
0x13: {  	[smem:$0x3FB8] =	sst s0;
	s0 =	simm.s32 @!p1 $0x0  }
0x14: {  	s2 =	sld [smem:$0x3F9C];
	s0 =	simm.s32 @p1 $0x1  }
0x15: {  	[smem:$0x3FB9] =	sst s0;
	s0 =	simm.s32 @!p2 $0x0  }
0x16: {  	s3 =	sld [smem:$0x3FDB];
	s0 =	simm.s32 @p2 $0x1  }
0x17: {  	s4 =	simm.s32 $0x1BF5;
	[smem:$0x3FBB] =	sst s0  }
0x18: {  	s0 =	sld [smem:$0x3F9E];
	_ =	swait.ge [sflag:s4], $0x0  }
0x19: {  	s7 =	sld [smem:$0x3F9F]  }
0x1a: {  	s8 =	sadd.s32 $0xFFFFE003, lr  }
0x1b: {  	s9 =	sadd.s32 $0xFFFFFEF7, lr;
	s5 =	simm.s32 $0xFFFFFFFF;
	p2 =	slt.u32 s8, $0xFFFFF086  }
0x1c: {  	p1 =	slt.u32 s9, $0xF7A;
	s5 =	simm.s32 @!p2 $0x0  }
0x1d: {  	s5 =	simm.s32 @p1 $0x1;
	p0 =	seq.s32 s7, s2  }
0x1e: {  	s7 =	smul.u32 @!p0 $0xF7A, s2;
	p2 =	seq.s32 @!p0 s5, $0x0  }
0x1f: {  	s9 =	smul.u32 $0xF7A, s1;
	s8 =	simm.s32 @!p0 $0x1BF5;
	p2 =	por !p2, p0  }
0x20: {  	[sflag:s8] =	ssyncset.s32 @!p0 $0xFFFFF086;
	s6 =	sadd.s32 @!p0 s3, s7;
	s7 =	simm.s32 @!p0 $0x108  }
0x21: {  	s3 =	sadd.s32 s3, s9;
	s6 =	sadd.s32 @!p0 $0x88, s6;
	s7 =	simm.s32 @p2 $0x1082  }
0x22: {  	[simem:s7], [sflag:s8] =	dma.local @!p0 [hbm:s6], $0xF7A  }
0x23: {  	s9 =	sor.u32 $0xD0000000, s2;
	s6 =	simm.s32 $0x108;
	_ =	swait.ge @!p0 [sflag:s8], $0x0  }
0x24: {  	s3 =	sadd.s32 $0x88, s3;
	s6 =	simm.s32 @!p1 $0x1082;
	[sflag:s4] =	ssyncset.s32 $0xFFFFF086  }
0x25: {  	[simem:s6], [sflag:s4] =	dma.local [hbm:s3], $0xF7A  }
0x26: {  	[smem:$0x3F9F] =	sst s1;
	(tag) =	ssettag s2;
	_ =	strace s9  }
0x27: {  	s1 =	sld [smem:$0x3FAF]  }
0x28: {  	s2 =	sld [smem:$0x3FB0]  }
0x29: {  	s4 =	sld [smem:$0x3FB2]  }
0x2a: {  	p0 =	seq.s32 s5, $0x0;
	s5 =	sld [smem:$0x3FB3]  }
0x2b: {  	s6 =	sld [smem:$0x3FB4]  }
0x2c: {  	s7 =	sld [smem:$0x3FB5]  }
0x2d: {  	s3 =	simm.s32 $0x108;
	s8 =	sld [smem:$0x3FB6]  }
0x2e: {  	s3 =	simm.s32 @!p0 $0x1082;
	s9 =	sld [smem:$0x3FB7]  }
0x2f: {  	lr =	sadd.s32 s0, s3;
	s0 =	sld [smem:$0x3FAE]  }
0x30: {  	s3 =	sld [smem:$0x3FB1]  }
0x31: {  	[smem:$0x3FBA] =	sst s10  }
0x32: {  	s10 =	sld [smem:$0x3FB8];
	_ =	sdelay $0x3  }
0x33: {  	p0 =	seq.s32 s10, $0x1;
	s10 =	sld [smem:$0x3FBA];
	_ =	sdelay $0x3  }
0x34: {  	[smem:$0x3FBA] =	sst s10  }
0x35: {  	s10 =	sld [smem:$0x3FB9];
	_ =	sdelay $0x3  }
0x36: {  	p1 =	seq.s32 s10, $0x1;
	s10 =	sld [smem:$0x3FBA];
	_ =	sdelay $0x3  }
0x37: {  	[smem:$0x3FBA] =	sst s10  }
0x38: {  	s10 =	sld [smem:$0x3FBB]  }
0x39: {  	_ = 	snop;
	(pc) =	sbr.ind lr, $3  }
0x3a: {  	_ = 	snop  }
0x3b: {  	_ = 	snop  }
0x3c: {  	p2 =	seq.s32 s10, $0x1;
	s10 =	sld [smem:$0x3FBA]  }
0x3d: {  	_ =	shalt  }
0x3e: {  	_ =	shalt  }
0x3f: {  	_ =	shalt  }
0x40: {  	_ =	shalt  }
0x41: {  	_ =	shalt  }
0x42: {  	_ =	shalt  }
0x43: {  	_ =	shalt  }
0x44: {  	_ =	shalt  }
0x45: {  	_ =	shalt  }
0x46: {  	_ =	shalt  }
0x47: {  	_ =	shalt  }
0x48: {  	_ =	shalt  }
0x49: {  	_ =	shalt  }
0x4a: {  	_ =	shalt  }
0x4b: {  	_ =	shalt  }
0x4c: {  	_ =	shalt  }
0x4d: {  	_ =	shalt  }
0x4e: {  	_ =	shalt  }
0x4f: {  	_ =	shalt  }
0x50: {  	_ =	shalt  }
0x51: {  	_ =	shalt  }
0x52: {  	_ =	shalt  }
0x53: {  	_ =	shalt  }
0x54: {  	_ =	shalt  }
0x55: {  	_ =	shalt  }
0x56: {  	_ =	shalt  }
0x57: {  	_ =	shalt  }
0x58: {  	_ =	shalt  }
0x59: {  	_ =	shalt  }
0x5a: {  	_ =	shalt  }
0x5b: {  	_ =	shalt  }
0x5c: {  	_ =	shalt  }
0x5d: {  	_ =	shalt  }
0x5e: {  	_ =	shalt  }
0x5f: {  	_ =	shalt  }
0x60: {  	_ =	shalt  }
0x61: {  	_ =	shalt  }
0x62: {  	_ =	shalt  }
0x63: {  	_ =	shalt  }
0x64: {  	_ =	shalt  }
0x65: {  	_ =	shalt  }
0x66: {  	_ =	shalt  }
0x67: {  	_ =	shalt  }
0x68: {  	_ =	shalt  }
0x69: {  	_ =	shalt  }
0x6a: {  	_ =	shalt  }
0x6b: {  	_ =	shalt  }
0x6c: {  	_ =	shalt  }
0x6d: {  	_ =	shalt  }
0x6e: {  	_ =	shalt  }
0x6f: {  	_ =	shalt  }
0x70: {  	_ =	shalt  }
0x71: {  	_ =	shalt  }
0x72: {  	_ =	shalt  }
0x73: {  	_ =	shalt  }
0x74: {  	_ =	shalt  }
0x75: {  	_ =	shalt  }
0x76: {  	_ =	shalt  }
0x77: {  	_ =	shalt  }
0x78: {  	_ =	shalt  }
0x79: {  	_ =	shalt  }
0x7a: {  	_ =	shalt  }
0x7b: {  	_ =	shalt  }
0x7c: {  	_ =	shalt  }
0x7d: {  	_ =	shalt  }
0x7e: {  	_ =	shalt  }
0x7f: {  	_ =	shalt  }
0x80: {  	_ =	shalt  }
0x81: {  	_ =	shalt  }
0x82: {  	_ =	shalt  }
0x83: {  	_ =	shalt  }
0x84: {  	_ =	shalt  }
0x85: {  	_ =	shalt  }
0x86: {  	_ =	shalt  }
0x87: {  	_ =	shalt  }
.Lfunc_end0:
.L_simem_size_0:
called_computation_lowered:
.L_overlay_start_0:
0x88: {  	s2 =	sld [smem:$0x3FD9]  }
0x89: {  	s3 =	sld [smem:$0x3FFE];
	_ =	sdelay $0x1  }
0x8a: {  	s1 =	srdreg.scid  }
0x8b: {  	s0 =	sand.u32 $0x1, s1  }
0x8c: {  	s18 =	sshll.u32 s0, $0xA;
	s2 =	sadd.s32 s3, s2  }
0x8d: {  	s2 =	sadd.s32 s2, s18  }
0x8e: {  	[smem:$0x3FC6] =	sst s2  }
0x8f: {  	_ = 	snop  }
0x90: {  	s2 =	sld [smem:$0x3FC9]  }
0x91: {  	s19 =	sld [smem:$0x3FC8]  }
0x92: {  	s4 =	sld [smem:$0x3FD0];
	(tm) =	ssettm $0x1  }
0x93: {  	s5 =	sld [smem:$0x3FFB];
	_ =	sdelay $0x3  }
0x94: {  	_ =	strace s5  }
0x95: {  	s5 =	sld [smem:$0x3FFC];
	_ =	sdelay $0x3  }
0x96: {  	_ =	strace s5  }
0x97: {  	s5 =	sld [smem:$0x3FFD];
	_ =	sdelay $0x3  }
0x98: {  	_ =	strace s5  }
0x99: {  	_ =	strace $0x8FFFFFFF  }
0x9a: {  	s20 =	sld [smem:$0x3FDB];
	_ =	sdelay $0x1  }
0x9b: {  	s6 =	simm.s32 $_scs_section_size  }
0x9c: {  	s7 =	simm.s32 $_size__tile_overlayer_lowered;
	s8 =	simm.s32 $_tile_overlayer_lowered  }
0x9d: {  	s23 =	simm.s32 $0x1BFF;
	s22 =	sshll.u32 s8, $0x1;
	s5 =	sadd.s32 s6, s20  }
0x9e: {  	s9 =	simm.s32 $0x0;
	s21 =	sshll.u32 s7, $0x1;
	s7 =	sadd.s32 s22, s5  }
0x9f: {  	[timem:s9], [sflag:s23] =	dma.local [hbm:s7], s21  }
0xa0: {  	_ =	swait.ge [sflag:s23], s21  }
0xa1: {  	s6 =	ssub.s32 $0x0, s21;
	[sflag:s23] =	ssyncset.done $0x0  }
0xa2: {  	[sflag:s23] =	ssyncadd.s32 s6;
	_ =	sdelay $0x1  }
0xa3: {  	s24 =	simm.s32 $0x1B8B  }
0xa4: {  	_ =	swait.ge [sflag:s24], $0x1  }
0xa5: {  	[sflag:s24] =	ssyncset.done $0x0  }
0xa6: {  	s25 =	simm.s32 $0x1B8E;
	[sflag:s24] =	ssyncadd.s32 $0xFFFFFFFF  }
0xa7: {  	s26 =	simm.s32 $execute0_lowered;
	[smem:$0x3FD2] =	sst s25  }
0xa8: {  	s6 =	sshll.u32 s26, $0x1;
	_ =	strace $0x80000046;
	[dreg:$0x1] =	wrdreg $0xFFFFFFFF  }
0xa9: {  	s28 =	simm.s32 $_size_execute0_lowered;
	s5 =	sadd.s32 s5, s6;
	[dreg:$0x0] =	wrdreg $0x0  }
0xaa: {  	s6 =	sshll.u32 s28, $0x1;
	[dreg:$0x2] =	wrdreg s5  }
0xab: {  	[dreg:$0x3] =	wrdreg s6  }
0xac: {  	[dreg:$0x4] =	wrdreg $0xC0  }
0xad: {  	_ =	task [dreg:s9], $0x5FFFF  }
0xae: {  	[dreg:$0x1] =	wrdreg $0xFFFFFFFF  }
0xaf: {  	[dreg:$0x0] =	wrdreg $0x60  }
0xb0: {  	[dreg:$0x2] =	wrdreg s2  }
0xb1: {  	[dreg:$0x3] =	wrdreg s19  }
0xb2: {  	[dreg:$0x4] =	wrdreg s4  }
0xb3: {  	[dreg:$0x5] =	wrdreg $0x9  }
0xb4: {  	_ =	task.clear_ibuf [dreg:s9], $0x6FFFF;
	_ =	strace $0x90000046  }
0xb5: {  	s29 =	simm.s32 $0x9;
	_ =	strace $0x80000048  }
0xb6: {  	_ =	swait.ge [sflag:s29], $0x1  }
0xb7: {  	[sflag:s29] =	ssyncadd.s32 $0xFFFFFFFF  }
0xb8: {  	_ =	strace $0x90000048  }
0xb9: {  	_ =	sfence  }
0xba: {  	s30 =	sld [smem:$0x0];
	_ =	sdelay $0x2  }
0xbb: {  	s31 =	sshll.u32 s1, $0xD;
	s1 =	sshrl.u32 s1, $0x2  }
0xbc: {  	s3 =	sand.u32 $0x4000, s31;
	s1 =	sadd.s32 s1, s30  }
0xbd: {  	s0 =	sor.u32 s3, s0;
	s1 =	sshll.u32 s1, $0x11  }
0xbe: {  	s0 =	sor.u32 s1, s0  }
0xbf: {  	s0 =	sadd.s32 $0x8F2B, s0  }
0xc0: {  	[sflag:s0] =	ssyncadd.remote.s32 $0x1  }
0xc1: {  	_ =	sfence.sel $0xFFFF  }
0xc2: {  	[dreg:$0x0] =	wrdreg $0xFFFFFFFF;
	(pc) =	sbr.abs _section_cstart, $3  }
0xc3: {  	[dreg:$0x1] =	wrdreg $0xFFFFFFFF  }
0xc4: {  	_ =	task.clear_ibuf [dreg:s9], $0x2FFFF;
	_ =	strace $0x9FFFFFFF  }
0xc5: {  	(tm) =	ssettm $0x7FFFFFFF  }
tec
execute0_lowered:
.L_overlay_start_1:
0x0: {  	(tag) =	ssettag $0x1  }
0x1: {  	s2 =	rddreg [dreg:$0x0]  }
0x2: {  	s7 =	rddreg [dreg:$0x1];
	s0 =	srdreg.scid  }
0x3: {  	s4 =	rddreg [dreg:$0x2];
	s1 =	stileid.u32  }
0x4: {  	s5 =	simm.s32 $0x0;
	s30 =	simm.s32 $0x100;
	s31 =	simm.s32 $0x200  }
0x5: {  	s0 =	sand.u32 $0x1, s0;
	s1 =	sshll.u32 s1, $0x7;
	[smem:$0x7FF] =	sst s5  }
0x6: {  	s25 =	sadd.s32 $0x20, s7;
	s26 =	sadd.s32 $0x40, s7;
	s3 =	sshll.u32 s0, $0x6  }
0x7: {  	s0 =	ssub.s32 $0x2, s0;
	_ =	strace $0x80000047;
	[dreg:$0x4] =	wrdreg s25  }
0x8: {  	[dreg:$0x5] =	wrdreg s26;
	s6 =	sor.u32 s3, s1;
	s23 =	sshrl.u32 s0, $0x1  }
0x9: {  	s3 =	sshrl.u32 s6, $0x5;
	s0 =	ssub.s32 s0, s23;
	s29 =	sshll.u32 s6, $0xD  }
0xa: {  	s10 =	sshll.u32 s6, $0xA;
	s14 =	sor.u32 $0x3E, s6;
	s21 =	sor.u32 $0x3F, s6  }
0xb: {  	s28 =	sor.u32 $0x3, s6;
	s24 =	smul.u32 $0xC0000, s3;
	s8 =	sor.u32 $0x2000, s29  }
0xc: {  	s10 =	sadd.s32 s2, s10;
	s17 =	sshrl.u32 s14, $0x5;
	s23 =	sshrl.u32 s21, $0x5  }
0xd: {  	s0 =	smax.u32 s0, $0x1;
	s11 =	sshrl.u32 s8, $0x3;
	s3 =	ssub.s32 s8, s29  }
0xe: {  	s15 =	sadd.s32 $0x800, s10;
	s18 =	sshll.u32 s17, $0x12;
	[dreg:$0x6] =	wrdreg s10  }
0xf: {  	s8 =	smul.u32 $0xC0000, s17;
	s20 =	sadd.s32 $0xC00, s10;
	[dreg:$0x16] =	wrdreg s0  }
0x10: {  	s0 =	simm.s32 $0x300;
	s17 =	simm.s32 $0x4;
	s10 =	simm.s32 $0x0  }
0x11: {  	s9 =	sshrl.u32 s24, $0x3;
	s7 =	sadd.s32 s2, s11;
	[dreg:$0xb] =	wrdreg s15  }
0x12: {  	s1 =	sadd.s32 s24, s3;
	s3 =	sshll.u32 s14, $0xD;
	[dreg:$0xf] =	wrdreg s20  }
0x13: {  	s24 =	sshll.u32 s23, $0x12;
	s14 =	simm.s32 $0xA300;
	s15 =	simm.s32 $0xE300  }
0x14: {  	s9 =	sadd.s32 s4, s9;
	[dreg:$0x8] =	wrdreg s7;
	s16 =	sshrl.u32 s1, $0x3  }
0x15: {  	s1 =	sadd.s32 $0x80000, s1;
	s3 =	ssub.s32 s3, s18;
	s12 =	sadd.s32 $0x8000, s9  }
0x16: {  	[dreg:$0x7] =	wrdreg s9;
	s13 =	sadd.s32 $0x10000, s9;
	s11 =	sadd.s32 s4, s16  }
0x17: {  	s7 =	sor.u32 $0x8000, s16;
	s1 =	sshrl.u32 s1, $0x3;
	[dreg:$0x9] =	wrdreg s12  }
0x18: {  	s3 =	sadd.s32 s8, s3;
	s8 =	smul.u32 $0xC0000, s23;
	[dreg:$0xa] =	wrdreg s13  }
0x19: {  	s16 =	simm.s32 $0x3;
	[dreg:$0xc] =	wrdreg s11;
	s7 =	sadd.s32 s4, s7  }
0x1a: {  	s1 =	sadd.s32 s4, s1;
	s19 =	sshrl.u32 s3, $0x3;
	s22 =	sadd.s32 $0x40000, s3  }
0x1b: {  	s3 =	sadd.s32 $0x80000, s3;
	s11 =	simm.s32 $0xC300;
	[dreg:$0xd] =	wrdreg s7  }
0x1c: {  	s12 =	simm.s32 $0x2;
	s13 =	simm.s32 $0x6300;
	[dreg:$0xe] =	wrdreg s1  }
0x1d: {  	s1 =	sadd.s32 s4, s19;
	s7 =	sshrl.u32 s22, $0x3;
	s3 =	sshrl.u32 s3, $0x3  }
0x1e: {  	[dreg:$0x10] =	wrdreg s1;
	s1 =	sshll.u32 s21, $0xD;
	s7 =	sadd.s32 s4, s7  }
0x1f: {  	s3 =	sadd.s32 s4, s3;
	s1 =	ssub.s32 s1, s24;
	[dreg:$0x11] =	wrdreg s7  }
0x20: {  	[dreg:$0x12] =	wrdreg s3;
	s7 =	simm.s32 $0x4300;
	s1 =	sadd.s32 s8, s1  }
0x21: {  	s8 =	simm.s32 $0x8300;
	s25 =	sshrl.u32 s1, $0x3;
	s26 =	sadd.s32 $0x40000, s1  }
0x22: {  	s1 =	sadd.s32 $0x80000, s1;
	s3 =	sadd.s32 s4, s25;
	s29 =	sshrl.u32 s26, $0x3  }
0x23: {  	s1 =	sshrl.u32 s1, $0x3;
	[dreg:$0x13] =	wrdreg s3;
	s3 =	sadd.s32 s4, s29  }
0x24: {  	s26 =	sor.u32 $0x2, s6;
	s1 =	sadd.s32 s4, s1;
	[dreg:$0x14] =	wrdreg s3  }
0x25: {  	[dreg:$0x15] =	wrdreg s1;
	s1 =	simm.s32 $0x2300;
	s3 =	simm.s32 $0x1  }
.LBB2_1:
0x26: {  	[dreg:$0x17] =	wrdreg s10  }
0x27: {  	s9 =	rddreg [dreg:$0x1];
	s20 =	simm.s32 $0x5  }
0x28: {  	[tilespmem:s5], [sflag:$0x5] =	stream.linear.gather [hbm4b:s9+s5], $0x100, $0x38;
	[tilespmem:$0x10300] =	vst v63  }
0x29: {  	_ =	swait.ge [sflag:s20], $0x100  }
0x2a: {  	[sflag:s20] =	ssyncset.done $0x0  }
0x2b: {  	s21 =	rddreg [dreg:$0x4];
	[sflag:s20] =	ssyncadd.s32 $0xFFFFFF00  }
0x2c: {  	[tilespmem:s30], [sflag:$0x5] =	stream.linear.gather [hbm4b:s21+s5], $0x100, $0x38;
	[tilespmem:$0x10300] =	vst v63  }
0x2d: {  	_ =	swait.ge [sflag:s20], $0x100  }
0x2e: {  	[sflag:s20] =	ssyncset.done $0x0  }
0x2f: {  	s22 =	rddreg [dreg:$0x5];
	[sflag:s20] =	ssyncadd.s32 $0xFFFFFF00  }
0x30: {  	[tilespmem:s31], [sflag:$0x5] =	stream.linear.gather [hbm4b:s22+s5], $0x100, $0x38;
	[tilespmem:$0x10300] =	vst v63  }
0x31: {  	_ =	swait.ge [sflag:s20], $0x100  }
0x32: {  	[sflag:s20] =	ssyncset.done $0x0  }
0x33: {  	s23 =	rddreg [dreg:$0x6];
	[sflag:s20] =	ssyncadd.s32 $0xFFFFFF00  }
0x34: {  	[tilespmem:s0], [sflag:$0x1] =	stream.linear.gather [hbm4b:s23+s5], $0x2000, $0x38;
	[tilespmem:$0x10300] =	vst v63  }
0x35: {  	s25 =	simm.s32 $0x0;
	s19 =	sand.u32 $0xC00, s5;
	s24 =	rddreg [dreg:$0x8]  }
0x36: {  	[tilespmem:s1], [sflag:$0x2] =	stream.linear.gather [hbm4b:s24+s5], $0x2000, $0x38;
	[tilespmem:$0x10300] =	vst v63  }
0x37: {  	s9 =	sand.u32 $0x1000, s25;
	s20 =	simm.s32 $0x0;
	_ =	swait.ge [sflag:s3], $0x2000  }
0x38: {  	s9 =	sor.u32 s19, s9;
	s29 =	sand.u32 $0x380, s20;
	[sflag:s3] =	ssyncset.done $0x0  }
0x39: {  	s19 =	sor.u32 s29, s9;
	[sflag:s3] =	ssyncadd.s32 $0xFFFFE000  }
0x3a: {  	v0 =	vld [tilespmem:s19+$0x370]  }
0x3b: {  	v1 =	vld [tilespmem:s19+$0x300]  }
0x3c: {  	v2 =	vld [tilespmem:s19+$0x310]  }
0x3d: {  	v3 =	vld [tilespmem:s19+$0x320]  }
0x3e: {  	v7 =	vld [tilespmem:s19+$0x330]  }
0x3f: {  	v8 =	vld [tilespmem:s19+$0x340];
	v9 =	vand.u32 $0xFF, v0  }
0x40: {  	v6 =	vand.u32 $0xFF, v1;
	v0 =	vld [tilespmem:s19+$0x350]  }
0x41: {  	v5 =	vand.u32 $0xFF, v2;
	v1 =	vld [tilespmem:s19+$0x360]  }
0x42: {  	v4 =	vand.u32 $0xFF, v3  }
0x43: {  	v3 =	vand.u32 $0xFF, v7  }
0x44: {  	v2 =	vand.u32 $0xFF, v8;
	v7 =	vld.idx.msk [tilespmem:v9+s5+$0x0], $0xffff  }
0x45: {  	v8 =	vld.idx.msk [tilespmem:v6+s5+$0x0], $0xffff;
	v0 =	vand.u32 $0xFF, v0  }
0x46: {  	v10 =	vld.idx.msk [tilespmem:v5+s5+$0x0], $0xffff;
	v1 =	vand.u32 $0xFF, v1  }
0x47: {  	v11 =	vld.idx.msk [tilespmem:v4+s5+$0x0], $0xffff  }
0x48: {  	v12 =	vld.idx.msk [tilespmem:v3+s5+$0x0], $0xffff  }
0x49: {  	v13 =	vld.idx.msk [tilespmem:v2+s5+$0x0], $0xffff  }
0x4a: {  	v14 =	vld.idx.msk [tilespmem:v0+s5+$0x0], $0xffff;
	[tilespmem:s19+$0x4370] =	vst v7  }
0x4b: {  	[tilespmem:s19+$0x4310] =	vst v10;
	v10 =	vld.idx.msk [tilespmem:v1+s5+$0x0], $0xffff  }
0x4c: {  	[tilespmem:s19+$0x4300] =	vst v8;
	v7 =	vld.idx.msk [tilespmem:v9+s30+$0x0], $0xffff  }
0x4d: {  	[tilespmem:s19+$0x4320] =	vst v11;
	v15 =	vld.idx.msk [tilespmem:v6+s30+$0x0], $0xffff  }
0x4e: {  	[tilespmem:s19+$0x4330] =	vst v12;
	v16 =	vld.idx.msk [tilespmem:v5+s30+$0x0], $0xffff  }
0x4f: {  	[tilespmem:s19+$0x4340] =	vst v13;
	v12 =	vld.idx.msk [tilespmem:v4+s30+$0x0], $0xffff  }
0x50: {  	v11 =	vld.idx.msk [tilespmem:v3+s30+$0x0], $0xffff;
	[tilespmem:s19+$0x4350] =	vst v14  }
0x51: {  	v8 =	vld.idx.msk [tilespmem:v2+s30+$0x0], $0xffff;
	[tilespmem:s19+$0x4360] =	vst v10  }
0x52: {  	[tilespmem:s19+$0x8370] =	vst v7;
	v7 =	vld.idx.msk [tilespmem:v0+s30+$0x0], $0xffff  }
0x53: {  	[tilespmem:s19+$0x8300] =	vst v15;
	v9 =	vld.idx.msk [tilespmem:v9+s31+$0x0], $0xffff  }
0x54: {  	s20 =	simm.s32 $0x0;
	s9 =	simm.s32 $0x0;
	[tilespmem:s19+$0x8310] =	vst v16;
	v10 =	vld.idx.msk [tilespmem:v1+s30+$0x0], $0xffff  }
.LBB2_2:
0x55: {  	s20 =	sadd.s32 $0x8, s20;
	v6 =	vld.idx.msk [tilespmem:v6+s31+$0x0], $0xffff;
	[tilespmem:s19+$0x8320] =	vst v12  }
0x56: {  	s9 =	sadd.s32 $0x400, s9;
	s21 =	sshll.u32 s20, $0x4;
	p0 =	slt.u32 s20, $0x1F8;
	v5 =	vld.idx.msk [tilespmem:v5+s31+$0x0], $0xffff;
	[tilespmem:s19+$0x8330] =	vst v11  }
0x57: {  	s22 =	sand.u32 $0xC00, s9;
	s23 =	sshll.u32 s20, $0x2;
	s21 =	sand.u32 $0x1000, s21;
	v4 =	vld.idx.msk [tilespmem:v4+s31+$0x0], $0xffff;
	[tilespmem:s19+$0x8340] =	vst v8  }
0x58: {  	s21 =	sor.u32 s22, s21;
	s22 =	sand.u32 $0x380, s23;
	v3 =	vld.idx.msk [tilespmem:v3+s31+$0x0], $0xffff;
	[tilespmem:s19+$0xC370] =	vst v9  }
0x59: {  	s21 =	sor.u32 s22, s21;
	v2 =	vld.idx.msk [tilespmem:v2+s31+$0x0], $0xffff;
	[tilespmem:s19+$0x8350] =	vst v7  }
0x5a: {  	v7 =	vld [tilespmem:s21+$0x370];
	[tilespmem:s19+$0x8360] =	vst v10  }
0x5b: {  	v8 =	vld [tilespmem:s21+$0x300];
	[tilespmem:s19+$0xC300] =	vst v6  }
0x5c: {  	v9 =	vld [tilespmem:s21+$0x310];
	[tilespmem:s19+$0xC310] =	vst v5  }
0x5d: {  	v10 =	vld [tilespmem:s21+$0x320];
	[tilespmem:s19+$0xC320] =	vst v4  }
0x5e: {  	v11 =	vld [tilespmem:s21+$0x330];
	[tilespmem:s19+$0xC330] =	vst v3  }
0x5f: {  	v12 =	vld [tilespmem:s21+$0x340];
	v7 =	vand.u32 $0xFF, v7;
	[tilespmem:s19+$0xC340] =	vst v2  }
0x60: {  	v6 =	vand.u32 $0xFF, v8;
	v8 =	vld [tilespmem:s21+$0x350]  }
0x61: {  	v5 =	vand.u32 $0xFF, v9;
	v9 =	vld [tilespmem:s21+$0x360]  }
0x62: {  	v4 =	vand.u32 $0xFF, v10;
	v10 =	vld.idx.msk [tilespmem:v0+s31+$0x0], $0xffff  }
0x63: {  	v3 =	vand.u32 $0xFF, v11;
	v11 =	vld.idx.msk [tilespmem:v1+s31+$0x0], $0xffff  }
0x64: {  	v2 =	vand.u32 $0xFF, v12;
	v12 =	vld.idx.msk [tilespmem:v7+s5+$0x0], $0xffff  }
0x65: {  	v13 =	vld.idx.msk [tilespmem:v6+s5+$0x0], $0xffff;
	v0 =	vand.u32 $0xFF, v8  }
0x66: {  	v8 =	vld.idx.msk [tilespmem:v5+s5+$0x0], $0xffff;
	v1 =	vand.u32 $0xFF, v9  }
0x67: {  	v9 =	vld.idx.msk [tilespmem:v4+s5+$0x0], $0xffff  }
0x68: {  	v14 =	vld.idx.msk [tilespmem:v3+s5+$0x0], $0xffff;
	[tilespmem:s19+$0xC350] =	vst v10  }
0x69: {  	v10 =	vld.idx.msk [tilespmem:v2+s5+$0x0], $0xffff;
	[tilespmem:s19+$0xC360] =	vst v11;
	s19 =	smov.u32 s21  }
0x6a: {  	v15 =	vld.idx.msk [tilespmem:v0+s5+$0x0], $0xffff;
	[tilespmem:s19+$0x4370] =	vst v12  }
0x6b: {  	[tilespmem:s19+$0x4300] =	vst v13;
	v13 =	vld.idx.msk [tilespmem:v7+s30+$0x0], $0xffff  }
0x6c: {  	[tilespmem:s19+$0x4310] =	vst v8;
	v16 =	vld.idx.msk [tilespmem:v1+s5+$0x0], $0xffff  }
0x6d: {  	v17 =	vld.idx.msk [tilespmem:v6+s30+$0x0], $0xffff;
	[tilespmem:s19+$0x4320] =	vst v9  }
0x6e: {  	v18 =	vld.idx.msk [tilespmem:v5+s30+$0x0], $0xffff;
	[tilespmem:s19+$0x4330] =	vst v14  }
0x6f: {  	v12 =	vld.idx.msk [tilespmem:v4+s30+$0x0], $0xffff;
	[tilespmem:s19+$0x4340] =	vst v10  }
.Ltmp0:
0x70: {  	v11 =	vld.idx.msk [tilespmem:v3+s30+$0x0], $0xffff;
	[tilespmem:s19+$0x4350] =	vst v15;
	(pc) =	sbr.rel @p0 .LBB2_2-.Ltmp0, $4  }
0x71: {  	v8 =	vld.idx.msk [tilespmem:v2+s30+$0x0], $0xffff;
	[tilespmem:s19+$0x8370] =	vst v13  }
0x72: {  	[tilespmem:s19+$0x4360] =	vst v16;
	v9 =	vld.idx.msk [tilespmem:v7+s31+$0x0], $0xffff  }
0x73: {  	[tilespmem:s19+$0x8300] =	vst v17;
	v7 =	vld.idx.msk [tilespmem:v0+s30+$0x0], $0xffff  }
0x74: {  	[tilespmem:s19+$0x8310] =	vst v18;
	v10 =	vld.idx.msk [tilespmem:v1+s30+$0x0], $0xffff  }
0x75: {  	_ =	sdelay $0x2  }
0x76: {  	[tilespmem:s19+$0x8320] =	vst v12  }
0x77: {  	v6 =	vld.idx.msk [tilespmem:v6+s31+$0x0], $0xffff;
	[tilespmem:s19+$0x8330] =	vst v11  }
0x78: {  	v5 =	vld.idx.msk [tilespmem:v5+s31+$0x0], $0xffff;
	[tilespmem:s19+$0x8340] =	vst v8  }
0x79: {  	v4 =	vld.idx.msk [tilespmem:v4+s31+$0x0], $0xffff;
	[tilespmem:s19+$0xC370] =	vst v9  }
0x7a: {  	v3 =	vld.idx.msk [tilespmem:v3+s31+$0x0], $0xffff;
	[tilespmem:s19+$0x8350] =	vst v7  }
0x7b: {  	v2 =	vld.idx.msk [tilespmem:v2+s31+$0x0], $0xffff;
	[tilespmem:s19+$0x8360] =	vst v10  }
0x7c: {  	v0 =	vld.idx.msk [tilespmem:v0+s31+$0x0], $0xffff;
	[tilespmem:s19+$0xC300] =	vst v6  }
0x7d: {  	[tilespmem:s19+$0xC310] =	vst v5;
	v1 =	vld.idx.msk [tilespmem:v1+s31+$0x0], $0xffff  }
0x7e: {  	[tilespmem:s19+$0xC320] =	vst v4  }
0x7f: {  	[tilespmem:s19+$0xC330] =	vst v3  }
0x80: {  	[tilespmem:s19+$0xC340] =	vst v2  }
0x81: {  	[tilespmem:s19+$0xC350] =	vst v0  }
0x82: {  	[tilespmem:s19+$0xC360] =	vst v1  }
0x83: {  	s20 =	simm.s32 $0x0;
	s9 =	rddreg [dreg:$0x7]  }
0x84: {  	[hbm4b:s9+s20] =	stream.linear.scatter [tilespmem:s7], [sflag:$0x3], $0x2000, $0x38;
	[tilespmem:$0x10300] =	vst v63  }
0x85: {  	s21 =	rddreg [dreg:$0x9]  }
0x86: {  	[hbm4b:s21+s20] =	stream.linear.scatter [tilespmem:s8], [sflag:$0x3], $0x2000, $0x38;
	[tilespmem:$0x10300] =	vst v63  }
0x87: {  	s22 =	rddreg [dreg:$0xa]  }
0x88: {  	[hbm4b:s22+s20] =	stream.linear.scatter [tilespmem:s11], [sflag:$0x3], $0x2000, $0x38;
	[tilespmem:$0x10300] =	vst v63  }
0x89: {  	s24 =	simm.s32 $0x0;
	s25 =	sand.u32 $0xC00, s20;
	s23 =	rddreg [dreg:$0xb]  }
0x8a: {  	[tilespmem:s0], [sflag:$0x1] =	stream.linear.gather [hbm4b:s23+s20], $0x2000, $0x38;
	[tilespmem:$0x10300] =	vst v63  }
0x8b: {  	s9 =	sand.u32 $0x1000, s24;
	s21 =	simm.s32 $0x0;
	_ =	swait.ge [sflag:s12], $0x2000  }
0x8c: {  	s9 =	sor.u32 s25, s9;
	s29 =	sand.u32 $0x380, s21;
	[sflag:s12] =	ssyncset.done $0x0  }
0x8d: {  	s19 =	sor.u32 s29, s9;
	[sflag:s12] =	ssyncadd.s32 $0xFFFFE000  }
0x8e: {  	v0 =	vld [tilespmem:s19+$0x2370]  }
0x8f: {  	v1 =	vld [tilespmem:s19+$0x2300]  }
0x90: {  	v2 =	vld [tilespmem:s19+$0x2310]  }
0x91: {  	v3 =	vld [tilespmem:s19+$0x2320]  }
0x92: {  	v7 =	vld [tilespmem:s19+$0x2330]  }
0x93: {  	v8 =	vld [tilespmem:s19+$0x2340];
	v9 =	vand.u32 $0xFF, v0  }
0x94: {  	v6 =	vand.u32 $0xFF, v1;
	v0 =	vld [tilespmem:s19+$0x2350]  }
0x95: {  	v5 =	vand.u32 $0xFF, v2;
	v1 =	vld [tilespmem:s19+$0x2360]  }
0x96: {  	v4 =	vand.u32 $0xFF, v3  }
0x97: {  	v3 =	vand.u32 $0xFF, v7  }
0x98: {  	v2 =	vand.u32 $0xFF, v8;
	v7 =	vld.idx.msk [tilespmem:v9+s5+$0x0], $0xffff  }
0x99: {  	v8 =	vld.idx.msk [tilespmem:v6+s5+$0x0], $0xffff;
	v0 =	vand.u32 $0xFF, v0  }
0x9a: {  	v10 =	vld.idx.msk [tilespmem:v5+s5+$0x0], $0xffff;
	v1 =	vand.u32 $0xFF, v1  }
0x9b: {  	v11 =	vld.idx.msk [tilespmem:v4+s5+$0x0], $0xffff  }
0x9c: {  	v12 =	vld.idx.msk [tilespmem:v3+s5+$0x0], $0xffff  }
0x9d: {  	v13 =	vld.idx.msk [tilespmem:v2+s5+$0x0], $0xffff  }
0x9e: {  	v14 =	vld.idx.msk [tilespmem:v0+s5+$0x0], $0xffff;
	[tilespmem:s19+$0x6370] =	vst v7  }
0x9f: {  	[tilespmem:s19+$0x6310] =	vst v10;
	v10 =	vld.idx.msk [tilespmem:v1+s5+$0x0], $0xffff  }
0xa0: {  	[tilespmem:s19+$0x6300] =	vst v8;
	v7 =	vld.idx.msk [tilespmem:v9+s30+$0x0], $0xffff  }
0xa1: {  	[tilespmem:s19+$0x6320] =	vst v11;
	v15 =	vld.idx.msk [tilespmem:v6+s30+$0x0], $0xffff  }
0xa2: {  	[tilespmem:s19+$0x6330] =	vst v12;
	v16 =	vld.idx.msk [tilespmem:v5+s30+$0x0], $0xffff  }
0xa3: {  	[tilespmem:s19+$0x6340] =	vst v13;
	v12 =	vld.idx.msk [tilespmem:v4+s30+$0x0], $0xffff  }
0xa4: {  	v11 =	vld.idx.msk [tilespmem:v3+s30+$0x0], $0xffff;
	[tilespmem:s19+$0x6350] =	vst v14  }
0xa5: {  	v8 =	vld.idx.msk [tilespmem:v2+s30+$0x0], $0xffff;
	[tilespmem:s19+$0x6360] =	vst v10  }
0xa6: {  	[tilespmem:s19+$0xA370] =	vst v7;
	v7 =	vld.idx.msk [tilespmem:v0+s30+$0x0], $0xffff  }
0xa7: {  	[tilespmem:s19+$0xA300] =	vst v15;
	v9 =	vld.idx.msk [tilespmem:v9+s31+$0x0], $0xffff  }
0xa8: {  	s21 =	simm.s32 $0x0;
	[tilespmem:s19+$0xA310] =	vst v16;
	v10 =	vld.idx.msk [tilespmem:v1+s30+$0x0], $0xffff  }
.LBB2_4:
0xa9: {  	s21 =	sadd.s32 $0x8, s21;
	v6 =	vld.idx.msk [tilespmem:v6+s31+$0x0], $0xffff;
	[tilespmem:s19+$0xA320] =	vst v12  }
0xaa: {  	s20 =	sadd.s32 $0x400, s20;
	s9 =	sshll.u32 s21, $0x4;
	p0 =	slt.u32 s21, $0x1F8;
	v5 =	vld.idx.msk [tilespmem:v5+s31+$0x0], $0xffff;
	[tilespmem:s19+$0xA330] =	vst v11  }
0xab: {  	s22 =	sand.u32 $0xC00, s20;
	s23 =	sshll.u32 s21, $0x2;
	s9 =	sand.u32 $0x1000, s9;
	v4 =	vld.idx.msk [tilespmem:v4+s31+$0x0], $0xffff;
	[tilespmem:s19+$0xA340] =	vst v8  }
0xac: {  	s9 =	sor.u32 s22, s9;
	s22 =	sand.u32 $0x380, s23;
	v3 =	vld.idx.msk [tilespmem:v3+s31+$0x0], $0xffff;
	[tilespmem:s19+$0xE370] =	vst v9  }
0xad: {  	s9 =	sor.u32 s22, s9;
	v2 =	vld.idx.msk [tilespmem:v2+s31+$0x0], $0xffff;
	[tilespmem:s19+$0xA350] =	vst v7  }
0xae: {  	v7 =	vld [tilespmem:s9+$0x2370];
	[tilespmem:s19+$0xA360] =	vst v10  }
0xaf: {  	v8 =	vld [tilespmem:s9+$0x2300];
	[tilespmem:s19+$0xE300] =	vst v6  }
0xb0: {  	v9 =	vld [tilespmem:s9+$0x2310];
	[tilespmem:s19+$0xE310] =	vst v5  }
0xb1: {  	v10 =	vld [tilespmem:s9+$0x2320];
	[tilespmem:s19+$0xE320] =	vst v4  }
0xb2: {  	v11 =	vld [tilespmem:s9+$0x2330];
	[tilespmem:s19+$0xE330] =	vst v3  }
0xb3: {  	v12 =	vld [tilespmem:s9+$0x2340];
	v7 =	vand.u32 $0xFF, v7;
	[tilespmem:s19+$0xE340] =	vst v2  }
0xb4: {  	v6 =	vand.u32 $0xFF, v8;
	v8 =	vld [tilespmem:s9+$0x2350]  }
0xb5: {  	v5 =	vand.u32 $0xFF, v9;
	v9 =	vld [tilespmem:s9+$0x2360]  }
0xb6: {  	v4 =	vand.u32 $0xFF, v10;
	v10 =	vld.idx.msk [tilespmem:v0+s31+$0x0], $0xffff  }
0xb7: {  	v3 =	vand.u32 $0xFF, v11;
	v11 =	vld.idx.msk [tilespmem:v1+s31+$0x0], $0xffff  }
0xb8: {  	v2 =	vand.u32 $0xFF, v12;
	v12 =	vld.idx.msk [tilespmem:v7+s5+$0x0], $0xffff  }
0xb9: {  	v13 =	vld.idx.msk [tilespmem:v6+s5+$0x0], $0xffff;
	v0 =	vand.u32 $0xFF, v8  }
0xba: {  	v8 =	vld.idx.msk [tilespmem:v5+s5+$0x0], $0xffff;
	v1 =	vand.u32 $0xFF, v9  }
0xbb: {  	v9 =	vld.idx.msk [tilespmem:v4+s5+$0x0], $0xffff  }
0xbc: {  	v14 =	vld.idx.msk [tilespmem:v3+s5+$0x0], $0xffff;
	[tilespmem:s19+$0xE350] =	vst v10  }
0xbd: {  	v10 =	vld.idx.msk [tilespmem:v2+s5+$0x0], $0xffff;
	[tilespmem:s19+$0xE360] =	vst v11;
	s19 =	smov.u32 s9  }
0xbe: {  	v15 =	vld.idx.msk [tilespmem:v0+s5+$0x0], $0xffff;
	[tilespmem:s19+$0x6370] =	vst v12  }
0xbf: {  	[tilespmem:s19+$0x6300] =	vst v13;
	v13 =	vld.idx.msk [tilespmem:v7+s30+$0x0], $0xffff  }
0xc0: {  	[tilespmem:s19+$0x6310] =	vst v8;
	v16 =	vld.idx.msk [tilespmem:v1+s5+$0x0], $0xffff  }
0xc1: {  	v17 =	vld.idx.msk [tilespmem:v6+s30+$0x0], $0xffff;
	[tilespmem:s19+$0x6320] =	vst v9  }
0xc2: {  	v18 =	vld.idx.msk [tilespmem:v5+s30+$0x0], $0xffff;
	[tilespmem:s19+$0x6330] =	vst v14  }
0xc3: {  	v12 =	vld.idx.msk [tilespmem:v4+s30+$0x0], $0xffff;
	[tilespmem:s19+$0x6340] =	vst v10  }
.Ltmp1:
0xc4: {  	v11 =	vld.idx.msk [tilespmem:v3+s30+$0x0], $0xffff;
	[tilespmem:s19+$0x6350] =	vst v15;
	(pc) =	sbr.rel @p0 .LBB2_4-.Ltmp1, $4  }
0xc5: {  	v8 =	vld.idx.msk [tilespmem:v2+s30+$0x0], $0xffff;
	[tilespmem:s19+$0xA370] =	vst v13  }
0xc6: {  	[tilespmem:s19+$0x6360] =	vst v16;
	v9 =	vld.idx.msk [tilespmem:v7+s31+$0x0], $0xffff  }
0xc7: {  	[tilespmem:s19+$0xA300] =	vst v17;
	v7 =	vld.idx.msk [tilespmem:v0+s30+$0x0], $0xffff  }
0xc8: {  	[tilespmem:s19+$0xA310] =	vst v18;
	v10 =	vld.idx.msk [tilespmem:v1+s30+$0x0], $0xffff  }
0xc9: {  	_ =	sdelay $0x2  }
0xca: {  	[tilespmem:s19+$0xA320] =	vst v12  }
0xcb: {  	v6 =	vld.idx.msk [tilespmem:v6+s31+$0x0], $0xffff;
	[tilespmem:s19+$0xA330] =	vst v11  }
0xcc: {  	v5 =	vld.idx.msk [tilespmem:v5+s31+$0x0], $0xffff;
	[tilespmem:s19+$0xA340] =	vst v8  }
0xcd: {  	v4 =	vld.idx.msk [tilespmem:v4+s31+$0x0], $0xffff;
	[tilespmem:s19+$0xE370] =	vst v9  }
0xce: {  	v3 =	vld.idx.msk [tilespmem:v3+s31+$0x0], $0xffff;
	[tilespmem:s19+$0xA350] =	vst v7  }
0xcf: {  	v2 =	vld.idx.msk [tilespmem:v2+s31+$0x0], $0xffff;
	[tilespmem:s19+$0xA360] =	vst v10  }
0xd0: {  	v0 =	vld.idx.msk [tilespmem:v0+s31+$0x0], $0xffff;
	[tilespmem:s19+$0xE300] =	vst v6  }
0xd1: {  	[tilespmem:s19+$0xE310] =	vst v5;
	v1 =	vld.idx.msk [tilespmem:v1+s31+$0x0], $0xffff  }
0xd2: {  	[tilespmem:s19+$0xE320] =	vst v4  }
0xd3: {  	[tilespmem:s19+$0xE330] =	vst v3  }
0xd4: {  	[tilespmem:s19+$0xE340] =	vst v2  }
0xd5: {  	[tilespmem:s19+$0xE350] =	vst v0  }
0xd6: {  	[tilespmem:s19+$0xE360] =	vst v1  }
0xd7: {  	s9 =	rddreg [dreg:$0xc]  }
0xd8: {  	[hbm4b:s9+s5] =	stream.linear.scatter [tilespmem:s13], [sflag:$0x4], $0x2000, $0x38;
	[tilespmem:$0x10300] =	vst v63  }
0xd9: {  	s24 =	rddreg [dreg:$0xd]  }
0xda: {  	[hbm4b:s24+s5] =	stream.linear.scatter [tilespmem:s14], [sflag:$0x4], $0x2000, $0x38;
	[tilespmem:$0x10300] =	vst v63  }
0xdb: {  	s25 =	rddreg [dreg:$0xe]  }
0xdc: {  	[hbm4b:s25+s5] =	stream.linear.scatter [tilespmem:s15], [sflag:$0x4], $0x2000, $0x38;
	[tilespmem:$0x10300] =	vst v63  }
0xdd: {  	s19 =	simm.s32 $0x1;
	s29 =	rddreg [dreg:$0xf]  }
0xde: {  	[tilespmem:s1], [sflag:$0x2] =	stream.linear.gather [hbm4b:s29+s5], $0x2000, $0x38;
	[tilespmem:$0x10300] =	vst v63  }
.LBB2_6:
0xdf: {  	_ =	swait.ge [sflag:s3], $0x2000  }
0xe0: {  	[sflag:s3] =	ssyncset.done $0x0  }
0xe1: {  	[sflag:s3] =	ssyncadd.s32 $0xFFFFE000  }
0xe2: {  	_ =	swait.ge [sflag:s16], $0x2000  }
0xe3: {  	[sflag:s16] =	ssyncset.done $0x0  }
0xe4: {  	[sflag:s16] =	ssyncadd.s32 $0xFFFFE000  }
0xe5: {  	_ =	swait.ge [sflag:s16], $0x2000  }
0xe6: {  	s20 =	simm.s32 $0x0;
	[sflag:s16] =	ssyncset.done $0x0  }
0xe7: {  	s9 =	simm.s32 $0x0;
	s22 =	simm.s32 $0x0;
	[sflag:s16] =	ssyncadd.s32 $0xFFFFE000  }
0xe8: {  	s9 =	sand.u32 $0x1000, s9;
	s21 =	sand.u32 $0xC00, s20;
	_ =	swait.ge [sflag:s16], $0x2000  }
0xe9: {  	s29 =	sand.u32 $0x380, s22;
	s9 =	sor.u32 s21, s9;
	[sflag:s16] =	ssyncset.done $0x0  }
0xea: {  	s24 =	sor.u32 s29, s9;
	[sflag:s16] =	ssyncadd.s32 $0xFFFFE000  }
0xeb: {  	v0 =	vld [tilespmem:s24+$0x370]  }
0xec: {  	v1 =	vld [tilespmem:s24+$0x300]  }
0xed: {  	v2 =	vld [tilespmem:s24+$0x310]  }
0xee: {  	v3 =	vld [tilespmem:s24+$0x320]  }
0xef: {  	v7 =	vld [tilespmem:s24+$0x330]  }
0xf0: {  	v8 =	vld [tilespmem:s24+$0x340];
	v9 =	vand.u32 $0xFF, v0  }
0xf1: {  	v6 =	vand.u32 $0xFF, v1;
	v0 =	vld [tilespmem:s24+$0x350]  }
0xf2: {  	v10 =	vld [tilespmem:s24+$0x360];
	v5 =	vand.u32 $0xFF, v2  }
0xf3: {  	v4 =	vand.u32 $0xFF, v3  }
0xf4: {  	v3 =	vand.u32 $0xFF, v7  }
0xf5: {  	v2 =	vand.u32 $0xFF, v8;
	v7 =	vld.idx.msk [tilespmem:v9+s5+$0x0], $0xffff  }
0xf6: {  	v8 =	vld.idx.msk [tilespmem:v6+s5+$0x0], $0xffff;
	v1 =	vand.u32 $0xFF, v0  }
0xf7: {  	v11 =	vld.idx.msk [tilespmem:v5+s5+$0x0], $0xffff;
	v0 =	vand.u32 $0xFF, v10  }
0xf8: {  	v10 =	vld.idx.msk [tilespmem:v4+s5+$0x0], $0xffff  }
0xf9: {  	v12 =	vld.idx.msk [tilespmem:v3+s5+$0x0], $0xffff  }
0xfa: {  	v13 =	vld.idx.msk [tilespmem:v2+s5+$0x0], $0xffff  }
0xfb: {  	v14 =	vld.idx.msk [tilespmem:v1+s5+$0x0], $0xffff;
	[tilespmem:s24+$0x4370] =	vst v7  }
0xfc: {  	[tilespmem:s24+$0x4300] =	vst v8;
	v15 =	vld.idx.msk [tilespmem:v0+s5+$0x0], $0xffff  }
0xfd: {  	[tilespmem:s24+$0x4310] =	vst v11;
	v7 =	vld.idx.msk [tilespmem:v9+s30+$0x0], $0xffff  }
0xfe: {  	[tilespmem:s24+$0x4320] =	vst v10;
	v16 =	vld.idx.msk [tilespmem:v6+s30+$0x0], $0xffff  }
0xff: {  	[tilespmem:s24+$0x4330] =	vst v12;
	v10 =	vld.idx.msk [tilespmem:v5+s30+$0x0], $0xffff  }
0x100: {  	[tilespmem:s24+$0x4340] =	vst v13;
	v12 =	vld.idx.msk [tilespmem:v4+s30+$0x0], $0xffff  }
0x101: {  	v11 =	vld.idx.msk [tilespmem:v3+s30+$0x0], $0xffff;
	[tilespmem:s24+$0x4350] =	vst v14  }
0x102: {  	v8 =	vld.idx.msk [tilespmem:v2+s30+$0x0], $0xffff;
	[tilespmem:s24+$0x4360] =	vst v15  }
0x103: {  	[tilespmem:s24+$0x8370] =	vst v7;
	v7 =	vld.idx.msk [tilespmem:v1+s30+$0x0], $0xffff  }
0x104: {  	[tilespmem:s24+$0x8300] =	vst v16;
	v9 =	vld.idx.msk [tilespmem:v9+s31+$0x0], $0xffff  }
0x105: {  	s21 =	simm.s32 $0x0;
	[tilespmem:s24+$0x8310] =	vst v10;
	v10 =	vld.idx.msk [tilespmem:v0+s30+$0x0], $0xffff  }
.LBB2_7:
0x106: {  	s21 =	sadd.s32 $0x8, s21;
	v6 =	vld.idx.msk [tilespmem:v6+s31+$0x0], $0xffff;
	[tilespmem:s24+$0x8320] =	vst v12  }
0x107: {  	s20 =	sadd.s32 $0x400, s20;
	s9 =	sshll.u32 s21, $0x4;
	p0 =	slt.u32 s21, $0x1F8;
	v5 =	vld.idx.msk [tilespmem:v5+s31+$0x0], $0xffff;
	[tilespmem:s24+$0x8330] =	vst v11  }
0x108: {  	s22 =	sand.u32 $0xC00, s20;
	s23 =	sshll.u32 s21, $0x2;
	s9 =	sand.u32 $0x1000, s9;
	v4 =	vld.idx.msk [tilespmem:v4+s31+$0x0], $0xffff;
	[tilespmem:s24+$0x8340] =	vst v8  }
0x109: {  	s9 =	sor.u32 s22, s9;
	s22 =	sand.u32 $0x380, s23;
	v3 =	vld.idx.msk [tilespmem:v3+s31+$0x0], $0xffff;
	[tilespmem:s24+$0xC370] =	vst v9  }
0x10a: {  	s9 =	sor.u32 s22, s9;
	v2 =	vld.idx.msk [tilespmem:v2+s31+$0x0], $0xffff;
	[tilespmem:s24+$0x8350] =	vst v7  }
0x10b: {  	v7 =	vld [tilespmem:s9+$0x370];
	[tilespmem:s24+$0x8360] =	vst v10  }
0x10c: {  	v8 =	vld [tilespmem:s9+$0x300];
	[tilespmem:s24+$0xC300] =	vst v6  }
0x10d: {  	v9 =	vld [tilespmem:s9+$0x310];
	[tilespmem:s24+$0xC310] =	vst v5  }
0x10e: {  	v10 =	vld [tilespmem:s9+$0x320];
	[tilespmem:s24+$0xC320] =	vst v4  }
0x10f: {  	v11 =	vld [tilespmem:s9+$0x330];
	[tilespmem:s24+$0xC330] =	vst v3  }
0x110: {  	v12 =	vld [tilespmem:s9+$0x340];
	v7 =	vand.u32 $0xFF, v7;
	[tilespmem:s24+$0xC340] =	vst v2  }
0x111: {  	v6 =	vand.u32 $0xFF, v8;
	v8 =	vld [tilespmem:s9+$0x350]  }
0x112: {  	v5 =	vand.u32 $0xFF, v9;
	v9 =	vld [tilespmem:s9+$0x360]  }
0x113: {  	v4 =	vand.u32 $0xFF, v10;
	v10 =	vld.idx.msk [tilespmem:v1+s31+$0x0], $0xffff  }
0x114: {  	v3 =	vand.u32 $0xFF, v11;
	v11 =	vld.idx.msk [tilespmem:v0+s31+$0x0], $0xffff  }
0x115: {  	v2 =	vand.u32 $0xFF, v12;
	v12 =	vld.idx.msk [tilespmem:v7+s5+$0x0], $0xffff  }
0x116: {  	v13 =	vld.idx.msk [tilespmem:v6+s5+$0x0], $0xffff;
	v1 =	vand.u32 $0xFF, v8  }
0x117: {  	v8 =	vld.idx.msk [tilespmem:v5+s5+$0x0], $0xffff;
	v0 =	vand.u32 $0xFF, v9  }
0x118: {  	v9 =	vld.idx.msk [tilespmem:v4+s5+$0x0], $0xffff  }
0x119: {  	v14 =	vld.idx.msk [tilespmem:v3+s5+$0x0], $0xffff;
	[tilespmem:s24+$0xC350] =	vst v10  }
0x11a: {  	v10 =	vld.idx.msk [tilespmem:v2+s5+$0x0], $0xffff;
	[tilespmem:s24+$0xC360] =	vst v11;
	s24 =	smov.u32 s9  }
0x11b: {  	v15 =	vld.idx.msk [tilespmem:v1+s5+$0x0], $0xffff;
	[tilespmem:s24+$0x4370] =	vst v12  }
0x11c: {  	[tilespmem:s24+$0x4300] =	vst v13;
	v13 =	vld.idx.msk [tilespmem:v7+s30+$0x0], $0xffff  }
0x11d: {  	[tilespmem:s24+$0x4310] =	vst v8;
	v16 =	vld.idx.msk [tilespmem:v0+s5+$0x0], $0xffff  }
0x11e: {  	v17 =	vld.idx.msk [tilespmem:v6+s30+$0x0], $0xffff;
	[tilespmem:s24+$0x4320] =	vst v9  }
0x11f: {  	v18 =	vld.idx.msk [tilespmem:v5+s30+$0x0], $0xffff;
	[tilespmem:s24+$0x4330] =	vst v14  }
0x120: {  	v12 =	vld.idx.msk [tilespmem:v4+s30+$0x0], $0xffff;
	[tilespmem:s24+$0x4340] =	vst v10  }
.Ltmp2:
0x121: {  	v11 =	vld.idx.msk [tilespmem:v3+s30+$0x0], $0xffff;
	[tilespmem:s24+$0x4350] =	vst v15;
	(pc) =	sbr.rel @p0 .LBB2_7-.Ltmp2, $4  }
0x122: {  	v8 =	vld.idx.msk [tilespmem:v2+s30+$0x0], $0xffff;
	[tilespmem:s24+$0x8370] =	vst v13  }
0x123: {  	[tilespmem:s24+$0x4360] =	vst v16;
	v9 =	vld.idx.msk [tilespmem:v7+s31+$0x0], $0xffff  }
0x124: {  	[tilespmem:s24+$0x8300] =	vst v17;
	v7 =	vld.idx.msk [tilespmem:v1+s30+$0x0], $0xffff  }
0x125: {  	[tilespmem:s24+$0x8310] =	vst v18;
	v10 =	vld.idx.msk [tilespmem:v0+s30+$0x0], $0xffff  }
0x126: {  	_ =	sdelay $0x2  }
0x127: {  	[tilespmem:s24+$0x8320] =	vst v12  }
0x128: {  	v6 =	vld.idx.msk [tilespmem:v6+s31+$0x0], $0xffff;
	[tilespmem:s24+$0x8330] =	vst v11  }
0x129: {  	v5 =	vld.idx.msk [tilespmem:v5+s31+$0x0], $0xffff;
	[tilespmem:s24+$0x8340] =	vst v8  }
0x12a: {  	v4 =	vld.idx.msk [tilespmem:v4+s31+$0x0], $0xffff;
	[tilespmem:s24+$0xC370] =	vst v9  }
0x12b: {  	v3 =	vld.idx.msk [tilespmem:v3+s31+$0x0], $0xffff;
	[tilespmem:s24+$0x8350] =	vst v7  }
0x12c: {  	s20 =	sshll.u32 s19, $0x1;
	v2 =	vld.idx.msk [tilespmem:v2+s31+$0x0], $0xffff;
	[tilespmem:s24+$0x8360] =	vst v10  }
0x12d: {  	s9 =	sor.u32 s6, s20;
	v1 =	vld.idx.msk [tilespmem:v1+s31+$0x0], $0xffff;
	[tilespmem:s24+$0xC300] =	vst v6  }
0x12e: {  	s21 =	sshrl.u32 s9, $0x5;
	[tilespmem:s24+$0xC310] =	vst v5;
	v0 =	vld.idx.msk [tilespmem:v0+s31+$0x0], $0xffff  }
0x12f: {  	s23 =	sshll.u32 s9, $0xD;
	s22 =	sshll.u32 s21, $0x12;
	s21 =	smul.u32 $0xC0000, s21;
	[tilespmem:s24+$0xC320] =	vst v4  }
0x130: {  	s9 =	ssub.s32 s23, s22;
	[tilespmem:s24+$0xC330] =	vst v3  }
0x131: {  	s9 =	sadd.s32 s21, s9;
	[tilespmem:s24+$0xC340] =	vst v2  }
0x132: {  	s25 =	sshrl.u32 s9, $0x3;
	[tilespmem:s24+$0xC350] =	vst v1  }
0x133: {  	s10 =	sadd.s32 $0x40000, s9;
	s25 =	sadd.s32 s4, s25;
	[tilespmem:s24+$0xC360] =	vst v0;
	s24 =	simm.s32 $0x0  }
0x134: {  	[hbm4b:s25+s24] =	stream.linear.scatter [tilespmem:s7], [sflag:$0x3], $0x2000, $0x38;
	[tilespmem:$0x10300] =	vst v63  }
0x135: {  	s9 =	sadd.s32 $0x80000, s9;
	s25 =	sshrl.u32 s10, $0x3  }
0x136: {  	s9 =	sshrl.u32 s9, $0x3;
	s25 =	sadd.s32 s4, s25  }
0x137: {  	[hbm4b:s25+s24] =	stream.linear.scatter [tilespmem:s8], [sflag:$0x3], $0x2000, $0x38;
	[tilespmem:$0x10300] =	vst v63  }
0x138: {  	s18 =	sadd.s32 s20, s26;
	s9 =	sadd.s32 s4, s9  }
0x139: {  	[hbm4b:s9+s24] =	stream.linear.scatter [tilespmem:s11], [sflag:$0x3], $0x2000, $0x38;
	[tilespmem:$0x10300] =	vst v63  }
0x13a: {  	s9 =	sshll.u32 s18, $0xA  }
0x13b: {  	s9 =	sadd.s32 s2, s9  }
0x13c: {  	[tilespmem:s0], [sflag:$0x1] =	stream.linear.gather [hbm4b:s9+s24], $0x2000, $0x38;
	[tilespmem:$0x10300] =	vst v63  }
0x13d: {  	_ =	swait.ge [sflag:s12], $0x2000  }
0x13e: {  	[sflag:s12] =	ssyncset.done $0x0  }
0x13f: {  	[sflag:s12] =	ssyncadd.s32 $0xFFFFE000  }
0x140: {  	_ =	swait.ge [sflag:s17], $0x2000  }
0x141: {  	[sflag:s17] =	ssyncset.done $0x0  }
0x142: {  	[sflag:s17] =	ssyncadd.s32 $0xFFFFE000  }
0x143: {  	_ =	swait.ge [sflag:s17], $0x2000  }
0x144: {  	[sflag:s17] =	ssyncset.done $0x0  }
0x145: {  	s29 =	sand.u32 $0xC00, s24;
	s25 =	simm.s32 $0x0;
	[sflag:s17] =	ssyncadd.s32 $0xFFFFE000  }
0x146: {  	s10 =	simm.s32 $0x0;
	s9 =	sand.u32 $0x1000, s25;
	_ =	swait.ge [sflag:s17], $0x2000  }
0x147: {  	s10 =	sand.u32 $0x380, s10;
	s9 =	sor.u32 s29, s9;
	[sflag:s17] =	ssyncset.done $0x0  }
0x148: {  	s25 =	sor.u32 s10, s9;
	[sflag:s17] =	ssyncadd.s32 $0xFFFFE000  }
0x149: {  	v0 =	vld [tilespmem:s25+$0x2370]  }
0x14a: {  	v1 =	vld [tilespmem:s25+$0x2300]  }
0x14b: {  	v2 =	vld [tilespmem:s25+$0x2310]  }
0x14c: {  	v3 =	vld [tilespmem:s25+$0x2320]  }
0x14d: {  	v7 =	vld [tilespmem:s25+$0x2330]  }
0x14e: {  	v8 =	vld [tilespmem:s25+$0x2340];
	v9 =	vand.u32 $0xFF, v0  }
0x14f: {  	v6 =	vand.u32 $0xFF, v1;
	v0 =	vld [tilespmem:s25+$0x2350]  }
0x150: {  	v5 =	vand.u32 $0xFF, v2;
	v1 =	vld [tilespmem:s25+$0x2360]  }
0x151: {  	v4 =	vand.u32 $0xFF, v3  }
0x152: {  	v3 =	vand.u32 $0xFF, v7  }
0x153: {  	v2 =	vand.u32 $0xFF, v8;
	v7 =	vld.idx.msk [tilespmem:v9+s5+$0x0], $0xffff  }
0x154: {  	v8 =	vld.idx.msk [tilespmem:v6+s5+$0x0], $0xffff;
	v0 =	vand.u32 $0xFF, v0  }
0x155: {  	v10 =	vld.idx.msk [tilespmem:v5+s5+$0x0], $0xffff;
	v1 =	vand.u32 $0xFF, v1  }
0x156: {  	v11 =	vld.idx.msk [tilespmem:v4+s5+$0x0], $0xffff  }
0x157: {  	v12 =	vld.idx.msk [tilespmem:v3+s5+$0x0], $0xffff  }
0x158: {  	v13 =	vld.idx.msk [tilespmem:v2+s5+$0x0], $0xffff  }
0x159: {  	v14 =	vld.idx.msk [tilespmem:v0+s5+$0x0], $0xffff;
	[tilespmem:s25+$0x6370] =	vst v7  }
0x15a: {  	[tilespmem:s25+$0x6310] =	vst v10;
	v10 =	vld.idx.msk [tilespmem:v1+s5+$0x0], $0xffff  }
0x15b: {  	[tilespmem:s25+$0x6300] =	vst v8;
	v7 =	vld.idx.msk [tilespmem:v9+s30+$0x0], $0xffff  }
0x15c: {  	[tilespmem:s25+$0x6320] =	vst v11;
	v15 =	vld.idx.msk [tilespmem:v6+s30+$0x0], $0xffff  }
0x15d: {  	[tilespmem:s25+$0x6330] =	vst v12;
	v16 =	vld.idx.msk [tilespmem:v5+s30+$0x0], $0xffff  }
0x15e: {  	[tilespmem:s25+$0x6340] =	vst v13;
	v12 =	vld.idx.msk [tilespmem:v4+s30+$0x0], $0xffff  }
0x15f: {  	v11 =	vld.idx.msk [tilespmem:v3+s30+$0x0], $0xffff;
	[tilespmem:s25+$0x6350] =	vst v14  }
0x160: {  	v8 =	vld.idx.msk [tilespmem:v2+s30+$0x0], $0xffff;
	[tilespmem:s25+$0x6360] =	vst v10  }
0x161: {  	[tilespmem:s25+$0xA370] =	vst v7;
	v7 =	vld.idx.msk [tilespmem:v0+s30+$0x0], $0xffff  }
0x162: {  	[tilespmem:s25+$0xA300] =	vst v15;
	v9 =	vld.idx.msk [tilespmem:v9+s31+$0x0], $0xffff  }
0x163: {  	s9 =	simm.s32 $0x0;
	[tilespmem:s25+$0xA310] =	vst v16;
	v10 =	vld.idx.msk [tilespmem:v1+s30+$0x0], $0xffff  }
.LBB2_9:
0x164: {  	s9 =	sadd.s32 $0x8, s9;
	v6 =	vld.idx.msk [tilespmem:v6+s31+$0x0], $0xffff;
	[tilespmem:s25+$0xA320] =	vst v12  }
0x165: {  	s24 =	sadd.s32 $0x400, s24;
	s10 =	sshll.u32 s9, $0x4;
	p0 =	slt.u32 s9, $0x1F8;
	v5 =	vld.idx.msk [tilespmem:v5+s31+$0x0], $0xffff;
	[tilespmem:s25+$0xA330] =	vst v11  }
0x166: {  	s29 =	sand.u32 $0xC00, s24;
	s18 =	sshll.u32 s9, $0x2;
	s10 =	sand.u32 $0x1000, s10;
	v4 =	vld.idx.msk [tilespmem:v4+s31+$0x0], $0xffff;
	[tilespmem:s25+$0xA340] =	vst v8  }
0x167: {  	s18 =	sand.u32 $0x380, s18;
	s10 =	sor.u32 s29, s10;
	v3 =	vld.idx.msk [tilespmem:v3+s31+$0x0], $0xffff;
	[tilespmem:s25+$0xE370] =	vst v9  }
0x168: {  	s10 =	sor.u32 s18, s10;
	v2 =	vld.idx.msk [tilespmem:v2+s31+$0x0], $0xffff;
	[tilespmem:s25+$0xA350] =	vst v7  }
0x169: {  	v7 =	vld [tilespmem:s10+$0x2370];
	[tilespmem:s25+$0xA360] =	vst v10  }
0x16a: {  	v8 =	vld [tilespmem:s10+$0x2300];
	[tilespmem:s25+$0xE300] =	vst v6  }
0x16b: {  	v9 =	vld [tilespmem:s10+$0x2310];
	[tilespmem:s25+$0xE310] =	vst v5  }
0x16c: {  	v10 =	vld [tilespmem:s10+$0x2320];
	[tilespmem:s25+$0xE320] =	vst v4  }
0x16d: {  	v11 =	vld [tilespmem:s10+$0x2330];
	[tilespmem:s25+$0xE330] =	vst v3  }
0x16e: {  	v12 =	vld [tilespmem:s10+$0x2340];
	v7 =	vand.u32 $0xFF, v7;
	[tilespmem:s25+$0xE340] =	vst v2  }
0x16f: {  	v6 =	vand.u32 $0xFF, v8;
	v8 =	vld [tilespmem:s10+$0x2350]  }
0x170: {  	v5 =	vand.u32 $0xFF, v9;
	v9 =	vld [tilespmem:s10+$0x2360]  }
0x171: {  	v4 =	vand.u32 $0xFF, v10;
	v10 =	vld.idx.msk [tilespmem:v0+s31+$0x0], $0xffff  }
0x172: {  	v3 =	vand.u32 $0xFF, v11;
	v11 =	vld.idx.msk [tilespmem:v1+s31+$0x0], $0xffff  }
0x173: {  	v2 =	vand.u32 $0xFF, v12;
	v12 =	vld.idx.msk [tilespmem:v7+s5+$0x0], $0xffff  }
0x174: {  	v13 =	vld.idx.msk [tilespmem:v6+s5+$0x0], $0xffff;
	v0 =	vand.u32 $0xFF, v8  }
0x175: {  	v8 =	vld.idx.msk [tilespmem:v5+s5+$0x0], $0xffff;
	v1 =	vand.u32 $0xFF, v9  }
0x176: {  	v9 =	vld.idx.msk [tilespmem:v4+s5+$0x0], $0xffff  }
0x177: {  	v14 =	vld.idx.msk [tilespmem:v3+s5+$0x0], $0xffff;
	[tilespmem:s25+$0xE350] =	vst v10  }
0x178: {  	v10 =	vld.idx.msk [tilespmem:v2+s5+$0x0], $0xffff;
	[tilespmem:s25+$0xE360] =	vst v11;
	s25 =	smov.u32 s10  }
0x179: {  	v15 =	vld.idx.msk [tilespmem:v0+s5+$0x0], $0xffff;
	[tilespmem:s25+$0x6370] =	vst v12  }
0x17a: {  	[tilespmem:s25+$0x6300] =	vst v13;
	v13 =	vld.idx.msk [tilespmem:v7+s30+$0x0], $0xffff  }
0x17b: {  	[tilespmem:s25+$0x6310] =	vst v8;
	v16 =	vld.idx.msk [tilespmem:v1+s5+$0x0], $0xffff  }
0x17c: {  	v17 =	vld.idx.msk [tilespmem:v6+s30+$0x0], $0xffff;
	[tilespmem:s25+$0x6320] =	vst v9  }
0x17d: {  	v18 =	vld.idx.msk [tilespmem:v5+s30+$0x0], $0xffff;
	[tilespmem:s25+$0x6330] =	vst v14  }
0x17e: {  	v12 =	vld.idx.msk [tilespmem:v4+s30+$0x0], $0xffff;
	[tilespmem:s25+$0x6340] =	vst v10  }
.Ltmp3:
0x17f: {  	v11 =	vld.idx.msk [tilespmem:v3+s30+$0x0], $0xffff;
	[tilespmem:s25+$0x6350] =	vst v15;
	(pc) =	sbr.rel @p0 .LBB2_9-.Ltmp3, $4  }
0x180: {  	v8 =	vld.idx.msk [tilespmem:v2+s30+$0x0], $0xffff;
	[tilespmem:s25+$0xA370] =	vst v13  }
0x181: {  	[tilespmem:s25+$0x6360] =	vst v16;
	v9 =	vld.idx.msk [tilespmem:v7+s31+$0x0], $0xffff  }
0x182: {  	[tilespmem:s25+$0xA300] =	vst v17;
	v7 =	vld.idx.msk [tilespmem:v0+s30+$0x0], $0xffff  }
0x183: {  	[tilespmem:s25+$0xA310] =	vst v18;
	v10 =	vld.idx.msk [tilespmem:v1+s30+$0x0], $0xffff  }
0x184: {  	_ =	sdelay $0x2  }
0x185: {  	[tilespmem:s25+$0xA320] =	vst v12  }
0x186: {  	v6 =	vld.idx.msk [tilespmem:v6+s31+$0x0], $0xffff;
	[tilespmem:s25+$0xA330] =	vst v11  }
0x187: {  	v5 =	vld.idx.msk [tilespmem:v5+s31+$0x0], $0xffff;
	[tilespmem:s25+$0xA340] =	vst v8  }
0x188: {  	v4 =	vld.idx.msk [tilespmem:v4+s31+$0x0], $0xffff;
	[tilespmem:s25+$0xE370] =	vst v9  }
0x189: {  	v3 =	vld.idx.msk [tilespmem:v3+s31+$0x0], $0xffff;
	[tilespmem:s25+$0xA350] =	vst v7  }
0x18a: {  	v2 =	vld.idx.msk [tilespmem:v2+s31+$0x0], $0xffff;
	[tilespmem:s25+$0xA360] =	vst v10  }
0x18b: {  	v0 =	vld.idx.msk [tilespmem:v0+s31+$0x0], $0xffff;
	[tilespmem:s25+$0xE300] =	vst v6  }
0x18c: {  	[tilespmem:s25+$0xE310] =	vst v5;
	v1 =	vld.idx.msk [tilespmem:v1+s31+$0x0], $0xffff  }
0x18d: {  	s9 =	sor.u32 $0x2000, s23;
	[tilespmem:s25+$0xE320] =	vst v4  }
0x18e: {  	s9 =	ssub.s32 s9, s22;
	[tilespmem:s25+$0xE330] =	vst v3  }
0x18f: {  	s9 =	sadd.s32 s21, s9;
	[tilespmem:s25+$0xE340] =	vst v2  }
0x190: {  	s10 =	sshrl.u32 s9, $0x3;
	[tilespmem:s25+$0xE350] =	vst v0  }
0x191: {  	s10 =	sadd.s32 s4, s10;
	[tilespmem:s25+$0xE360] =	vst v1;
	s25 =	sadd.s32 $0x40000, s9  }
0x192: {  	[hbm4b:s10+s5] =	stream.linear.scatter [tilespmem:s13], [sflag:$0x4], $0x2000, $0x38;
	[tilespmem:$0x10300] =	vst v63  }
0x193: {  	s19 =	sadd.s32 $0x1, s19;
	s9 =	sadd.s32 $0x80000, s9;
	s10 =	sshrl.u32 s25, $0x3  }
0x194: {  	p0 =	sne.s32 s19, $0x1F;
	s9 =	sshrl.u32 s9, $0x3;
	s10 =	sadd.s32 s4, s10  }
0x195: {  	[hbm4b:s10+s5] =	stream.linear.scatter [tilespmem:s14], [sflag:$0x4], $0x2000, $0x38;
	[tilespmem:$0x10300] =	vst v63  }
.Ltmp4:
0x196: {  	s29 =	sadd.s32 s20, s28;
	s9 =	sadd.s32 s4, s9;
	(pc) =	sbr.rel @p0 .LBB2_6-.Ltmp4, $4  }
0x197: {  	[hbm4b:s9+s5] =	stream.linear.scatter [tilespmem:s15], [sflag:$0x4], $0x2000, $0x38;
	[tilespmem:$0x10300] =	vst v63  }
0x198: {  	s9 =	sshll.u32 s29, $0xA  }
0x199: {  	s9 =	sadd.s32 s2, s9  }
0x19a: {  	[tilespmem:s1], [sflag:$0x2] =	stream.linear.gather [hbm4b:s9+s5], $0x2000, $0x38;
	[tilespmem:$0x10300] =	vst v63  }
0x19b: {  	_ =	swait.ge [sflag:s3], $0x2000  }
0x19c: {  	[sflag:s3] =	ssyncset.done $0x0  }
0x19d: {  	[sflag:s3] =	ssyncadd.s32 $0xFFFFE000  }
0x19e: {  	_ =	swait.ge [sflag:s16], $0x2000  }
0x19f: {  	[sflag:s16] =	ssyncset.done $0x0  }
0x1a0: {  	[sflag:s16] =	ssyncadd.s32 $0xFFFFE000  }
0x1a1: {  	_ =	swait.ge [sflag:s16], $0x2000  }
0x1a2: {  	s20 =	simm.s32 $0x0;
	[sflag:s16] =	ssyncset.done $0x0  }
0x1a3: {  	s9 =	simm.s32 $0x0;
	s18 =	simm.s32 $0x0;
	[sflag:s16] =	ssyncadd.s32 $0xFFFFE000  }
0x1a4: {  	s9 =	sand.u32 $0x1000, s9;
	s10 =	sand.u32 $0xC00, s20;
	_ =	swait.ge [sflag:s16], $0x2000  }
0x1a5: {  	s29 =	sand.u32 $0x380, s18;
	s9 =	sor.u32 s10, s9;
	[sflag:s16] =	ssyncset.done $0x0  }
0x1a6: {  	s19 =	sor.u32 s29, s9;
	[sflag:s16] =	ssyncadd.s32 $0xFFFFE000  }
0x1a7: {  	v0 =	vld [tilespmem:s19+$0x370]  }
0x1a8: {  	v1 =	vld [tilespmem:s19+$0x300]  }
0x1a9: {  	v2 =	vld [tilespmem:s19+$0x310]  }
0x1aa: {  	v3 =	vld [tilespmem:s19+$0x320]  }
0x1ab: {  	v7 =	vld [tilespmem:s19+$0x330]  }
0x1ac: {  	v8 =	vld [tilespmem:s19+$0x340];
	v9 =	vand.u32 $0xFF, v0  }
0x1ad: {  	v6 =	vand.u32 $0xFF, v1;
	v0 =	vld [tilespmem:s19+$0x350]  }
0x1ae: {  	v5 =	vand.u32 $0xFF, v2;
	v1 =	vld [tilespmem:s19+$0x360]  }
0x1af: {  	v4 =	vand.u32 $0xFF, v3  }
0x1b0: {  	v3 =	vand.u32 $0xFF, v7  }
0x1b1: {  	v2 =	vand.u32 $0xFF, v8;
	v7 =	vld.idx.msk [tilespmem:v9+s5+$0x0], $0xffff  }
0x1b2: {  	v8 =	vld.idx.msk [tilespmem:v6+s5+$0x0], $0xffff;
	v0 =	vand.u32 $0xFF, v0  }
0x1b3: {  	v10 =	vld.idx.msk [tilespmem:v5+s5+$0x0], $0xffff;
	v1 =	vand.u32 $0xFF, v1  }
0x1b4: {  	v11 =	vld.idx.msk [tilespmem:v4+s5+$0x0], $0xffff  }
0x1b5: {  	v12 =	vld.idx.msk [tilespmem:v3+s5+$0x0], $0xffff  }
0x1b6: {  	v13 =	vld.idx.msk [tilespmem:v2+s5+$0x0], $0xffff  }
0x1b7: {  	v14 =	vld.idx.msk [tilespmem:v0+s5+$0x0], $0xffff;
	[tilespmem:s19+$0x4370] =	vst v7  }
0x1b8: {  	[tilespmem:s19+$0x4310] =	vst v10;
	v10 =	vld.idx.msk [tilespmem:v1+s5+$0x0], $0xffff  }
0x1b9: {  	[tilespmem:s19+$0x4300] =	vst v8;
	v7 =	vld.idx.msk [tilespmem:v9+s30+$0x0], $0xffff  }
0x1ba: {  	[tilespmem:s19+$0x4320] =	vst v11;
	v15 =	vld.idx.msk [tilespmem:v6+s30+$0x0], $0xffff  }
0x1bb: {  	[tilespmem:s19+$0x4330] =	vst v12;
	v16 =	vld.idx.msk [tilespmem:v5+s30+$0x0], $0xffff  }
0x1bc: {  	[tilespmem:s19+$0x4340] =	vst v13;
	v12 =	vld.idx.msk [tilespmem:v4+s30+$0x0], $0xffff  }
0x1bd: {  	v11 =	vld.idx.msk [tilespmem:v3+s30+$0x0], $0xffff;
	[tilespmem:s19+$0x4350] =	vst v14  }
0x1be: {  	v8 =	vld.idx.msk [tilespmem:v2+s30+$0x0], $0xffff;
	[tilespmem:s19+$0x4360] =	vst v10  }
0x1bf: {  	[tilespmem:s19+$0x8370] =	vst v7;
	v7 =	vld.idx.msk [tilespmem:v0+s30+$0x0], $0xffff  }
0x1c0: {  	[tilespmem:s19+$0x8300] =	vst v15;
	v9 =	vld.idx.msk [tilespmem:v9+s31+$0x0], $0xffff  }
0x1c1: {  	s9 =	simm.s32 $0x0;
	[tilespmem:s19+$0x8310] =	vst v16;
	v10 =	vld.idx.msk [tilespmem:v1+s30+$0x0], $0xffff  }
.LBB2_12:
0x1c2: {  	s9 =	sadd.s32 $0x8, s9;
	v6 =	vld.idx.msk [tilespmem:v6+s31+$0x0], $0xffff;
	[tilespmem:s19+$0x8320] =	vst v12  }
0x1c3: {  	s20 =	sadd.s32 $0x400, s20;
	s10 =	sshll.u32 s9, $0x4;
	p0 =	slt.u32 s9, $0x1F8;
	v5 =	vld.idx.msk [tilespmem:v5+s31+$0x0], $0xffff;
	[tilespmem:s19+$0x8330] =	vst v11  }
0x1c4: {  	s18 =	sand.u32 $0xC00, s20;
	s21 =	sshll.u32 s9, $0x2;
	s10 =	sand.u32 $0x1000, s10;
	v4 =	vld.idx.msk [tilespmem:v4+s31+$0x0], $0xffff;
	[tilespmem:s19+$0x8340] =	vst v8  }
0x1c5: {  	s10 =	sor.u32 s18, s10;
	s18 =	sand.u32 $0x380, s21;
	v3 =	vld.idx.msk [tilespmem:v3+s31+$0x0], $0xffff;
	[tilespmem:s19+$0xC370] =	vst v9  }
0x1c6: {  	s10 =	sor.u32 s18, s10;
	v2 =	vld.idx.msk [tilespmem:v2+s31+$0x0], $0xffff;
	[tilespmem:s19+$0x8350] =	vst v7  }
0x1c7: {  	v7 =	vld [tilespmem:s10+$0x370];
	[tilespmem:s19+$0x8360] =	vst v10  }
0x1c8: {  	v8 =	vld [tilespmem:s10+$0x300];
	[tilespmem:s19+$0xC300] =	vst v6  }
0x1c9: {  	v9 =	vld [tilespmem:s10+$0x310];
	[tilespmem:s19+$0xC310] =	vst v5  }
0x1ca: {  	v10 =	vld [tilespmem:s10+$0x320];
	[tilespmem:s19+$0xC320] =	vst v4  }
0x1cb: {  	v11 =	vld [tilespmem:s10+$0x330];
	[tilespmem:s19+$0xC330] =	vst v3  }
0x1cc: {  	v12 =	vld [tilespmem:s10+$0x340];
	v7 =	vand.u32 $0xFF, v7;
	[tilespmem:s19+$0xC340] =	vst v2  }
0x1cd: {  	v6 =	vand.u32 $0xFF, v8;
	v8 =	vld [tilespmem:s10+$0x350]  }
0x1ce: {  	v5 =	vand.u32 $0xFF, v9;
	v9 =	vld [tilespmem:s10+$0x360]  }
0x1cf: {  	v4 =	vand.u32 $0xFF, v10;
	v10 =	vld.idx.msk [tilespmem:v0+s31+$0x0], $0xffff  }
0x1d0: {  	v3 =	vand.u32 $0xFF, v11;
	v11 =	vld.idx.msk [tilespmem:v1+s31+$0x0], $0xffff  }
0x1d1: {  	v2 =	vand.u32 $0xFF, v12;
	v12 =	vld.idx.msk [tilespmem:v7+s5+$0x0], $0xffff  }
0x1d2: {  	v13 =	vld.idx.msk [tilespmem:v6+s5+$0x0], $0xffff;
	v0 =	vand.u32 $0xFF, v8  }
0x1d3: {  	v8 =	vld.idx.msk [tilespmem:v5+s5+$0x0], $0xffff;
	v1 =	vand.u32 $0xFF, v9  }
0x1d4: {  	v9 =	vld.idx.msk [tilespmem:v4+s5+$0x0], $0xffff  }
0x1d5: {  	v14 =	vld.idx.msk [tilespmem:v3+s5+$0x0], $0xffff;
	[tilespmem:s19+$0xC350] =	vst v10  }
0x1d6: {  	v10 =	vld.idx.msk [tilespmem:v2+s5+$0x0], $0xffff;
	[tilespmem:s19+$0xC360] =	vst v11;
	s19 =	smov.u32 s10  }
0x1d7: {  	v15 =	vld.idx.msk [tilespmem:v0+s5+$0x0], $0xffff;
	[tilespmem:s19+$0x4370] =	vst v12  }
0x1d8: {  	[tilespmem:s19+$0x4300] =	vst v13;
	v13 =	vld.idx.msk [tilespmem:v7+s30+$0x0], $0xffff  }
0x1d9: {  	[tilespmem:s19+$0x4310] =	vst v8;
	v16 =	vld.idx.msk [tilespmem:v1+s5+$0x0], $0xffff  }
0x1da: {  	v17 =	vld.idx.msk [tilespmem:v6+s30+$0x0], $0xffff;
	[tilespmem:s19+$0x4320] =	vst v9  }
0x1db: {  	v18 =	vld.idx.msk [tilespmem:v5+s30+$0x0], $0xffff;
	[tilespmem:s19+$0x4330] =	vst v14  }
0x1dc: {  	v12 =	vld.idx.msk [tilespmem:v4+s30+$0x0], $0xffff;
	[tilespmem:s19+$0x4340] =	vst v10  }
.Ltmp5:
0x1dd: {  	v11 =	vld.idx.msk [tilespmem:v3+s30+$0x0], $0xffff;
	[tilespmem:s19+$0x4350] =	vst v15;
	(pc) =	sbr.rel @p0 .LBB2_12-.Ltmp5, $4  }
0x1de: {  	v8 =	vld.idx.msk [tilespmem:v2+s30+$0x0], $0xffff;
	[tilespmem:s19+$0x8370] =	vst v13  }
0x1df: {  	[tilespmem:s19+$0x4360] =	vst v16;
	v9 =	vld.idx.msk [tilespmem:v7+s31+$0x0], $0xffff  }
0x1e0: {  	[tilespmem:s19+$0x8300] =	vst v17;
	v7 =	vld.idx.msk [tilespmem:v0+s30+$0x0], $0xffff  }
0x1e1: {  	[tilespmem:s19+$0x8310] =	vst v18;
	v10 =	vld.idx.msk [tilespmem:v1+s30+$0x0], $0xffff  }
0x1e2: {  	_ =	sdelay $0x2  }
0x1e3: {  	[tilespmem:s19+$0x8320] =	vst v12  }
0x1e4: {  	v6 =	vld.idx.msk [tilespmem:v6+s31+$0x0], $0xffff;
	[tilespmem:s19+$0x8330] =	vst v11  }
0x1e5: {  	v5 =	vld.idx.msk [tilespmem:v5+s31+$0x0], $0xffff;
	[tilespmem:s19+$0x8340] =	vst v8  }
0x1e6: {  	v4 =	vld.idx.msk [tilespmem:v4+s31+$0x0], $0xffff;
	[tilespmem:s19+$0xC370] =	vst v9  }
0x1e7: {  	v3 =	vld.idx.msk [tilespmem:v3+s31+$0x0], $0xffff;
	[tilespmem:s19+$0x8350] =	vst v7  }
0x1e8: {  	v2 =	vld.idx.msk [tilespmem:v2+s31+$0x0], $0xffff;
	[tilespmem:s19+$0x8360] =	vst v10  }
0x1e9: {  	v0 =	vld.idx.msk [tilespmem:v0+s31+$0x0], $0xffff;
	[tilespmem:s19+$0xC300] =	vst v6  }
0x1ea: {  	[tilespmem:s19+$0xC310] =	vst v5;
	v1 =	vld.idx.msk [tilespmem:v1+s31+$0x0], $0xffff  }
0x1eb: {  	[tilespmem:s19+$0xC320] =	vst v4  }
0x1ec: {  	[tilespmem:s19+$0xC330] =	vst v3  }
0x1ed: {  	[tilespmem:s19+$0xC340] =	vst v2  }
0x1ee: {  	[tilespmem:s19+$0xC350] =	vst v0  }
0x1ef: {  	[tilespmem:s19+$0xC360] =	vst v1  }
0x1f0: {  	s19 =	simm.s32 $0x0;
	s9 =	rddreg [dreg:$0x10]  }
0x1f1: {  	[hbm4b:s9+s19] =	stream.linear.scatter [tilespmem:s7], [sflag:$0x3], $0x2000, $0x38;
	[tilespmem:$0x10300] =	vst v63  }
0x1f2: {  	s23 =	rddreg [dreg:$0x11]  }
0x1f3: {  	[hbm4b:s23+s19] =	stream.linear.scatter [tilespmem:s8], [sflag:$0x3], $0x2000, $0x38;
	[tilespmem:$0x10300] =	vst v63  }
0x1f4: {  	s24 =	rddreg [dreg:$0x12]  }
0x1f5: {  	[hbm4b:s24+s19] =	stream.linear.scatter [tilespmem:s11], [sflag:$0x3], $0x2000, $0x38;
	[tilespmem:$0x10300] =	vst v63  }
0x1f6: {  	_ =	swait.ge [sflag:s12], $0x2000  }
0x1f7: {  	[sflag:s12] =	ssyncset.done $0x0  }
0x1f8: {  	[sflag:s12] =	ssyncadd.s32 $0xFFFFE000  }
0x1f9: {  	_ =	swait.ge [sflag:s17], $0x2000  }
0x1fa: {  	[sflag:s17] =	ssyncset.done $0x0  }
0x1fb: {  	[sflag:s17] =	ssyncadd.s32 $0xFFFFE000  }
0x1fc: {  	_ =	swait.ge [sflag:s17], $0x2000  }
0x1fd: {  	[sflag:s17] =	ssyncset.done $0x0  }
0x1fe: {  	s25 =	simm.s32 $0x0;
	s18 =	simm.s32 $0x0;
	[sflag:s17] =	ssyncadd.s32 $0xFFFFE000  }
0x1ff: {  	s10 =	sand.u32 $0xC00, s19;
	s9 =	sand.u32 $0x1000, s25;
	_ =	swait.ge [sflag:s17], $0x2000  }
0x200: {  	s29 =	sand.u32 $0x380, s18;
	s9 =	sor.u32 s10, s9;
	[sflag:s17] =	ssyncset.done $0x0  }
0x201: {  	s20 =	sor.u32 s29, s9;
	[sflag:s17] =	ssyncadd.s32 $0xFFFFE000  }
0x202: {  	v0 =	vld [tilespmem:s20+$0x2370]  }
0x203: {  	v1 =	vld [tilespmem:s20+$0x2300]  }
0x204: {  	v2 =	vld [tilespmem:s20+$0x2310]  }
0x205: {  	v3 =	vld [tilespmem:s20+$0x2320]  }
0x206: {  	v7 =	vld [tilespmem:s20+$0x2330]  }
0x207: {  	v8 =	vld [tilespmem:s20+$0x2340];
	v9 =	vand.u32 $0xFF, v0  }
0x208: {  	v6 =	vand.u32 $0xFF, v1;
	v0 =	vld [tilespmem:s20+$0x2350]  }
0x209: {  	v5 =	vand.u32 $0xFF, v2;
	v1 =	vld [tilespmem:s20+$0x2360]  }
0x20a: {  	v4 =	vand.u32 $0xFF, v3  }
0x20b: {  	v3 =	vand.u32 $0xFF, v7  }
0x20c: {  	v2 =	vand.u32 $0xFF, v8;
	v7 =	vld.idx.msk [tilespmem:v9+s5+$0x0], $0xffff  }
0x20d: {  	v8 =	vld.idx.msk [tilespmem:v6+s5+$0x0], $0xffff;
	v0 =	vand.u32 $0xFF, v0  }
0x20e: {  	v10 =	vld.idx.msk [tilespmem:v5+s5+$0x0], $0xffff;
	v1 =	vand.u32 $0xFF, v1  }
0x20f: {  	v11 =	vld.idx.msk [tilespmem:v4+s5+$0x0], $0xffff  }
0x210: {  	v12 =	vld.idx.msk [tilespmem:v3+s5+$0x0], $0xffff  }
0x211: {  	v13 =	vld.idx.msk [tilespmem:v2+s5+$0x0], $0xffff  }
0x212: {  	v14 =	vld.idx.msk [tilespmem:v0+s5+$0x0], $0xffff;
	[tilespmem:s20+$0x6370] =	vst v7  }
0x213: {  	[tilespmem:s20+$0x6310] =	vst v10;
	v10 =	vld.idx.msk [tilespmem:v1+s5+$0x0], $0xffff  }
0x214: {  	[tilespmem:s20+$0x6300] =	vst v8;
	v7 =	vld.idx.msk [tilespmem:v9+s30+$0x0], $0xffff  }
0x215: {  	[tilespmem:s20+$0x6320] =	vst v11;
	v15 =	vld.idx.msk [tilespmem:v6+s30+$0x0], $0xffff  }
0x216: {  	[tilespmem:s20+$0x6330] =	vst v12;
	v16 =	vld.idx.msk [tilespmem:v5+s30+$0x0], $0xffff  }
0x217: {  	[tilespmem:s20+$0x6340] =	vst v13;
	v12 =	vld.idx.msk [tilespmem:v4+s30+$0x0], $0xffff  }
0x218: {  	v11 =	vld.idx.msk [tilespmem:v3+s30+$0x0], $0xffff;
	[tilespmem:s20+$0x6350] =	vst v14  }
0x219: {  	v8 =	vld.idx.msk [tilespmem:v2+s30+$0x0], $0xffff;
	[tilespmem:s20+$0x6360] =	vst v10  }
0x21a: {  	[tilespmem:s20+$0xA370] =	vst v7;
	v7 =	vld.idx.msk [tilespmem:v0+s30+$0x0], $0xffff  }
0x21b: {  	[tilespmem:s20+$0xA300] =	vst v15;
	v9 =	vld.idx.msk [tilespmem:v9+s31+$0x0], $0xffff  }
0x21c: {  	s9 =	simm.s32 $0x0;
	[tilespmem:s20+$0xA310] =	vst v16;
	v10 =	vld.idx.msk [tilespmem:v1+s30+$0x0], $0xffff  }
.LBB2_14:
0x21d: {  	s9 =	sadd.s32 $0x8, s9;
	v6 =	vld.idx.msk [tilespmem:v6+s31+$0x0], $0xffff;
	[tilespmem:s20+$0xA320] =	vst v12  }
0x21e: {  	s19 =	sadd.s32 $0x400, s19;
	s10 =	sshll.u32 s9, $0x4;
	p0 =	slt.u32 s9, $0x1F8;
	v5 =	vld.idx.msk [tilespmem:v5+s31+$0x0], $0xffff;
	[tilespmem:s20+$0xA330] =	vst v11  }
0x21f: {  	s18 =	sand.u32 $0xC00, s19;
	s21 =	sshll.u32 s9, $0x2;
	s10 =	sand.u32 $0x1000, s10;
	v4 =	vld.idx.msk [tilespmem:v4+s31+$0x0], $0xffff;
	[tilespmem:s20+$0xA340] =	vst v8  }
0x220: {  	s10 =	sor.u32 s18, s10;
	s18 =	sand.u32 $0x380, s21;
	v3 =	vld.idx.msk [tilespmem:v3+s31+$0x0], $0xffff;
	[tilespmem:s20+$0xE370] =	vst v9  }
0x221: {  	s10 =	sor.u32 s18, s10;
	v2 =	vld.idx.msk [tilespmem:v2+s31+$0x0], $0xffff;
	[tilespmem:s20+$0xA350] =	vst v7  }
0x222: {  	v7 =	vld [tilespmem:s10+$0x2370];
	[tilespmem:s20+$0xA360] =	vst v10  }
0x223: {  	v8 =	vld [tilespmem:s10+$0x2300];
	[tilespmem:s20+$0xE300] =	vst v6  }
0x224: {  	v9 =	vld [tilespmem:s10+$0x2310];
	[tilespmem:s20+$0xE310] =	vst v5  }
0x225: {  	v10 =	vld [tilespmem:s10+$0x2320];
	[tilespmem:s20+$0xE320] =	vst v4  }
0x226: {  	v11 =	vld [tilespmem:s10+$0x2330];
	[tilespmem:s20+$0xE330] =	vst v3  }
0x227: {  	v12 =	vld [tilespmem:s10+$0x2340];
	v7 =	vand.u32 $0xFF, v7;
	[tilespmem:s20+$0xE340] =	vst v2  }
0x228: {  	v6 =	vand.u32 $0xFF, v8;
	v8 =	vld [tilespmem:s10+$0x2350]  }
0x229: {  	v5 =	vand.u32 $0xFF, v9;
	v9 =	vld [tilespmem:s10+$0x2360]  }
0x22a: {  	v4 =	vand.u32 $0xFF, v10;
	v10 =	vld.idx.msk [tilespmem:v0+s31+$0x0], $0xffff  }
0x22b: {  	v3 =	vand.u32 $0xFF, v11;
	v11 =	vld.idx.msk [tilespmem:v1+s31+$0x0], $0xffff  }
0x22c: {  	v2 =	vand.u32 $0xFF, v12;
	v12 =	vld.idx.msk [tilespmem:v7+s5+$0x0], $0xffff  }
0x22d: {  	v13 =	vld.idx.msk [tilespmem:v6+s5+$0x0], $0xffff;
	v0 =	vand.u32 $0xFF, v8  }
0x22e: {  	v8 =	vld.idx.msk [tilespmem:v5+s5+$0x0], $0xffff;
	v1 =	vand.u32 $0xFF, v9  }
0x22f: {  	v9 =	vld.idx.msk [tilespmem:v4+s5+$0x0], $0xffff  }
0x230: {  	v14 =	vld.idx.msk [tilespmem:v3+s5+$0x0], $0xffff;
	[tilespmem:s20+$0xE350] =	vst v10  }
0x231: {  	v10 =	vld.idx.msk [tilespmem:v2+s5+$0x0], $0xffff;
	[tilespmem:s20+$0xE360] =	vst v11;
	s20 =	smov.u32 s10  }
0x232: {  	v15 =	vld.idx.msk [tilespmem:v0+s5+$0x0], $0xffff;
	[tilespmem:s20+$0x6370] =	vst v12  }
0x233: {  	[tilespmem:s20+$0x6300] =	vst v13;
	v13 =	vld.idx.msk [tilespmem:v7+s30+$0x0], $0xffff  }
0x234: {  	[tilespmem:s20+$0x6310] =	vst v8;
	v16 =	vld.idx.msk [tilespmem:v1+s5+$0x0], $0xffff  }
0x235: {  	v17 =	vld.idx.msk [tilespmem:v6+s30+$0x0], $0xffff;
	[tilespmem:s20+$0x6320] =	vst v9  }
0x236: {  	v18 =	vld.idx.msk [tilespmem:v5+s30+$0x0], $0xffff;
	[tilespmem:s20+$0x6330] =	vst v14  }
0x237: {  	v12 =	vld.idx.msk [tilespmem:v4+s30+$0x0], $0xffff;
	[tilespmem:s20+$0x6340] =	vst v10  }
.Ltmp6:
0x238: {  	v11 =	vld.idx.msk [tilespmem:v3+s30+$0x0], $0xffff;
	[tilespmem:s20+$0x6350] =	vst v15;
	(pc) =	sbr.rel @p0 .LBB2_14-.Ltmp6, $4  }
0x239: {  	v8 =	vld.idx.msk [tilespmem:v2+s30+$0x0], $0xffff;
	[tilespmem:s20+$0xA370] =	vst v13  }
0x23a: {  	[tilespmem:s20+$0x6360] =	vst v16;
	v9 =	vld.idx.msk [tilespmem:v7+s31+$0x0], $0xffff  }
0x23b: {  	[tilespmem:s20+$0xA300] =	vst v17;
	v7 =	vld.idx.msk [tilespmem:v0+s30+$0x0], $0xffff  }
0x23c: {  	[tilespmem:s20+$0xA310] =	vst v18;
	v10 =	vld.idx.msk [tilespmem:v1+s30+$0x0], $0xffff  }
0x23d: {  	_ =	sdelay $0x2  }
0x23e: {  	[tilespmem:s20+$0xA320] =	vst v12  }
0x23f: {  	v6 =	vld.idx.msk [tilespmem:v6+s31+$0x0], $0xffff;
	[tilespmem:s20+$0xA330] =	vst v11  }
0x240: {  	v5 =	vld.idx.msk [tilespmem:v5+s31+$0x0], $0xffff;
	[tilespmem:s20+$0xA340] =	vst v8  }
0x241: {  	v4 =	vld.idx.msk [tilespmem:v4+s31+$0x0], $0xffff;
	[tilespmem:s20+$0xE370] =	vst v9  }
0x242: {  	v3 =	vld.idx.msk [tilespmem:v3+s31+$0x0], $0xffff;
	[tilespmem:s20+$0xA350] =	vst v7  }
0x243: {  	v2 =	vld.idx.msk [tilespmem:v2+s31+$0x0], $0xffff;
	[tilespmem:s20+$0xA360] =	vst v10  }
0x244: {  	v0 =	vld.idx.msk [tilespmem:v0+s31+$0x0], $0xffff;
	[tilespmem:s20+$0xE300] =	vst v6  }
0x245: {  	[tilespmem:s20+$0xE310] =	vst v5;
	v1 =	vld.idx.msk [tilespmem:v1+s31+$0x0], $0xffff  }
0x246: {  	[tilespmem:s20+$0xE320] =	vst v4  }
0x247: {  	[tilespmem:s20+$0xE330] =	vst v3  }
0x248: {  	[tilespmem:s20+$0xE340] =	vst v2  }
0x249: {  	[tilespmem:s20+$0xE350] =	vst v0  }
0x24a: {  	[tilespmem:s20+$0xE360] =	vst v1  }
0x24b: {  	s9 =	rddreg [dreg:$0x13]  }
0x24c: {  	[hbm4b:s9+s5] =	stream.linear.scatter [tilespmem:s13], [sflag:$0x4], $0x2000, $0x38;
	[tilespmem:$0x10300] =	vst v63  }
0x24d: {  	s24 =	rddreg [dreg:$0x14]  }
0x24e: {  	[hbm4b:s24+s5] =	stream.linear.scatter [tilespmem:s14], [sflag:$0x4], $0x2000, $0x38;
	[tilespmem:$0x10300] =	vst v63  }
0x24f: {  	s25 =	rddreg [dreg:$0x15]  }
0x250: {  	[hbm4b:s25+s5] =	stream.linear.scatter [tilespmem:s15], [sflag:$0x4], $0x2000, $0x38;
	[tilespmem:$0x10300] =	vst v63  }
0x251: {  	_ =	swait.ge [sflag:s16], $0x2000  }
0x252: {  	[sflag:s16] =	ssyncset.done $0x0  }
0x253: {  	[sflag:s16] =	ssyncadd.s32 $0xFFFFE000  }
0x254: {  	_ =	swait.ge [sflag:s16], $0x2000  }
0x255: {  	[sflag:s16] =	ssyncset.done $0x0  }
0x256: {  	[sflag:s16] =	ssyncadd.s32 $0xFFFFE000  }
0x257: {  	_ =	swait.ge [sflag:s16], $0x2000  }
0x258: {  	[sflag:s16] =	ssyncset.done $0x0  }
0x259: {  	[sflag:s16] =	ssyncadd.s32 $0xFFFFE000  }
0x25a: {  	_ =	swait.ge [sflag:s17], $0x2000  }
0x25b: {  	[sflag:s17] =	ssyncset.done $0x0  }
0x25c: {  	[sflag:s17] =	ssyncadd.s32 $0xFFFFE000  }
0x25d: {  	_ =	swait.ge [sflag:s17], $0x2000  }
0x25e: {  	[sflag:s17] =	ssyncset.done $0x0  }
0x25f: {  	[sflag:s17] =	ssyncadd.s32 $0xFFFFE000  }
0x260: {  	_ =	swait.ge [sflag:s17], $0x2000  }
0x261: {  	s10 =	rddreg [dreg:$0x17]  }
0x262: {  	s29 =	rddreg [dreg:$0x16];
	s10 =	sadd.s32 $0x1, s10  }
0x263: {  	p0 =	sne.s32 s10, s29  }
.Ltmp7:
0x264: {  	_ = 	snop;
	(pc) =	sbr.rel @p0 .LBB2_1-.Ltmp7, $3  }
0x265: {  	_ =	sdelay $0x1  }
0x266: {  	[sflag:s17] =	ssyncset.done $0x0  }
0x267: {  	[sflag:s17] =	ssyncadd.s32 $0xFFFFE000  }
0x268: {  	_ =	sfence.sel $0x180000  }
0x269: {  	[bflag:$0x0] =	sbarrier.arrive $0xFFFF  }
0x26a: {  	_ =	strace $0x90000047  }
0x26b: {  	s0 =	stileid.u32;
	[bflag:$0x2] =	sbarrier.arrive $0xFFFF  }
0x26c: {  	p0 =	sne.s32 s0, $0x0;
	s0 =	rddreg [dreg:$0x3]  }
0x26d: {  	s0 =	sadd.s32 @!p0 $0x100000, s0  }
0x26e: {  	[sflag:s0] =	ssyncadd.tile.s32 @!p0 $0x1;
	_ =	shalt  }
.Lfunc_end2:
_tile_overlayer_lowered:
.L_overlay_start_2:
0x26f: {  	(tag) =	ssettag $0x2  }
0x270: {  	s0 =	rddreg [dreg:$0x0];
	s2 =	stileid.u32  }
0x271: {  	s1 =	rddreg [dreg:$0x1];
	p0 =	sne.s32 s2, $0x0  }
0x272: {  	s3 =	rddreg [dreg:$0x2];
	[bflag:$0x3] =	sbarrier.arrive $0xFFFF;
	s2 =	simm.s32 @!p0 $0x1C05  }
0x273: {  	[timem:s3], [sflag:s2] =	dma.local @!p0 [hbm:s0], s1  }
0x274: {  	s0 =	simm.s32 @!p0 $0x5  }
0x275: {  	_ =	swait.ge @!p0 [sflag:s0], s1  }
0x276: {  	s1 =	ssub.s32 @!p0 $0x0, s1;
	[sflag:s0] =	ssyncset.done @!p0 $0x0  }
0x277: {  	[sflag:s0] =	ssyncadd.s32 @!p0 s1  }
0x278: {  	[bflag:$0x3] =	sbarrier.arrive $0xFFFF  }
0x279: {  	_ =	shalt  }

</sc_bundles>
